<compile_context>
chip_gen: v7x
topology: tpu7x:2x2x1
jax: 0.10.2.dev20260603
libtpu: 0.0.44.dev20260713+nightly
codegen_flags: <defaults>
</compile_context>

<pallas_src>
import jax
import jax.numpy as jnp
from jax import lax
from jax.experimental import pallas as pl
from jax.experimental.pallas import tpu as pltpu
from jax.experimental.pallas import tpu_sc as plsc

N = 160000
D = 256
NUM_BAGS = 10000

_CH = 128
_NCHUNK = N // _CH
_NW = 32
_BAGS_PAD = 10240
_ZSL = _BAGS_PAD // 16

_ROWS_PER_BLK = 8192
_BPC = _ROWS_PER_BLK // _CH

_SLICES = ((0, 704, 22), (704, 384, 12), (1088, 162, 6))



def _proj_body(x_ref, w_ref, idx_ref, y0_ref, y1_ref, idxp_ref):
    y = lax.dot_general(
        w_ref[...].astype(jnp.bfloat16), x_ref[...].astype(jnp.bfloat16),
        dimension_numbers=(((1,), (1,)), ((), ())),
        preferred_element_type=jnp.float32)
    y0_ref[...] = y[0:1, :]
    y1_ref[...] = y[1:2, :]
    idxp_ref[...] = idx_ref[...]


def _project(x, w, idx2d, blk0, nblk, ylen, ichunks):
    return pl.pallas_call(
        _proj_body,
        grid=(nblk,),
        in_specs=[
            pl.BlockSpec((_ROWS_PER_BLK, D), lambda i: (i + blk0, 0)),
            pl.BlockSpec((2, D), lambda i: (0, 0)),
            pl.BlockSpec((_BPC, _CH), lambda i: (i + blk0, 0)),
        ],
        out_specs=[
            pl.BlockSpec((1, _ROWS_PER_BLK), lambda i: (0, i)),
            pl.BlockSpec((1, _ROWS_PER_BLK), lambda i: (0, i)),
            pl.BlockSpec((_BPC, _CH), lambda i: (i, 0)),
        ],
        out_shape=[
            jax.ShapeDtypeStruct((1, ylen), jnp.float32),
            jax.ShapeDtypeStruct((1, ylen), jnp.float32),
            jax.ShapeDtypeStruct((ichunks, _CH), jnp.int32),
        ],
    )(x, w, idx2d)




def _spad(cpt):
    return (cpt + 7 + 7) // 8 * 8


def _make_segsum(cpt, scount, ylen):

    def body(idx_hbm, y0_hbm, y1_hbm, s0_hbm, s1_hbm, cnt_hbm,
             idx_v, y0_v, y1_v, ones_v, zeros_v, acc0, acc1, accc, sem0):
        cid = lax.axis_index("c")
        sid = lax.axis_index("s")
        wid = sid * 2 + cid

        base = wid * cpt
        nc = jnp.maximum(jnp.minimum(cpt, scount - base), 0)
        vstart = pl.multiple_of(
            jnp.maximum(jnp.minimum(base * _CH, ylen - cpt * _CH), 0), _CH)
        voff = base * _CH - vstart
        ibase = pl.multiple_of((base // 8) * 8, 8)
        ioff = base - ibase
        st0 = pltpu.async_copy(idx_hbm.at[pl.ds(ibase, _spad(cpt))], idx_v,
                               sem0)
        st1 = pltpu.async_copy(y0_hbm.at[0, pl.ds(vstart, cpt * _CH)],
                               y0_v, sem0)
        st2 = pltpu.async_copy(y1_hbm.at[0, pl.ds(vstart, cpt * _CH)],
                               y1_v, sem0)

        def zstore(i, _):
            zeros_v[pl.ds(i * 16, 16)] = jnp.zeros((16,), jnp.float32)
            return 0
        lax.fori_loop(0, _ZSL // 16, zstore, 0)
        for a in (acc0, acc1, accc):
            pltpu.sync_copy(zeros_v, a.at[pl.ds(sid * _ZSL, _ZSL)])

        def ostore(i, _):
            ones_v[pl.ds(i * 16, 16)] = jnp.ones((16,), jnp.float32)
            return 0
        lax.fori_loop(0, _CH // 16, ostore, 0)

        st0.wait()
        st1.wait()
        st2.wait()
        plsc.subcore_barrier()

        def fire(j, _):
            irow = idx_v.at[ioff + j]
            pltpu.async_copy(y0_v.at[pl.ds(voff + j * _CH, _CH)],
                             acc0.at[irow], sem0, add=True)
            pltpu.async_copy(y1_v.at[pl.ds(voff + j * _CH, _CH)],
                             acc1.at[irow], sem0, add=True)
            pltpu.async_copy(ones_v, accc.at[irow], sem0, add=True)
            return 0
        lax.fori_loop(0, nc, fire, 0)

        def drain(j, _):
            for _k in range(3):
                pltpu.make_async_copy(
                    y0_hbm.at[0, pl.ds(0, _CH)], y0_v.at[pl.ds(0, _CH)],
                    sem0).wait()
            return 0
        lax.fori_loop(0, nc, drain, 0)

        plsc.subcore_barrier()

        @pl.when(sid == 0)
        def _():
            e0 = pltpu.async_copy(
                acc0, s0_hbm.at[0, pl.ds(cid * _BAGS_PAD, _BAGS_PAD)], sem0)
            e1 = pltpu.async_copy(
                acc1, s1_hbm.at[0, pl.ds(cid * _BAGS_PAD, _BAGS_PAD)], sem0)
            e2 = pltpu.async_copy(
                accc, cnt_hbm.at[0, pl.ds(cid * _BAGS_PAD, _BAGS_PAD)], sem0)
            e0.wait()
            e1.wait()
            e2.wait()

    f32 = jnp.float32
    return pl.kernel(
        body,
        out_type=[
            jax.ShapeDtypeStruct((1, 2 * _BAGS_PAD), f32),
            jax.ShapeDtypeStruct((1, 2 * _BAGS_PAD), f32),
            jax.ShapeDtypeStruct((1, 2 * _BAGS_PAD), f32),
        ],
        mesh=plsc.VectorSubcoreMesh(
            core_axis_name="c", subcore_axis_name="s",
            num_cores=2, num_subcores=16),
        scratch_types=[
            pltpu.VMEM((_spad(cpt), _CH), jnp.int32),
            pltpu.VMEM((cpt * _CH,), f32),
            pltpu.VMEM((cpt * _CH,), f32),
            pltpu.VMEM((_CH,), f32),
            pltpu.VMEM((_ZSL,), f32),
            pltpu.VMEM_SHARED((_BAGS_PAD,), f32),
            pltpu.VMEM_SHARED((_BAGS_PAD,), f32),
            pltpu.VMEM_SHARED((_BAGS_PAD,), f32),
            pltpu.SemaphoreType.DMA,
        ],
    )


_segsums = [_make_segsum(cpt, cnt, min((g0 + cnt) * _CH, N) - g0 * _CH)
            for (g0, cnt, cpt) in _SLICES]




def _final_body(a0, a1, ac, b0, b1, bc, c0, c1, cc, b_ref, out_ref):
    def tot(r):
        return r[0:1, :_BAGS_PAD] + r[0:1, _BAGS_PAD:]
    t0 = tot(a0) + tot(b0) + tot(c0)
    t1 = tot(a1) + tot(b1) + tot(c1)
    c = tot(ac) + tot(bc) + tot(cc)
    denom = jnp.maximum(c, 1.0)
    l0 = t0 / denom + b_ref[0]
    l1 = t1 / denom + b_ref[1]
    m = jnp.maximum(l0, l1)
    e0 = jnp.exp(l0 - m)
    e1 = jnp.exp(l1 - m)
    s = e0 + e1
    out_ref[0:1, :] = e0 / s
    out_ref[1:2, :] = e1 / s


def _finalize(sa, sb, sc, b):
    return pl.pallas_call(
        _final_body,
        in_specs=[pl.BlockSpec(memory_space=pltpu.VMEM)] * 9
        + [pl.BlockSpec(memory_space=pltpu.SMEM)],
        out_shape=jax.ShapeDtypeStruct((2, _BAGS_PAD), jnp.float32),
    )(*sa, *sb, *sc, b)




@jax.jit
def kernel(bag_encoding, batch_indices, W, b):
    idx2d = batch_indices.astype(jnp.int32).reshape(_NCHUNK, _CH)
    parts = []
    for (g0, cnt, cpt), seg in zip(_SLICES, _segsums):
        ylen = min((g0 + cnt) * _CH, N) - g0 * _CH
        nblk = (cnt + _BPC - 1) // _BPC
        ich = nblk * _BPC
        if ich < _NW * cpt + 8:
            ich += _BPC
        y0, y1, idxp = _project(bag_encoding, W, idx2d,
                                g0 // _BPC, nblk, ylen, ich)
        parts.append(seg(idxp, y0, y1))
    probs = _finalize(parts[0], parts[1], parts[2], b)
    return probs.T[:NUM_BAGS, :]

# --- scband reference (transcript-rebuilt; emitter-appended) ---
"""Pipeline reference for scband-mean-aggergation-13752485282203 (READ-ONLY COPY).

The authoritative reference and input builder live on the scoring server;
editing this copy changes nothing except your own understanding.
"""

import jax, jax.numpy as jnp
import numpy as np

N = 160000
D = 256
NUM_BAGS = 10000

def setup_inputs(seed=0) -> dict:
    key = jax.random.key(seed)
    k1, k2, k3, k4 = jax.random.split(key, 4)
    bag_encoding = jax.random.normal(k1, (N, D), dtype=jnp.float32)
    batch_indices = jnp.sort(jax.random.randint(k2, (N,), 0, NUM_BAGS, dtype=jnp.int64))
    # ensure max index == NUM_BAGS-1 so num_bags is deterministic
    batch_indices = batch_indices.at[-1].set(NUM_BAGS - 1)
    # post-process Linear(encoding_size=256 -> 2) params
    W = jax.random.normal(k3, (2, D), dtype=jnp.float32) * (1.0 / np.sqrt(D))
    b = jax.random.normal(k4, (2,), dtype=jnp.float32) * 0.01
    return {"bag_encoding": bag_encoding, "batch_indices": batch_indices, "W": W, "b": b}

def reference(bag_encoding, batch_indices, W, b):
    # torch scatter_reduce_(dim=0, reduce='mean', include_self=False):
    # per-bag mean of src rows; bags with no elements keep initial value 0.
    num_bags = NUM_BAGS
    sums = jax.ops.segment_sum(bag_encoding, batch_indices, num_segments=num_bags)
    counts = jax.ops.segment_sum(
        jnp.ones((bag_encoding.shape[0],), dtype=bag_encoding.dtype),
        batch_indices, num_segments=num_bags)
    denom = jnp.maximum(counts, 1.0)[:, None]
    mean_elements = jnp.where(counts[:, None] > 0, sums / denom, 0.0)
    logits = mean_elements @ W.T + b
    return jax.nn.softmax(logits, axis=1)

if __name__ == "__main__":
    import jax
    _d = setup_inputs()
    print(jax.jit(kernel)(*tuple(_d.values())))

</pallas_src>

<mosaic_0001>
#map = affine_map<(d0, d1) -> (0, 0)>
module attributes {stable_mosaic.version = 14 : i64} {
  func.func @body(%arg0: i32, %arg1: i32, %arg2: memref<256x128xi32, #tpu.memory_space<hbm>>, %arg3: memref<1x20736xf32, #tpu.memory_space<hbm>>, %arg4: memref<1x20736xf32, #tpu.memory_space<hbm>>, %arg5: memref<1x20480xf32, #tpu.memory_space<hbm>>, %arg6: memref<1x20480xf32, #tpu.memory_space<hbm>>, %arg7: memref<1x20480xf32, #tpu.memory_space<hbm>>, %arg8: memref<16x128xi32, #tpu.memory_space<vmem>>, %arg9: memref<768xf32, #tpu.memory_space<vmem>>, %arg10: memref<768xf32, #tpu.memory_space<vmem>>, %arg11: memref<128xf32, #tpu.memory_space<vmem>>, %arg12: memref<640xf32, #tpu.memory_space<vmem>>, %arg13: memref<10240xf32, #tpu.memory_space<vmem_shared>>, %arg14: memref<10240xf32, #tpu.memory_space<vmem_shared>>, %arg15: memref<10240xf32, #tpu.memory_space<vmem_shared>>, %arg16: memref<!tpu.dma_semaphore, #tpu.memory_space<semaphore_mem>>) attributes {dimension_semantics = [#tpu.dimension_semantics<core_parallel>, #tpu.dimension_semantics<subcore_parallel>], iteration_bounds = array<i64: 2, 16>, scalar_prefetch = 0 : i64, scratch_operands = 9 : i64, tpu.core_type = #tpu.core_type<sc_vector_subcore>, window_params = [{transform_indices = #map}, {transform_indices = #map}, {transform_indices = #map}, {transform_indices = #map}, {transform_indices = #map}, {transform_indices = #map}]} {
    %mul3A = arith.constant 2 : i32
    %mul3A_0 = arith.muli %arg1, %mul3A : i32
    %add3A = arith.addi %mul3A_0, %arg0 : i32
    %mul3A_1 = arith.constant 6 : i32
    %mul3A_2 = arith.muli %add3A, %mul3A_1 : i32
    %sub3A = arith.constant 162 : i32
    %sub3A_3 = arith.subi %sub3A, %mul3A_2 : i32
    %min3A = arith.constant 6 : i32
    %min3A_4 = arith.minsi %min3A, %sub3A_3 : i32
    %max3A = arith.constant 0 : i32
    %max3A_5 = arith.maxsi %min3A_4, %max3A : i32
    %mul3A_6 = arith.constant 128 : i32
    %mul3A_7 = arith.muli %mul3A_2, %mul3A_6 : i32
    %min3A_8 = arith.constant 19968 : i32
    %min3A_9 = arith.minsi %mul3A_7, %min3A_8 : i32
    %max3A_10 = arith.constant 0 : i32
    %max3A_11 = arith.maxsi %min3A_9, %max3A_10 : i32
    %multiple_of3A = tpu.assume_multiple %max3A_11, 128 : i32
    %mul3A_12 = arith.constant 128 : i32
    %mul3A_13 = arith.muli %mul3A_2, %mul3A_12 : i32
    %sub3A_14 = arith.subi %mul3A_13, %multiple_of3A : i32
    %jit3A = arith.constant 8 : i32
    %div3A = arith.divsi %mul3A_2, %jit3A : i32
    %sign3A = arith.constant 0 : i32
    %sign3A_15 = arith.cmpi sgt, %mul3A_2, %sign3A : i32
    %sign3A_16 = arith.extui %sign3A_15 : i1 to i32
    %sign3A_17 = arith.constant 0 : i32
    %sign3A_18 = arith.cmpi slt, %mul3A_2, %sign3A_17 : i32
    %sign3A_19 = arith.extui %sign3A_18 : i1 to i32
    %sign3A_20 = arith.subi %sign3A_16, %sign3A_19 : i32
    %sign3A_21 = arith.constant 0 : i32
    %sign3A_22 = arith.cmpi sgt, %jit3A, %sign3A_21 : i32
    %sign3A_23 = arith.extui %sign3A_22 : i1 to i32
    %sign3A_24 = arith.constant 0 : i32
    %sign3A_25 = arith.cmpi slt, %jit3A, %sign3A_24 : i32
    %sign3A_26 = arith.extui %sign3A_25 : i1 to i32
    %sign3A_27 = arith.subi %sign3A_23, %sign3A_26 : i32
    %ne3A = arith.cmpi ne, %sign3A_20, %sign3A_27 : i32
    %rem3A = arith.remsi %mul3A_2, %jit3A : i32
    %ne3A_28 = arith.constant 0 : i32
    %ne3A_29 = arith.cmpi ne, %rem3A, %ne3A_28 : i32
    %and3A = arith.andi %ne3A, %ne3A_29 : i1
    %sub3A_30 = arith.constant 1 : i32
    %sub3A_31 = arith.subi %div3A, %sub3A_30 : i32
    %select_n3A = arith.select %and3A, %sub3A_31, %div3A : i32
    %mul3A_32 = arith.constant 8 : i32
    %mul3A_33 = arith.muli %select_n3A, %mul3A_32 : i32
    %multiple_of3A_34 = tpu.assume_multiple %mul3A_33, 8 : i32
    %sub3A_35 = arith.subi %mul3A_2, %multiple_of3A_34 : i32
    %dma_start3A = arith.constant 0 : i32
    %dma_start3A_36 = tpu.memref_slice %arg2[%multiple_of3A_34, %dma_start3A] : memref<256x128xi32, #tpu.memory_space<hbm>> -> memref<16x128xi32, #tpu.memory_space<hbm>>
    %dma_start3A_37 = arith.constant 0 : i32
    %dma_start3A_38 = tpu.memref_slice %arg2[%multiple_of3A_34, %dma_start3A_37] : memref<256x128xi32, #tpu.memory_space<hbm>> -> memref<16x128xi32, #tpu.memory_space<hbm>>
    tpu.enqueue_dma source(%dma_start3A_38 : memref<16x128xi32, #tpu.memory_space<hbm>>) target(%arg8 : memref<16x128xi32, #tpu.memory_space<vmem>>) target_semaphore(%arg16 : memref<!tpu.dma_semaphore, #tpu.memory_space<semaphore_mem>>)
    %dma_start3A_39 = arith.constant 0 : i32
    %dma_start3A_40 = tpu.memref_slice %arg3[%dma_start3A_39, %multiple_of3A] : memref<1x20736xf32, #tpu.memory_space<hbm>> -> memref<1x768xf32, #tpu.memory_space<hbm>>
    %dma_start3A_41 = tpu.memref_squeeze %dma_start3A_40 : memref<1x768xf32, #tpu.memory_space<hbm>> -> memref<768xf32, #tpu.memory_space<hbm>>
    %dma_start3A_42 = tpu.memref_slice %arg3[%dma_start3A_39, %multiple_of3A] : memref<1x20736xf32, #tpu.memory_space<hbm>> -> memref<1x768xf32, #tpu.memory_space<hbm>>
    %dma_start3A_43 = tpu.memref_squeeze %dma_start3A_42 : memref<1x768xf32, #tpu.memory_space<hbm>> -> memref<768xf32, #tpu.memory_space<hbm>>
    tpu.enqueue_dma source(%dma_start3A_43 : memref<768xf32, #tpu.memory_space<hbm>>) target(%arg9 : memref<768xf32, #tpu.memory_space<vmem>>) target_semaphore(%arg16 : memref<!tpu.dma_semaphore, #tpu.memory_space<semaphore_mem>>)
    %dma_start3A_44 = arith.constant 0 : i32
    %dma_start3A_45 = tpu.memref_slice %arg4[%dma_start3A_44, %multiple_of3A] : memref<1x20736xf32, #tpu.memory_space<hbm>> -> memref<1x768xf32, #tpu.memory_space<hbm>>
    %dma_start3A_46 = tpu.memref_squeeze %dma_start3A_45 : memref<1x768xf32, #tpu.memory_space<hbm>> -> memref<768xf32, #tpu.memory_space<hbm>>
    %dma_start3A_47 = tpu.memref_slice %arg4[%dma_start3A_44, %multiple_of3A] : memref<1x20736xf32, #tpu.memory_space<hbm>> -> memref<1x768xf32, #tpu.memory_space<hbm>>
    %dma_start3A_48 = tpu.memref_squeeze %dma_start3A_47 : memref<1x768xf32, #tpu.memory_space<hbm>> -> memref<768xf32, #tpu.memory_space<hbm>>
    tpu.enqueue_dma source(%dma_start3A_48 : memref<768xf32, #tpu.memory_space<hbm>>) target(%arg10 : memref<768xf32, #tpu.memory_space<vmem>>) target_semaphore(%arg16 : memref<!tpu.dma_semaphore, #tpu.memory_space<semaphore_mem>>)
    %scan3A = arith.constant 0 : i32
    %scan3A_49 = arith.constant 0 : i32
    %scan3A_50 = arith.constant 40 : i32
    %scan3A_51 = arith.addi %scan3A_49, %scan3A_50 : i32
    %scan3A_52 = arith.constant 1 : i32
    %scan3A_53 = scf.for %scan3A_107 = %scan3A_49 to %scan3A_51 step %scan3A_52 iter_args(%scan3A_108 = %scan3A) -> (i32)  : i32 {
      %broadcast_in_dim3A = arith.constant 0.000000e+00 : f32
      %broadcast_in_dim3A_109 = vector.broadcast %broadcast_in_dim3A : f32 to vector<16xf32>
      %mul3A_110 = arith.constant 16 : i32
      %mul3A_111 = arith.muli %scan3A_107, %mul3A_110 : i32
      %swap3A = arith.index_cast %mul3A_111 : i32 to index
      %swap3A_112 = tpu.vector_load %arg12[%swap3A] {strides = array<i32>} : memref<640xf32, #tpu.memory_space<vmem>>, vector<16xf32>,
      %swap3A_113 = vector.shape_cast %swap3A_112 : vector<16xf32> to vector<16xf32>
      %swap3A_114 = vector.shape_cast %broadcast_in_dim3A_109 : vector<16xf32> to vector<16xf32>
      tpu.vector_store %arg12[%swap3A], %swap3A_114 {strides = array<i32>} : memref<640xf32, #tpu.memory_space<vmem>>, vector<16xf32>,
      %scan3A_115 = arith.constant 0 : i32
      scf.yield %scan3A_115 : i32
    }
    %scan3A_54 = arith.constant 40 : i32
    %mul3A_55 = arith.constant 640 : i32
    %mul3A_56 = arith.muli %arg1, %mul3A_55 : i32
    "tpu.region"() ({
      %run_scoped3A = tpu.sem_alloc : memref<!tpu.dma_semaphore, #tpu.memory_space<semaphore_mem>>
      %dma_start3A_107 = tpu.memref_slice %arg13[%mul3A_56] : memref<10240xf32, #tpu.memory_space<vmem_shared>> -> memref<640xf32, #tpu.memory_space<vmem_shared>>
      %dma_start3A_108 = tpu.memref_slice %arg13[%mul3A_56] : memref<10240xf32, #tpu.memory_space<vmem_shared>> -> memref<640xf32, #tpu.memory_space<vmem_shared>>
      tpu.enqueue_dma source(%arg12 : memref<640xf32, #tpu.memory_space<vmem>>) target(%dma_start3A_108 : memref<640xf32, #tpu.memory_space<vmem_shared>>) target_semaphore(%run_scoped3A : memref<!tpu.dma_semaphore, #tpu.memory_space<semaphore_mem>>)
      %dma_wait3A_109 = tpu.memref_slice %arg13[%mul3A_56] : memref<10240xf32, #tpu.memory_space<vmem_shared>> -> memref<640xf32, #tpu.memory_space<vmem_shared>>
      %dma_wait3A_110 = tpu.memref_slice %arg13[%mul3A_56] : memref<10240xf32, #tpu.memory_space<vmem_shared>> -> memref<640xf32, #tpu.memory_space<vmem_shared>>
      tpu.wait_dma2 semaphore(%run_scoped3A : memref<!tpu.dma_semaphore, #tpu.memory_space<semaphore_mem>>) src(%arg12 : memref<640xf32, #tpu.memory_space<vmem>>) dst(%dma_wait3A_110 : memref<640xf32, #tpu.memory_space<vmem_shared>>)
      tpu.yield
    }) : () -> ()
    %mul3A_57 = arith.constant 640 : i32
    %mul3A_58 = arith.muli %arg1, %mul3A_57 : i32
    "tpu.region"() ({
      %run_scoped3A = tpu.sem_alloc : memref<!tpu.dma_semaphore, #tpu.memory_space<semaphore_mem>>
      %dma_start3A_107 = tpu.memref_slice %arg14[%mul3A_58] : memref<10240xf32, #tpu.memory_space<vmem_shared>> -> memref<640xf32, #tpu.memory_space<vmem_shared>>
      %dma_start3A_108 = tpu.memref_slice %arg14[%mul3A_58] : memref<10240xf32, #tpu.memory_space<vmem_shared>> -> memref<640xf32, #tpu.memory_space<vmem_shared>>
      tpu.enqueue_dma source(%arg12 : memref<640xf32, #tpu.memory_space<vmem>>) target(%dma_start3A_108 : memref<640xf32, #tpu.memory_space<vmem_shared>>) target_semaphore(%run_scoped3A : memref<!tpu.dma_semaphore, #tpu.memory_space<semaphore_mem>>)
      %dma_wait3A_109 = tpu.memref_slice %arg14[%mul3A_58] : memref<10240xf32, #tpu.memory_space<vmem_shared>> -> memref<640xf32, #tpu.memory_space<vmem_shared>>
      %dma_wait3A_110 = tpu.memref_slice %arg14[%mul3A_58] : memref<10240xf32, #tpu.memory_space<vmem_shared>> -> memref<640xf32, #tpu.memory_space<vmem_shared>>
      tpu.wait_dma2 semaphore(%run_scoped3A : memref<!tpu.dma_semaphore, #tpu.memory_space<semaphore_mem>>) src(%arg12 : memref<640xf32, #tpu.memory_space<vmem>>) dst(%dma_wait3A_110 : memref<640xf32, #tpu.memory_space<vmem_shared>>)
      tpu.yield
    }) : () -> ()
    %mul3A_59 = arith.constant 640 : i32
    %mul3A_60 = arith.muli %arg1, %mul3A_59 : i32
    "tpu.region"() ({
      %run_scoped3A = tpu.sem_alloc : memref<!tpu.dma_semaphore, #tpu.memory_space<semaphore_mem>>
      %dma_start3A_107 = tpu.memref_slice %arg15[%mul3A_60] : memref<10240xf32, #tpu.memory_space<vmem_shared>> -> memref<640xf32, #tpu.memory_space<vmem_shared>>
      %dma_start3A_108 = tpu.memref_slice %arg15[%mul3A_60] : memref<10240xf32, #tpu.memory_space<vmem_shared>> -> memref<640xf32, #tpu.memory_space<vmem_shared>>
      tpu.enqueue_dma source(%arg12 : memref<640xf32, #tpu.memory_space<vmem>>) target(%dma_start3A_108 : memref<640xf32, #tpu.memory_space<vmem_shared>>) target_semaphore(%run_scoped3A : memref<!tpu.dma_semaphore, #tpu.memory_space<semaphore_mem>>)
      %dma_wait3A_109 = tpu.memref_slice %arg15[%mul3A_60] : memref<10240xf32, #tpu.memory_space<vmem_shared>> -> memref<640xf32, #tpu.memory_space<vmem_shared>>
      %dma_wait3A_110 = tpu.memref_slice %arg15[%mul3A_60] : memref<10240xf32, #tpu.memory_space<vmem_shared>> -> memref<640xf32, #tpu.memory_space<vmem_shared>>
      tpu.wait_dma2 semaphore(%run_scoped3A : memref<!tpu.dma_semaphore, #tpu.memory_space<semaphore_mem>>) src(%arg12 : memref<640xf32, #tpu.memory_space<vmem>>) dst(%dma_wait3A_110 : memref<640xf32, #tpu.memory_space<vmem_shared>>)
      tpu.yield
    }) : () -> ()
    %scan3A_61 = arith.constant 0 : i32
    %scan3A_62 = arith.constant 0 : i32
    %scan3A_63 = arith.constant 8 : i32
    %scan3A_64 = arith.addi %scan3A_62, %scan3A_63 : i32
    %scan3A_65 = arith.constant 1 : i32
    %scan3A_66 = scf.for %scan3A_107 = %scan3A_62 to %scan3A_64 step %scan3A_65 iter_args(%scan3A_108 = %scan3A_61) -> (i32)  : i32 {
      %broadcast_in_dim3A = arith.constant 1.000000e+00 : f32
      %broadcast_in_dim3A_109 = vector.broadcast %broadcast_in_dim3A : f32 to vector<16xf32>
      %mul3A_110 = arith.constant 16 : i32
      %mul3A_111 = arith.muli %scan3A_107, %mul3A_110 : i32
      %swap3A = arith.index_cast %mul3A_111 : i32 to index
      %swap3A_112 = tpu.vector_load %arg11[%swap3A] {strides = array<i32>} : memref<128xf32, #tpu.memory_space<vmem>>, vector<16xf32>,
      %swap3A_113 = vector.shape_cast %swap3A_112 : vector<16xf32> to vector<16xf32>
      %swap3A_114 = vector.shape_cast %broadcast_in_dim3A_109 : vector<16xf32> to vector<16xf32>
      tpu.vector_store %arg11[%swap3A], %swap3A_114 {strides = array<i32>} : memref<128xf32, #tpu.memory_space<vmem>>, vector<16xf32>,
      %scan3A_115 = arith.constant 0 : i32
      scf.yield %scan3A_115 : i32
    }
    %scan3A_67 = arith.constant 8 : i32
    %dma_wait3A = arith.constant 0 : i32
    %dma_wait3A_68 = tpu.memref_slice %arg2[%multiple_of3A_34, %dma_wait3A] : memref<256x128xi32, #tpu.memory_space<hbm>> -> memref<16x128xi32, #tpu.memory_space<hbm>>
    %dma_wait3A_69 = arith.constant 0 : i32
    %dma_wait3A_70 = tpu.memref_slice %arg2[%multiple_of3A_34, %dma_wait3A_69] : memref<256x128xi32, #tpu.memory_space<hbm>> -> memref<16x128xi32, #tpu.memory_space<hbm>>
    tpu.wait_dma2 semaphore(%arg16 : memref<!tpu.dma_semaphore, #tpu.memory_space<semaphore_mem>>) src(%dma_wait3A_70 : memref<16x128xi32, #tpu.memory_space<hbm>>) dst(%arg8 : memref<16x128xi32, #tpu.memory_space<vmem>>)
    %dma_wait3A_71 = arith.constant 0 : i32
    %dma_wait3A_72 = tpu.memref_slice %arg3[%dma_wait3A_71, %multiple_of3A] : memref<1x20736xf32, #tpu.memory_space<hbm>> -> memref<1x768xf32, #tpu.memory_space<hbm>>
    %dma_wait3A_73 = tpu.memref_squeeze %dma_wait3A_72 : memref<1x768xf32, #tpu.memory_space<hbm>> -> memref<768xf32, #tpu.memory_space<hbm>>
    %dma_wait3A_74 = tpu.memref_slice %arg3[%dma_wait3A_71, %multiple_of3A] : memref<1x20736xf32, #tpu.memory_space<hbm>> -> memref<1x768xf32, #tpu.memory_space<hbm>>
    %dma_wait3A_75 = tpu.memref_squeeze %dma_wait3A_74 : memref<1x768xf32, #tpu.memory_space<hbm>> -> memref<768xf32, #tpu.memory_space<hbm>>
    tpu.wait_dma2 semaphore(%arg16 : memref<!tpu.dma_semaphore, #tpu.memory_space<semaphore_mem>>) src(%dma_wait3A_75 : memref<768xf32, #tpu.memory_space<hbm>>) dst(%arg9 : memref<768xf32, #tpu.memory_space<vmem>>)
    %dma_wait3A_76 = arith.constant 0 : i32
    %dma_wait3A_77 = tpu.memref_slice %arg4[%dma_wait3A_76, %multiple_of3A] : memref<1x20736xf32, #tpu.memory_space<hbm>> -> memref<1x768xf32, #tpu.memory_space<hbm>>
    %dma_wait3A_78 = tpu.memref_squeeze %dma_wait3A_77 : memref<1x768xf32, #tpu.memory_space<hbm>> -> memref<768xf32, #tpu.memory_space<hbm>>
    %dma_wait3A_79 = tpu.memref_slice %arg4[%dma_wait3A_76, %multiple_of3A] : memref<1x20736xf32, #tpu.memory_space<hbm>> -> memref<1x768xf32, #tpu.memory_space<hbm>>
    %dma_wait3A_80 = tpu.memref_squeeze %dma_wait3A_79 : memref<1x768xf32, #tpu.memory_space<hbm>> -> memref<768xf32, #tpu.memory_space<hbm>>
    tpu.wait_dma2 semaphore(%arg16 : memref<!tpu.dma_semaphore, #tpu.memory_space<semaphore_mem>>) src(%dma_wait3A_80 : memref<768xf32, #tpu.memory_space<hbm>>) dst(%arg10 : memref<768xf32, #tpu.memory_space<vmem>>)
    %barrier3A = arith.constant 0 : index
    tpu.barrier barrier_id(%barrier3A)
    %while3A = arith.constant 0 : i32
    %while3A_81 = arith.constant 0 : i32
    %while3A_82 = arith.subi %max3A_5, %while3A : i32
    %while3A_83 = arith.addi %while3A, %while3A_82 : i32
    %while3A_84 = arith.constant 1 : i32
    %while3A_85 = arith.divsi %while3A_82, %while3A_84 : i32
    %while3A_86 = arith.muli %while3A_85, %while3A_84 : i32
    %while3A_87 = arith.addi %while3A, %while3A_86 : i32
    %while3A_88 = arith.constant 1 : i32
    %while3A_89 = scf.for %while3A_107 = %while3A to %while3A_87 step %while3A_88 iter_args(%while3A_108 = %while3A_81) -> (i32)  : i32 {
      %add3A_109 = arith.addi %sub3A_35, %while3A_107 : i32
      %mul3A_110 = arith.constant 128 : i32
      %mul3A_111 = arith.muli %while3A_107, %mul3A_110 : i32
      %add3A_112 = arith.addi %sub3A_14, %mul3A_111 : i32
      %dma_start3A_113 = tpu.memref_slice %arg9[%add3A_112] : memref<768xf32, #tpu.memory_space<vmem>> -> memref<128xf32, #tpu.memory_space<vmem>>
      %dma_start3A_114 = arith.constant 0 : i32
      %dma_start3A_115 = tpu.memref_slice %arg8[%add3A_109, %dma_start3A_114] : memref<16x128xi32, #tpu.memory_space<vmem>> -> memref<1x128xi32, #tpu.memory_space<vmem>>
      %dma_start3A_116 = tpu.memref_squeeze %dma_start3A_115 : memref<1x128xi32, #tpu.memory_space<vmem>> -> memref<128xi32, #tpu.memory_space<vmem>>
      %dma_start3A_117 = arith.constant 0 : i32
      %dma_start3A_118 = tpu.memref_slice %arg13[%dma_start3A_117] : memref<10240xf32, #tpu.memory_space<vmem_shared>> -> memref<10240xf32, #tpu.memory_space<vmem_shared>>
      tpu.enqueue_indirect_dma source(%dma_start3A_113 : memref<128xf32, #tpu.memory_space<vmem>>) target(%dma_start3A_118 : memref<10240xf32, #tpu.memory_space<vmem_shared>>) offsets(%dma_start3A_116 : memref<128xi32, #tpu.memory_space<vmem>>) semaphore(%arg16 : memref<!tpu.dma_semaphore, #tpu.memory_space<semaphore_mem>>) {add = true}
      %mul3A_119 = arith.constant 128 : i32
      %mul3A_120 = arith.muli %while3A_107, %mul3A_119 : i32
      %add3A_121 = arith.addi %sub3A_14, %mul3A_120 : i32
      %dma_start3A_122 = tpu.memref_slice %arg10[%add3A_121] : memref<768xf32, #tpu.memory_space<vmem>> -> memref<128xf32, #tpu.memory_space<vmem>>
      %dma_start3A_123 = arith.constant 0 : i32
      %dma_start3A_124 = tpu.memref_slice %arg8[%add3A_109, %dma_start3A_123] : memref<16x128xi32, #tpu.memory_space<vmem>> -> memref<1x128xi32, #tpu.memory_space<vmem>>
      %dma_start3A_125 = tpu.memref_squeeze %dma_start3A_124 : memref<1x128xi32, #tpu.memory_space<vmem>> -> memref<128xi32, #tpu.memory_space<vmem>>
      %dma_start3A_126 = arith.constant 0 : i32
      %dma_start3A_127 = tpu.memref_slice %arg14[%dma_start3A_126] : memref<10240xf32, #tpu.memory_space<vmem_shared>> -> memref<10240xf32, #tpu.memory_space<vmem_shared>>
      tpu.enqueue_indirect_dma source(%dma_start3A_122 : memref<128xf32, #tpu.memory_space<vmem>>) target(%dma_start3A_127 : memref<10240xf32, #tpu.memory_space<vmem_shared>>) offsets(%dma_start3A_125 : memref<128xi32, #tpu.memory_space<vmem>>) semaphore(%arg16 : memref<!tpu.dma_semaphore, #tpu.memory_space<semaphore_mem>>) {add = true}
      %dma_start3A_128 = arith.constant 0 : i32
      %dma_start3A_129 = tpu.memref_slice %arg8[%add3A_109, %dma_start3A_128] : memref<16x128xi32, #tpu.memory_space<vmem>> -> memref<1x128xi32, #tpu.memory_space<vmem>>
      %dma_start3A_130 = tpu.memref_squeeze %dma_start3A_129 : memref<1x128xi32, #tpu.memory_space<vmem>> -> memref<128xi32, #tpu.memory_space<vmem>>
      %dma_start3A_131 = arith.constant 0 : i32
      %dma_start3A_132 = tpu.memref_slice %arg15[%dma_start3A_131] : memref<10240xf32, #tpu.memory_space<vmem_shared>> -> memref<10240xf32, #tpu.memory_space<vmem_shared>>
      tpu.enqueue_indirect_dma source(%arg11 : memref<128xf32, #tpu.memory_space<vmem>>) target(%dma_start3A_132 : memref<10240xf32, #tpu.memory_space<vmem_shared>>) offsets(%dma_start3A_130 : memref<128xi32, #tpu.memory_space<vmem>>) semaphore(%arg16 : memref<!tpu.dma_semaphore, #tpu.memory_space<semaphore_mem>>) {add = true}
      %while3A_133 = arith.constant 0 : i32
      scf.yield %while3A_133 : i32
    }
    %while3A_90 = arith.constant 1 : i32
    %while3A_91 = scf.for %while3A_107 = %while3A_87 to %while3A_83 step %while3A_90 iter_args(%while3A_108 = %while3A_89) -> (i32)  : i32 {
      %add3A_109 = arith.addi %sub3A_35, %while3A_107 : i32
      %mul3A_110 = arith.constant 128 : i32
      %mul3A_111 = arith.muli %while3A_107, %mul3A_110 : i32
      %add3A_112 = arith.addi %sub3A_14, %mul3A_111 : i32
      %dma_start3A_113 = tpu.memref_slice %arg9[%add3A_112] : memref<768xf32, #tpu.memory_space<vmem>> -> memref<128xf32, #tpu.memory_space<vmem>>
      %dma_start3A_114 = arith.constant 0 : i32
      %dma_start3A_115 = tpu.memref_slice %arg8[%add3A_109, %dma_start3A_114] : memref<16x128xi32, #tpu.memory_space<vmem>> -> memref<1x128xi32, #tpu.memory_space<vmem>>
      %dma_start3A_116 = tpu.memref_squeeze %dma_start3A_115 : memref<1x128xi32, #tpu.memory_space<vmem>> -> memref<128xi32, #tpu.memory_space<vmem>>
      %dma_start3A_117 = arith.constant 0 : i32
      %dma_start3A_118 = tpu.memref_slice %arg13[%dma_start3A_117] : memref<10240xf32, #tpu.memory_space<vmem_shared>> -> memref<10240xf32, #tpu.memory_space<vmem_shared>>
      tpu.enqueue_indirect_dma source(%dma_start3A_113 : memref<128xf32, #tpu.memory_space<vmem>>) target(%dma_start3A_118 : memref<10240xf32, #tpu.memory_space<vmem_shared>>) offsets(%dma_start3A_116 : memref<128xi32, #tpu.memory_space<vmem>>) semaphore(%arg16 : memref<!tpu.dma_semaphore, #tpu.memory_space<semaphore_mem>>) {add = true}
      %mul3A_119 = arith.constant 128 : i32
      %mul3A_120 = arith.muli %while3A_107, %mul3A_119 : i32
      %add3A_121 = arith.addi %sub3A_14, %mul3A_120 : i32
      %dma_start3A_122 = tpu.memref_slice %arg10[%add3A_121] : memref<768xf32, #tpu.memory_space<vmem>> -> memref<128xf32, #tpu.memory_space<vmem>>
      %dma_start3A_123 = arith.constant 0 : i32
      %dma_start3A_124 = tpu.memref_slice %arg8[%add3A_109, %dma_start3A_123] : memref<16x128xi32, #tpu.memory_space<vmem>> -> memref<1x128xi32, #tpu.memory_space<vmem>>
      %dma_start3A_125 = tpu.memref_squeeze %dma_start3A_124 : memref<1x128xi32, #tpu.memory_space<vmem>> -> memref<128xi32, #tpu.memory_space<vmem>>
      %dma_start3A_126 = arith.constant 0 : i32
      %dma_start3A_127 = tpu.memref_slice %arg14[%dma_start3A_126] : memref<10240xf32, #tpu.memory_space<vmem_shared>> -> memref<10240xf32, #tpu.memory_space<vmem_shared>>
      tpu.enqueue_indirect_dma source(%dma_start3A_122 : memref<128xf32, #tpu.memory_space<vmem>>) target(%dma_start3A_127 : memref<10240xf32, #tpu.memory_space<vmem_shared>>) offsets(%dma_start3A_125 : memref<128xi32, #tpu.memory_space<vmem>>) semaphore(%arg16 : memref<!tpu.dma_semaphore, #tpu.memory_space<semaphore_mem>>) {add = true}
      %dma_start3A_128 = arith.constant 0 : i32
      %dma_start3A_129 = tpu.memref_slice %arg8[%add3A_109, %dma_start3A_128] : memref<16x128xi32, #tpu.memory_space<vmem>> -> memref<1x128xi32, #tpu.memory_space<vmem>>
      %dma_start3A_130 = tpu.memref_squeeze %dma_start3A_129 : memref<1x128xi32, #tpu.memory_space<vmem>> -> memref<128xi32, #tpu.memory_space<vmem>>
      %dma_start3A_131 = arith.constant 0 : i32
      %dma_start3A_132 = tpu.memref_slice %arg15[%dma_start3A_131] : memref<10240xf32, #tpu.memory_space<vmem_shared>> -> memref<10240xf32, #tpu.memory_space<vmem_shared>>
      tpu.enqueue_indirect_dma source(%arg11 : memref<128xf32, #tpu.memory_space<vmem>>) target(%dma_start3A_132 : memref<10240xf32, #tpu.memory_space<vmem_shared>>) offsets(%dma_start3A_130 : memref<128xi32, #tpu.memory_space<vmem>>) semaphore(%arg16 : memref<!tpu.dma_semaphore, #tpu.memory_space<semaphore_mem>>) {add = true}
      %while3A_133 = arith.constant 0 : i32
      scf.yield %while3A_133 : i32
    }
    %while3A_92 = arith.constant 0 : i32
    %while3A_93 = arith.constant 0 : i32
    %while3A_94 = arith.subi %max3A_5, %while3A_92 : i32
    %while3A_95 = arith.addi %while3A_92, %while3A_94 : i32
    %while3A_96 = arith.constant 1 : i32
    %while3A_97 = arith.divsi %while3A_94, %while3A_96 : i32
    %while3A_98 = arith.muli %while3A_97, %while3A_96 : i32
    %while3A_99 = arith.addi %while3A_92, %while3A_98 : i32
    %while3A_100 = arith.constant 1 : i32
    %while3A_101 = scf.for %while3A_107 = %while3A_92 to %while3A_99 step %while3A_100 iter_args(%while3A_108 = %while3A_93) -> (i32)  : i32 {
      %dma_wait3A_109 = arith.constant 0 : i32
      %dma_wait3A_110 = arith.constant 0 : i32
      %dma_wait3A_111 = tpu.memref_slice %arg9[%dma_wait3A_110] : memref<768xf32, #tpu.memory_space<vmem>> -> memref<128xf32, #tpu.memory_space<vmem>>
      %dma_wait3A_112 = arith.constant 0 : i32
      %dma_wait3A_113 = tpu.memref_slice %arg3[%dma_wait3A_109, %dma_wait3A_112] : memref<1x20736xf32, #tpu.memory_space<hbm>> -> memref<1x128xf32, #tpu.memory_space<hbm>>
      %dma_wait3A_114 = tpu.memref_squeeze %dma_wait3A_113 : memref<1x128xf32, #tpu.memory_space<hbm>> -> memref<128xf32, #tpu.memory_space<hbm>>
      %dma_wait3A_115 = arith.constant 0 : i32
      %dma_wait3A_116 = tpu.memref_slice %arg9[%dma_wait3A_115] : memref<768xf32, #tpu.memory_space<vmem>> -> memref<128xf32, #tpu.memory_space<vmem>>
      %dma_wait3A_117 = arith.constant 0 : i32
      %dma_wait3A_118 = tpu.memref_slice %arg3[%dma_wait3A_109, %dma_wait3A_117] : memref<1x20736xf32, #tpu.memory_space<hbm>> -> memref<1x128xf32, #tpu.memory_space<hbm>>
      %dma_wait3A_119 = tpu.memref_squeeze %dma_wait3A_118 : memref<1x128xf32, #tpu.memory_space<hbm>> -> memref<128xf32, #tpu.memory_space<hbm>>
      tpu.wait_dma2 semaphore(%arg16 : memref<!tpu.dma_semaphore, #tpu.memory_space<semaphore_mem>>) src(%dma_wait3A_119 : memref<128xf32, #tpu.memory_space<hbm>>) dst(%dma_wait3A_116 : memref<128xf32, #tpu.memory_space<vmem>>)
      %dma_wait3A_120 = arith.constant 0 : i32
      %dma_wait3A_121 = arith.constant 0 : i32
      %dma_wait3A_122 = tpu.memref_slice %arg9[%dma_wait3A_121] : memref<768xf32, #tpu.memory_space<vmem>> -> memref<128xf32, #tpu.memory_space<vmem>>
      %dma_wait3A_123 = arith.constant 0 : i32
      %dma_wait3A_124 = tpu.memref_slice %arg3[%dma_wait3A_120, %dma_wait3A_123] : memref<1x20736xf32, #tpu.memory_space<hbm>> -> memref<1x128xf32, #tpu.memory_space<hbm>>
      %dma_wait3A_125 = tpu.memref_squeeze %dma_wait3A_124 : memref<1x128xf32, #tpu.memory_space<hbm>> -> memref<128xf32, #tpu.memory_space<hbm>>
      %dma_wait3A_126 = arith.constant 0 : i32
      %dma_wait3A_127 = tpu.memref_slice %arg9[%dma_wait3A_126] : memref<768xf32, #tpu.memory_space<vmem>> -> memref<128xf32, #tpu.memory_space<vmem>>
      %dma_wait3A_128 = arith.constant 0 : i32
      %dma_wait3A_129 = tpu.memref_slice %arg3[%dma_wait3A_120, %dma_wait3A_128] : memref<1x20736xf32, #tpu.memory_space<hbm>> -> memref<1x128xf32, #tpu.memory_space<hbm>>
      %dma_wait3A_130 = tpu.memref_squeeze %dma_wait3A_129 : memref<1x128xf32, #tpu.memory_space<hbm>> -> memref<128xf32, #tpu.memory_space<hbm>>
      tpu.wait_dma2 semaphore(%arg16 : memref<!tpu.dma_semaphore, #tpu.memory_space<semaphore_mem>>) src(%dma_wait3A_130 : memref<128xf32, #tpu.memory_space<hbm>>) dst(%dma_wait3A_127 : memref<128xf32, #tpu.memory_space<vmem>>)
      %dma_wait3A_131 = arith.constant 0 : i32
      %dma_wait3A_132 = arith.constant 0 : i32
      %dma_wait3A_133 = tpu.memref_slice %arg9[%dma_wait3A_132] : memref<768xf32, #tpu.memory_space<vmem>> -> memref<128xf32, #tpu.memory_space<vmem>>
      %dma_wait3A_134 = arith.constant 0 : i32
      %dma_wait3A_135 = tpu.memref_slice %arg3[%dma_wait3A_131, %dma_wait3A_134] : memref<1x20736xf32, #tpu.memory_space<hbm>> -> memref<1x128xf32, #tpu.memory_space<hbm>>
      %dma_wait3A_136 = tpu.memref_squeeze %dma_wait3A_135 : memref<1x128xf32, #tpu.memory_space<hbm>> -> memref<128xf32, #tpu.memory_space<hbm>>
      %dma_wait3A_137 = arith.constant 0 : i32
      %dma_wait3A_138 = tpu.memref_slice %arg9[%dma_wait3A_137] : memref<768xf32, #tpu.memory_space<vmem>> -> memref<128xf32, #tpu.memory_space<vmem>>
      %dma_wait3A_139 = arith.constant 0 : i32
      %dma_wait3A_140 = tpu.memref_slice %arg3[%dma_wait3A_131, %dma_wait3A_139] : memref<1x20736xf32, #tpu.memory_space<hbm>> -> memref<1x128xf32, #tpu.memory_space<hbm>>
      %dma_wait3A_141 = tpu.memref_squeeze %dma_wait3A_140 : memref<1x128xf32, #tpu.memory_space<hbm>> -> memref<128xf32, #tpu.memory_space<hbm>>
      tpu.wait_dma2 semaphore(%arg16 : memref<!tpu.dma_semaphore, #tpu.memory_space<semaphore_mem>>) src(%dma_wait3A_141 : memref<128xf32, #tpu.memory_space<hbm>>) dst(%dma_wait3A_138 : memref<128xf32, #tpu.memory_space<vmem>>)
      %while3A_142 = arith.constant 0 : i32
      scf.yield %while3A_142 : i32
    }
    %while3A_102 = arith.constant 1 : i32
    %while3A_103 = scf.for %while3A_107 = %while3A_99 to %while3A_95 step %while3A_102 iter_args(%while3A_108 = %while3A_101) -> (i32)  : i32 {
      %dma_wait3A_109 = arith.constant 0 : i32
      %dma_wait3A_110 = arith.constant 0 : i32
      %dma_wait3A_111 = tpu.memref_slice %arg9[%dma_wait3A_110] : memref<768xf32, #tpu.memory_space<vmem>> -> memref<128xf32, #tpu.memory_space<vmem>>
      %dma_wait3A_112 = arith.constant 0 : i32
      %dma_wait3A_113 = tpu.memref_slice %arg3[%dma_wait3A_109, %dma_wait3A_112] : memref<1x20736xf32, #tpu.memory_space<hbm>> -> memref<1x128xf32, #tpu.memory_space<hbm>>
      %dma_wait3A_114 = tpu.memref_squeeze %dma_wait3A_113 : memref<1x128xf32, #tpu.memory_space<hbm>> -> memref<128xf32, #tpu.memory_space<hbm>>
      %dma_wait3A_115 = arith.constant 0 : i32
      %dma_wait3A_116 = tpu.memref_slice %arg9[%dma_wait3A_115] : memref<768xf32, #tpu.memory_space<vmem>> -> memref<128xf32, #tpu.memory_space<vmem>>
      %dma_wait3A_117 = arith.constant 0 : i32
      %dma_wait3A_118 = tpu.memref_slice %arg3[%dma_wait3A_109, %dma_wait3A_117] : memref<1x20736xf32, #tpu.memory_space<hbm>> -> memref<1x128xf32, #tpu.memory_space<hbm>>
      %dma_wait3A_119 = tpu.memref_squeeze %dma_wait3A_118 : memref<1x128xf32, #tpu.memory_space<hbm>> -> memref<128xf32, #tpu.memory_space<hbm>>
      tpu.wait_dma2 semaphore(%arg16 : memref<!tpu.dma_semaphore, #tpu.memory_space<semaphore_mem>>) src(%dma_wait3A_119 : memref<128xf32, #tpu.memory_space<hbm>>) dst(%dma_wait3A_116 : memref<128xf32, #tpu.memory_space<vmem>>)
      %dma_wait3A_120 = arith.constant 0 : i32
      %dma_wait3A_121 = arith.constant 0 : i32
      %dma_wait3A_122 = tpu.memref_slice %arg9[%dma_wait3A_121] : memref<768xf32, #tpu.memory_space<vmem>> -> memref<128xf32, #tpu.memory_space<vmem>>
      %dma_wait3A_123 = arith.constant 0 : i32
      %dma_wait3A_124 = tpu.memref_slice %arg3[%dma_wait3A_120, %dma_wait3A_123] : memref<1x20736xf32, #tpu.memory_space<hbm>> -> memref<1x128xf32, #tpu.memory_space<hbm>>
      %dma_wait3A_125 = tpu.memref_squeeze %dma_wait3A_124 : memref<1x128xf32, #tpu.memory_space<hbm>> -> memref<128xf32, #tpu.memory_space<hbm>>
      %dma_wait3A_126 = arith.constant 0 : i32
      %dma_wait3A_127 = tpu.memref_slice %arg9[%dma_wait3A_126] : memref<768xf32, #tpu.memory_space<vmem>> -> memref<128xf32, #tpu.memory_space<vmem>>
      %dma_wait3A_128 = arith.constant 0 : i32
      %dma_wait3A_129 = tpu.memref_slice %arg3[%dma_wait3A_120, %dma_wait3A_128] : memref<1x20736xf32, #tpu.memory_space<hbm>> -> memref<1x128xf32, #tpu.memory_space<hbm>>
      %dma_wait3A_130 = tpu.memref_squeeze %dma_wait3A_129 : memref<1x128xf32, #tpu.memory_space<hbm>> -> memref<128xf32, #tpu.memory_space<hbm>>
      tpu.wait_dma2 semaphore(%arg16 : memref<!tpu.dma_semaphore, #tpu.memory_space<semaphore_mem>>) src(%dma_wait3A_130 : memref<128xf32, #tpu.memory_space<hbm>>) dst(%dma_wait3A_127 : memref<128xf32, #tpu.memory_space<vmem>>)
      %dma_wait3A_131 = arith.constant 0 : i32
      %dma_wait3A_132 = arith.constant 0 : i32
      %dma_wait3A_133 = tpu.memref_slice %arg9[%dma_wait3A_132] : memref<768xf32, #tpu.memory_space<vmem>> -> memref<128xf32, #tpu.memory_space<vmem>>
      %dma_wait3A_134 = arith.constant 0 : i32
      %dma_wait3A_135 = tpu.memref_slice %arg3[%dma_wait3A_131, %dma_wait3A_134] : memref<1x20736xf32, #tpu.memory_space<hbm>> -> memref<1x128xf32, #tpu.memory_space<hbm>>
      %dma_wait3A_136 = tpu.memref_squeeze %dma_wait3A_135 : memref<1x128xf32, #tpu.memory_space<hbm>> -> memref<128xf32, #tpu.memory_space<hbm>>
      %dma_wait3A_137 = arith.constant 0 : i32
      %dma_wait3A_138 = tpu.memref_slice %arg9[%dma_wait3A_137] : memref<768xf32, #tpu.memory_space<vmem>> -> memref<128xf32, #tpu.memory_space<vmem>>
      %dma_wait3A_139 = arith.constant 0 : i32
      %dma_wait3A_140 = tpu.memref_slice %arg3[%dma_wait3A_131, %dma_wait3A_139] : memref<1x20736xf32, #tpu.memory_space<hbm>> -> memref<1x128xf32, #tpu.memory_space<hbm>>
      %dma_wait3A_141 = tpu.memref_squeeze %dma_wait3A_140 : memref<1x128xf32, #tpu.memory_space<hbm>> -> memref<128xf32, #tpu.memory_space<hbm>>
      tpu.wait_dma2 semaphore(%arg16 : memref<!tpu.dma_semaphore, #tpu.memory_space<semaphore_mem>>) src(%dma_wait3A_141 : memref<128xf32, #tpu.memory_space<hbm>>) dst(%dma_wait3A_138 : memref<128xf32, #tpu.memory_space<vmem>>)
      %while3A_142 = arith.constant 0 : i32
      scf.yield %while3A_142 : i32
    }
    %barrier3A_104 = arith.constant 0 : index
    tpu.barrier barrier_id(%barrier3A_104)
    %eq3A = arith.constant 0 : i32
    %eq3A_105 = arith.cmpi eq, %arg1, %eq3A : i32
    %convert_element_type3A = arith.extui %eq3A_105 : i1 to i32
    %cond3A = arith.constant 0 : i32
    %cond3A_106 = arith.cmpi ne, %convert_element_type3A, %cond3A : i32
    scf.if %cond3A_106 {
      %mul3A_107 = arith.constant 10240 : i32
      %mul3A_108 = arith.muli %arg0, %mul3A_107 : i32
      %dma_start3A_109 = arith.constant 0 : i32
      %dma_start3A_110 = tpu.memref_slice %arg5[%dma_start3A_109, %mul3A_108] : memref<1x20480xf32, #tpu.memory_space<hbm>> -> memref<1x10240xf32, #tpu.memory_space<hbm>>
      %dma_start3A_111 = tpu.memref_squeeze %dma_start3A_110 : memref<1x10240xf32, #tpu.memory_space<hbm>> -> memref<10240xf32, #tpu.memory_space<hbm>>
      tpu.enqueue_dma source(%arg13 : memref<10240xf32, #tpu.memory_space<vmem_shared>>) target(%dma_start3A_111 : memref<10240xf32, #tpu.memory_space<hbm>>) target_semaphore(%arg16 : memref<!tpu.dma_semaphore, #tpu.memory_space<semaphore_mem>>)
      %mul3A_112 = arith.constant 10240 : i32
      %mul3A_113 = arith.muli %arg0, %mul3A_112 : i32
      %dma_start3A_114 = arith.constant 0 : i32
      %dma_start3A_115 = tpu.memref_slice %arg6[%dma_start3A_114, %mul3A_113] : memref<1x20480xf32, #tpu.memory_space<hbm>> -> memref<1x10240xf32, #tpu.memory_space<hbm>>
      %dma_start3A_116 = tpu.memref_squeeze %dma_start3A_115 : memref<1x10240xf32, #tpu.memory_space<hbm>> -> memref<10240xf32, #tpu.memory_space<hbm>>
      tpu.enqueue_dma source(%arg14 : memref<10240xf32, #tpu.memory_space<vmem_shared>>) target(%dma_start3A_116 : memref<10240xf32, #tpu.memory_space<hbm>>) target_semaphore(%arg16 : memref<!tpu.dma_semaphore, #tpu.memory_space<semaphore_mem>>)
      %mul3A_117 = arith.constant 10240 : i32
      %mul3A_118 = arith.muli %arg0, %mul3A_117 : i32
      %dma_start3A_119 = arith.constant 0 : i32
      %dma_start3A_120 = tpu.memref_slice %arg7[%dma_start3A_119, %mul3A_118] : memref<1x20480xf32, #tpu.memory_space<hbm>> -> memref<1x10240xf32, #tpu.memory_space<hbm>>
      %dma_start3A_121 = tpu.memref_squeeze %dma_start3A_120 : memref<1x10240xf32, #tpu.memory_space<hbm>> -> memref<10240xf32, #tpu.memory_space<hbm>>
      tpu.enqueue_dma source(%arg15 : memref<10240xf32, #tpu.memory_space<vmem_shared>>) target(%dma_start3A_121 : memref<10240xf32, #tpu.memory_space<hbm>>) target_semaphore(%arg16 : memref<!tpu.dma_semaphore, #tpu.memory_space<semaphore_mem>>)
      %dma_wait3A_122 = arith.constant 0 : i32
      %dma_wait3A_123 = tpu.memref_slice %arg5[%dma_wait3A_122, %mul3A_108] : memref<1x20480xf32, #tpu.memory_space<hbm>> -> memref<1x10240xf32, #tpu.memory_space<hbm>>
      %dma_wait3A_124 = tpu.memref_squeeze %dma_wait3A_123 : memref<1x10240xf32, #tpu.memory_space<hbm>> -> memref<10240xf32, #tpu.memory_space<hbm>>
      tpu.wait_dma2 semaphore(%arg16 : memref<!tpu.dma_semaphore, #tpu.memory_space<semaphore_mem>>) src(%arg13 : memref<10240xf32, #tpu.memory_space<vmem_shared>>) dst(%dma_wait3A_124 : memref<10240xf32, #tpu.memory_space<hbm>>)
      %dma_wait3A_125 = arith.constant 0 : i32
      %dma_wait3A_126 = tpu.memref_slice %arg6[%dma_wait3A_125, %mul3A_113] : memref<1x20480xf32, #tpu.memory_space<hbm>> -> memref<1x10240xf32, #tpu.memory_space<hbm>>
      %dma_wait3A_127 = tpu.memref_squeeze %dma_wait3A_126 : memref<1x10240xf32, #tpu.memory_space<hbm>> -> memref<10240xf32, #tpu.memory_space<hbm>>
      tpu.wait_dma2 semaphore(%arg16 : memref<!tpu.dma_semaphore, #tpu.memory_space<semaphore_mem>>) src(%arg14 : memref<10240xf32, #tpu.memory_space<vmem_shared>>) dst(%dma_wait3A_127 : memref<10240xf32, #tpu.memory_space<hbm>>)
      %dma_wait3A_128 = arith.constant 0 : i32
      %dma_wait3A_129 = tpu.memref_slice %arg7[%dma_wait3A_128, %mul3A_118] : memref<1x20480xf32, #tpu.memory_space<hbm>> -> memref<1x10240xf32, #tpu.memory_space<hbm>>
      %dma_wait3A_130 = tpu.memref_squeeze %dma_wait3A_129 : memref<1x10240xf32, #tpu.memory_space<hbm>> -> memref<10240xf32, #tpu.memory_space<hbm>>
      tpu.wait_dma2 semaphore(%arg16 : memref<!tpu.dma_semaphore, #tpu.memory_space<semaphore_mem>>) src(%arg15 : memref<10240xf32, #tpu.memory_space<vmem_shared>>) dst(%dma_wait3A_130 : memref<10240xf32, #tpu.memory_space<hbm>>)
    } else {
    }
    return
  }
}

#map = affine_map<(d0, d1) -> (0, 0)>
module attributes {stable_mosaic.version = 14 : i64} {
  func.func @body(%arg0: i32, %arg1: i32, %arg2: memref<768x128xi32, #tpu.memory_space<hbm>>, %arg3: memref<1x90112xf32, #tpu.memory_space<hbm>>, %arg4: memref<1x90112xf32, #tpu.memory_space<hbm>>, %arg5: memref<1x20480xf32, #tpu.memory_space<hbm>>, %arg6: memref<1x20480xf32, #tpu.memory_space<hbm>>, %arg7: memref<1x20480xf32, #tpu.memory_space<hbm>>, %arg8: memref<32x128xi32, #tpu.memory_space<vmem>>, %arg9: memref<2816xf32, #tpu.memory_space<vmem>>, %arg10: memref<2816xf32, #tpu.memory_space<vmem>>, %arg11: memref<128xf32, #tpu.memory_space<vmem>>, %arg12: memref<640xf32, #tpu.memory_space<vmem>>, %arg13: memref<10240xf32, #tpu.memory_space<vmem_shared>>, %arg14: memref<10240xf32, #tpu.memory_space<vmem_shared>>, %arg15: memref<10240xf32, #tpu.memory_space<vmem_shared>>, %arg16: memref<!tpu.dma_semaphore, #tpu.memory_space<semaphore_mem>>) attributes {dimension_semantics = [#tpu.dimension_semantics<core_parallel>, #tpu.dimension_semantics<subcore_parallel>], iteration_bounds = array<i64: 2, 16>, scalar_prefetch = 0 : i64, scratch_operands = 9 : i64, tpu.core_type = #tpu.core_type<sc_vector_subcore>, window_params = [{transform_indices = #map}, {transform_indices = #map}, {transform_indices = #map}, {transform_indices = #map}, {transform_indices = #map}, {transform_indices = #map}]} {
    %mul3A = arith.constant 2 : i32
    %mul3A_0 = arith.muli %arg1, %mul3A : i32
    %add3A = arith.addi %mul3A_0, %arg0 : i32
    %mul3A_1 = arith.constant 22 : i32
    %mul3A_2 = arith.muli %add3A, %mul3A_1 : i32
    %sub3A = arith.constant 704 : i32
    %sub3A_3 = arith.subi %sub3A, %mul3A_2 : i32
    %min3A = arith.constant 22 : i32
    %min3A_4 = arith.minsi %min3A, %sub3A_3 : i32
    %max3A = arith.constant 0 : i32
    %max3A_5 = arith.maxsi %min3A_4, %max3A : i32
    %mul3A_6 = arith.constant 128 : i32
    %mul3A_7 = arith.muli %mul3A_2, %mul3A_6 : i32
    %min3A_8 = arith.constant 87296 : i32
    %min3A_9 = arith.minsi %mul3A_7, %min3A_8 : i32
    %max3A_10 = arith.constant 0 : i32
    %max3A_11 = arith.maxsi %min3A_9, %max3A_10 : i32
    %multiple_of3A = tpu.assume_multiple %max3A_11, 128 : i32
    %mul3A_12 = arith.constant 128 : i32
    %mul3A_13 = arith.muli %mul3A_2, %mul3A_12 : i32
    %sub3A_14 = arith.subi %mul3A_13, %multiple_of3A : i32
    %jit3A = arith.constant 8 : i32
    %div3A = arith.divsi %mul3A_2, %jit3A : i32
    %sign3A = arith.constant 0 : i32
    %sign3A_15 = arith.cmpi sgt, %mul3A_2, %sign3A : i32
    %sign3A_16 = arith.extui %sign3A_15 : i1 to i32
    %sign3A_17 = arith.constant 0 : i32
    %sign3A_18 = arith.cmpi slt, %mul3A_2, %sign3A_17 : i32
    %sign3A_19 = arith.extui %sign3A_18 : i1 to i32
    %sign3A_20 = arith.subi %sign3A_16, %sign3A_19 : i32
    %sign3A_21 = arith.constant 0 : i32
    %sign3A_22 = arith.cmpi sgt, %jit3A, %sign3A_21 : i32
    %sign3A_23 = arith.extui %sign3A_22 : i1 to i32
    %sign3A_24 = arith.constant 0 : i32
    %sign3A_25 = arith.cmpi slt, %jit3A, %sign3A_24 : i32
    %sign3A_26 = arith.extui %sign3A_25 : i1 to i32
    %sign3A_27 = arith.subi %sign3A_23, %sign3A_26 : i32
    %ne3A = arith.cmpi ne, %sign3A_20, %sign3A_27 : i32
    %rem3A = arith.remsi %mul3A_2, %jit3A : i32
    %ne3A_28 = arith.constant 0 : i32
    %ne3A_29 = arith.cmpi ne, %rem3A, %ne3A_28 : i32
    %and3A = arith.andi %ne3A, %ne3A_29 : i1
    %sub3A_30 = arith.constant 1 : i32
    %sub3A_31 = arith.subi %div3A, %sub3A_30 : i32
    %select_n3A = arith.select %and3A, %sub3A_31, %div3A : i32
    %mul3A_32 = arith.constant 8 : i32
    %mul3A_33 = arith.muli %select_n3A, %mul3A_32 : i32
    %multiple_of3A_34 = tpu.assume_multiple %mul3A_33, 8 : i32
    %sub3A_35 = arith.subi %mul3A_2, %multiple_of3A_34 : i32
    %dma_start3A = arith.constant 0 : i32
    %dma_start3A_36 = tpu.memref_slice %arg2[%multiple_of3A_34, %dma_start3A] : memref<768x128xi32, #tpu.memory_space<hbm>> -> memref<32x128xi32, #tpu.memory_space<hbm>>
    %dma_start3A_37 = arith.constant 0 : i32
    %dma_start3A_38 = tpu.memref_slice %arg2[%multiple_of3A_34, %dma_start3A_37] : memref<768x128xi32, #tpu.memory_space<hbm>> -> memref<32x128xi32, #tpu.memory_space<hbm>>
    tpu.enqueue_dma source(%dma_start3A_38 : memref<32x128xi32, #tpu.memory_space<hbm>>) target(%arg8 : memref<32x128xi32, #tpu.memory_space<vmem>>) target_semaphore(%arg16 : memref<!tpu.dma_semaphore, #tpu.memory_space<semaphore_mem>>)
    %dma_start3A_39 = arith.constant 0 : i32
    %dma_start3A_40 = tpu.memref_slice %arg3[%dma_start3A_39, %multiple_of3A] : memref<1x90112xf32, #tpu.memory_space<hbm>> -> memref<1x2816xf32, #tpu.memory_space<hbm>>
    %dma_start3A_41 = tpu.memref_squeeze %dma_start3A_40 : memref<1x2816xf32, #tpu.memory_space<hbm>> -> memref<2816xf32, #tpu.memory_space<hbm>>
    %dma_start3A_42 = tpu.memref_slice %arg3[%dma_start3A_39, %multiple_of3A] : memref<1x90112xf32, #tpu.memory_space<hbm>> -> memref<1x2816xf32, #tpu.memory_space<hbm>>
    %dma_start3A_43 = tpu.memref_squeeze %dma_start3A_42 : memref<1x2816xf32, #tpu.memory_space<hbm>> -> memref<2816xf32, #tpu.memory_space<hbm>>
    tpu.enqueue_dma source(%dma_start3A_43 : memref<2816xf32, #tpu.memory_space<hbm>>) target(%arg9 : memref<2816xf32, #tpu.memory_space<vmem>>) target_semaphore(%arg16 : memref<!tpu.dma_semaphore, #tpu.memory_space<semaphore_mem>>)
    %dma_start3A_44 = arith.constant 0 : i32
    %dma_start3A_45 = tpu.memref_slice %arg4[%dma_start3A_44, %multiple_of3A] : memref<1x90112xf32, #tpu.memory_space<hbm>> -> memref<1x2816xf32, #tpu.memory_space<hbm>>
    %dma_start3A_46 = tpu.memref_squeeze %dma_start3A_45 : memref<1x2816xf32, #tpu.memory_space<hbm>> -> memref<2816xf32, #tpu.memory_space<hbm>>
    %dma_start3A_47 = tpu.memref_slice %arg4[%dma_start3A_44, %multiple_of3A] : memref<1x90112xf32, #tpu.memory_space<hbm>> -> memref<1x2816xf32, #tpu.memory_space<hbm>>
    %dma_start3A_48 = tpu.memref_squeeze %dma_start3A_47 : memref<1x2816xf32, #tpu.memory_space<hbm>> -> memref<2816xf32, #tpu.memory_space<hbm>>
    tpu.enqueue_dma source(%dma_start3A_48 : memref<2816xf32, #tpu.memory_space<hbm>>) target(%arg10 : memref<2816xf32, #tpu.memory_space<vmem>>) target_semaphore(%arg16 : memref<!tpu.dma_semaphore, #tpu.memory_space<semaphore_mem>>)
    %scan3A = arith.constant 0 : i32
    %scan3A_49 = arith.constant 0 : i32
    %scan3A_50 = arith.constant 40 : i32
    %scan3A_51 = arith.addi %scan3A_49, %scan3A_50 : i32
    %scan3A_52 = arith.constant 1 : i32
    %scan3A_53 = scf.for %scan3A_107 = %scan3A_49 to %scan3A_51 step %scan3A_52 iter_args(%scan3A_108 = %scan3A) -> (i32)  : i32 {
      %broadcast_in_dim3A = arith.constant 0.000000e+00 : f32
      %broadcast_in_dim3A_109 = vector.broadcast %broadcast_in_dim3A : f32 to vector<16xf32>
      %mul3A_110 = arith.constant 16 : i32
      %mul3A_111 = arith.muli %scan3A_107, %mul3A_110 : i32
      %swap3A = arith.index_cast %mul3A_111 : i32 to index
      %swap3A_112 = tpu.vector_load %arg12[%swap3A] {strides = array<i32>} : memref<640xf32, #tpu.memory_space<vmem>>, vector<16xf32>,
      %swap3A_113 = vector.shape_cast %swap3A_112 : vector<16xf32> to vector<16xf32>
      %swap3A_114 = vector.shape_cast %broadcast_in_dim3A_109 : vector<16xf32> to vector<16xf32>
      tpu.vector_store %arg12[%swap3A], %swap3A_114 {strides = array<i32>} : memref<640xf32, #tpu.memory_space<vmem>>, vector<16xf32>,
      %scan3A_115 = arith.constant 0 : i32
      scf.yield %scan3A_115 : i32
    }
    %scan3A_54 = arith.constant 40 : i32
    %mul3A_55 = arith.constant 640 : i32
    %mul3A_56 = arith.muli %arg1, %mul3A_55 : i32
    "tpu.region"() ({
      %run_scoped3A = tpu.sem_alloc : memref<!tpu.dma_semaphore, #tpu.memory_space<semaphore_mem>>
      %dma_start3A_107 = tpu.memref_slice %arg13[%mul3A_56] : memref<10240xf32, #tpu.memory_space<vmem_shared>> -> memref<640xf32, #tpu.memory_space<vmem_shared>>
      %dma_start3A_108 = tpu.memref_slice %arg13[%mul3A_56] : memref<10240xf32, #tpu.memory_space<vmem_shared>> -> memref<640xf32, #tpu.memory_space<vmem_shared>>
      tpu.enqueue_dma source(%arg12 : memref<640xf32, #tpu.memory_space<vmem>>) target(%dma_start3A_108 : memref<640xf32, #tpu.memory_space<vmem_shared>>) target_semaphore(%run_scoped3A : memref<!tpu.dma_semaphore, #tpu.memory_space<semaphore_mem>>)
      %dma_wait3A_109 = tpu.memref_slice %arg13[%mul3A_56] : memref<10240xf32, #tpu.memory_space<vmem_shared>> -> memref<640xf32, #tpu.memory_space<vmem_shared>>
      %dma_wait3A_110 = tpu.memref_slice %arg13[%mul3A_56] : memref<10240xf32, #tpu.memory_space<vmem_shared>> -> memref<640xf32, #tpu.memory_space<vmem_shared>>
      tpu.wait_dma2 semaphore(%run_scoped3A : memref<!tpu.dma_semaphore, #tpu.memory_space<semaphore_mem>>) src(%arg12 : memref<640xf32, #tpu.memory_space<vmem>>) dst(%dma_wait3A_110 : memref<640xf32, #tpu.memory_space<vmem_shared>>)
      tpu.yield
    }) : () -> ()
    %mul3A_57 = arith.constant 640 : i32
    %mul3A_58 = arith.muli %arg1, %mul3A_57 : i32
    "tpu.region"() ({
      %run_scoped3A = tpu.sem_alloc : memref<!tpu.dma_semaphore, #tpu.memory_space<semaphore_mem>>
      %dma_start3A_107 = tpu.memref_slice %arg14[%mul3A_58] : memref<10240xf32, #tpu.memory_space<vmem_shared>> -> memref<640xf32, #tpu.memory_space<vmem_shared>>
      %dma_start3A_108 = tpu.memref_slice %arg14[%mul3A_58] : memref<10240xf32, #tpu.memory_space<vmem_shared>> -> memref<640xf32, #tpu.memory_space<vmem_shared>>
      tpu.enqueue_dma source(%arg12 : memref<640xf32, #tpu.memory_space<vmem>>) target(%dma_start3A_108 : memref<640xf32, #tpu.memory_space<vmem_shared>>) target_semaphore(%run_scoped3A : memref<!tpu.dma_semaphore, #tpu.memory_space<semaphore_mem>>)
      %dma_wait3A_109 = tpu.memref_slice %arg14[%mul3A_58] : memref<10240xf32, #tpu.memory_space<vmem_shared>> -> memref<640xf32, #tpu.memory_space<vmem_shared>>
      %dma_wait3A_110 = tpu.memref_slice %arg14[%mul3A_58] : memref<10240xf32, #tpu.memory_space<vmem_shared>> -> memref<640xf32, #tpu.memory_space<vmem_shared>>
      tpu.wait_dma2 semaphore(%run_scoped3A : memref<!tpu.dma_semaphore, #tpu.memory_space<semaphore_mem>>) src(%arg12 : memref<640xf32, #tpu.memory_space<vmem>>) dst(%dma_wait3A_110 : memref<640xf32, #tpu.memory_space<vmem_shared>>)
      tpu.yield
    }) : () -> ()
    %mul3A_59 = arith.constant 640 : i32
    %mul3A_60 = arith.muli %arg1, %mul3A_59 : i32
    "tpu.region"() ({
      %run_scoped3A = tpu.sem_alloc : memref<!tpu.dma_semaphore, #tpu.memory_space<semaphore_mem>>
      %dma_start3A_107 = tpu.memref_slice %arg15[%mul3A_60] : memref<10240xf32, #tpu.memory_space<vmem_shared>> -> memref<640xf32, #tpu.memory_space<vmem_shared>>
      %dma_start3A_108 = tpu.memref_slice %arg15[%mul3A_60] : memref<10240xf32, #tpu.memory_space<vmem_shared>> -> memref<640xf32, #tpu.memory_space<vmem_shared>>
      tpu.enqueue_dma source(%arg12 : memref<640xf32, #tpu.memory_space<vmem>>) target(%dma_start3A_108 : memref<640xf32, #tpu.memory_space<vmem_shared>>) target_semaphore(%run_scoped3A : memref<!tpu.dma_semaphore, #tpu.memory_space<semaphore_mem>>)
      %dma_wait3A_109 = tpu.memref_slice %arg15[%mul3A_60] : memref<10240xf32, #tpu.memory_space<vmem_shared>> -> memref<640xf32, #tpu.memory_space<vmem_shared>>
      %dma_wait3A_110 = tpu.memref_slice %arg15[%mul3A_60] : memref<10240xf32, #tpu.memory_space<vmem_shared>> -> memref<640xf32, #tpu.memory_space<vmem_shared>>
      tpu.wait_dma2 semaphore(%run_scoped3A : memref<!tpu.dma_semaphore, #tpu.memory_space<semaphore_mem>>) src(%arg12 : memref<640xf32, #tpu.memory_space<vmem>>) dst(%dma_wait3A_110 : memref<640xf32, #tpu.memory_space<vmem_shared>>)
      tpu.yield
    }) : () -> ()
    %scan3A_61 = arith.constant 0 : i32
    %scan3A_62 = arith.constant 0 : i32
    %scan3A_63 = arith.constant 8 : i32
    %scan3A_64 = arith.addi %scan3A_62, %scan3A_63 : i32
    %scan3A_65 = arith.constant 1 : i32
    %scan3A_66 = scf.for %scan3A_107 = %scan3A_62 to %scan3A_64 step %scan3A_65 iter_args(%scan3A_108 = %scan3A_61) -> (i32)  : i32 {
      %broadcast_in_dim3A = arith.constant 1.000000e+00 : f32
      %broadcast_in_dim3A_109 = vector.broadcast %broadcast_in_dim3A : f32 to vector<16xf32>
      %mul3A_110 = arith.constant 16 : i32
      %mul3A_111 = arith.muli %scan3A_107, %mul3A_110 : i32
      %swap3A = arith.index_cast %mul3A_111 : i32 to index
      %swap3A_112 = tpu.vector_load %arg11[%swap3A] {strides = array<i32>} : memref<128xf32, #tpu.memory_space<vmem>>, vector<16xf32>,
      %swap3A_113 = vector.shape_cast %swap3A_112 : vector<16xf32> to vector<16xf32>
      %swap3A_114 = vector.shape_cast %broadcast_in_dim3A_109 : vector<16xf32> to vector<16xf32>
      tpu.vector_store %arg11[%swap3A], %swap3A_114 {strides = array<i32>} : memref<128xf32, #tpu.memory_space<vmem>>, vector<16xf32>,
      %scan3A_115 = arith.constant 0 : i32
      scf.yield %scan3A_115 : i32
    }
    %scan3A_67 = arith.constant 8 : i32
    %dma_wait3A = arith.constant 0 : i32
    %dma_wait3A_68 = tpu.memref_slice %arg2[%multiple_of3A_34, %dma_wait3A] : memref<768x128xi32, #tpu.memory_space<hbm>> -> memref<32x128xi32, #tpu.memory_space<hbm>>
    %dma_wait3A_69 = arith.constant 0 : i32
    %dma_wait3A_70 = tpu.memref_slice %arg2[%multiple_of3A_34, %dma_wait3A_69] : memref<768x128xi32, #tpu.memory_space<hbm>> -> memref<32x128xi32, #tpu.memory_space<hbm>>
    tpu.wait_dma2 semaphore(%arg16 : memref<!tpu.dma_semaphore, #tpu.memory_space<semaphore_mem>>) src(%dma_wait3A_70 : memref<32x128xi32, #tpu.memory_space<hbm>>) dst(%arg8 : memref<32x128xi32, #tpu.memory_space<vmem>>)
    %dma_wait3A_71 = arith.constant 0 : i32
    %dma_wait3A_72 = tpu.memref_slice %arg3[%dma_wait3A_71, %multiple_of3A] : memref<1x90112xf32, #tpu.memory_space<hbm>> -> memref<1x2816xf32, #tpu.memory_space<hbm>>
    %dma_wait3A_73 = tpu.memref_squeeze %dma_wait3A_72 : memref<1x2816xf32, #tpu.memory_space<hbm>> -> memref<2816xf32, #tpu.memory_space<hbm>>
    %dma_wait3A_74 = tpu.memref_slice %arg3[%dma_wait3A_71, %multiple_of3A] : memref<1x90112xf32, #tpu.memory_space<hbm>> -> memref<1x2816xf32, #tpu.memory_space<hbm>>
    %dma_wait3A_75 = tpu.memref_squeeze %dma_wait3A_74 : memref<1x2816xf32, #tpu.memory_space<hbm>> -> memref<2816xf32, #tpu.memory_space<hbm>>
    tpu.wait_dma2 semaphore(%arg16 : memref<!tpu.dma_semaphore, #tpu.memory_space<semaphore_mem>>) src(%dma_wait3A_75 : memref<2816xf32, #tpu.memory_space<hbm>>) dst(%arg9 : memref<2816xf32, #tpu.memory_space<vmem>>)
    %dma_wait3A_76 = arith.constant 0 : i32
    %dma_wait3A_77 = tpu.memref_slice %arg4[%dma_wait3A_76, %multiple_of3A] : memref<1x90112xf32, #tpu.memory_space<hbm>> -> memref<1x2816xf32, #tpu.memory_space<hbm>>
    %dma_wait3A_78 = tpu.memref_squeeze %dma_wait3A_77 : memref<1x2816xf32, #tpu.memory_space<hbm>> -> memref<2816xf32, #tpu.memory_space<hbm>>
    %dma_wait3A_79 = tpu.memref_slice %arg4[%dma_wait3A_76, %multiple_of3A] : memref<1x90112xf32, #tpu.memory_space<hbm>> -> memref<1x2816xf32, #tpu.memory_space<hbm>>
    %dma_wait3A_80 = tpu.memref_squeeze %dma_wait3A_79 : memref<1x2816xf32, #tpu.memory_space<hbm>> -> memref<2816xf32, #tpu.memory_space<hbm>>
    tpu.wait_dma2 semaphore(%arg16 : memref<!tpu.dma_semaphore, #tpu.memory_space<semaphore_mem>>) src(%dma_wait3A_80 : memref<2816xf32, #tpu.memory_space<hbm>>) dst(%arg10 : memref<2816xf32, #tpu.memory_space<vmem>>)
    %barrier3A = arith.constant 0 : index
    tpu.barrier barrier_id(%barrier3A)
    %while3A = arith.constant 0 : i32
    %while3A_81 = arith.constant 0 : i32
    %while3A_82 = arith.subi %max3A_5, %while3A : i32
    %while3A_83 = arith.addi %while3A, %while3A_82 : i32
    %while3A_84 = arith.constant 1 : i32
    %while3A_85 = arith.divsi %while3A_82, %while3A_84 : i32
    %while3A_86 = arith.muli %while3A_85, %while3A_84 : i32
    %while3A_87 = arith.addi %while3A, %while3A_86 : i32
    %while3A_88 = arith.constant 1 : i32
    %while3A_89 = scf.for %while3A_107 = %while3A to %while3A_87 step %while3A_88 iter_args(%while3A_108 = %while3A_81) -> (i32)  : i32 {
      %add3A_109 = arith.addi %sub3A_35, %while3A_107 : i32
      %mul3A_110 = arith.constant 128 : i32
      %mul3A_111 = arith.muli %while3A_107, %mul3A_110 : i32
      %add3A_112 = arith.addi %sub3A_14, %mul3A_111 : i32
      %dma_start3A_113 = tpu.memref_slice %arg9[%add3A_112] : memref<2816xf32, #tpu.memory_space<vmem>> -> memref<128xf32, #tpu.memory_space<vmem>>
      %dma_start3A_114 = arith.constant 0 : i32
      %dma_start3A_115 = tpu.memref_slice %arg8[%add3A_109, %dma_start3A_114] : memref<32x128xi32, #tpu.memory_space<vmem>> -> memref<1x128xi32, #tpu.memory_space<vmem>>
      %dma_start3A_116 = tpu.memref_squeeze %dma_start3A_115 : memref<1x128xi32, #tpu.memory_space<vmem>> -> memref<128xi32, #tpu.memory_space<vmem>>
      %dma_start3A_117 = arith.constant 0 : i32
      %dma_start3A_118 = tpu.memref_slice %arg13[%dma_start3A_117] : memref<10240xf32, #tpu.memory_space<vmem_shared>> -> memref<10240xf32, #tpu.memory_space<vmem_shared>>
      tpu.enqueue_indirect_dma source(%dma_start3A_113 : memref<128xf32, #tpu.memory_space<vmem>>) target(%dma_start3A_118 : memref<10240xf32, #tpu.memory_space<vmem_shared>>) offsets(%dma_start3A_116 : memref<128xi32, #tpu.memory_space<vmem>>) semaphore(%arg16 : memref<!tpu.dma_semaphore, #tpu.memory_space<semaphore_mem>>) {add = true}
      %mul3A_119 = arith.constant 128 : i32
      %mul3A_120 = arith.muli %while3A_107, %mul3A_119 : i32
      %add3A_121 = arith.addi %sub3A_14, %mul3A_120 : i32
      %dma_start3A_122 = tpu.memref_slice %arg10[%add3A_121] : memref<2816xf32, #tpu.memory_space<vmem>> -> memref<128xf32, #tpu.memory_space<vmem>>
      %dma_start3A_123 = arith.constant 0 : i32
      %dma_start3A_124 = tpu.memref_slice %arg8[%add3A_109, %dma_start3A_123] : memref<32x128xi32, #tpu.memory_space<vmem>> -> memref<1x128xi32, #tpu.memory_space<vmem>>
      %dma_start3A_125 = tpu.memref_squeeze %dma_start3A_124 : memref<1x128xi32, #tpu.memory_space<vmem>> -> memref<128xi32, #tpu.memory_space<vmem>>
      %dma_start3A_126 = arith.constant 0 : i32
      %dma_start3A_127 = tpu.memref_slice %arg14[%dma_start3A_126] : memref<10240xf32, #tpu.memory_space<vmem_shared>> -> memref<10240xf32, #tpu.memory_space<vmem_shared>>
      tpu.enqueue_indirect_dma source(%dma_start3A_122 : memref<128xf32, #tpu.memory_space<vmem>>) target(%dma_start3A_127 : memref<10240xf32, #tpu.memory_space<vmem_shared>>) offsets(%dma_start3A_125 : memref<128xi32, #tpu.memory_space<vmem>>) semaphore(%arg16 : memref<!tpu.dma_semaphore, #tpu.memory_space<semaphore_mem>>) {add = true}
      %dma_start3A_128 = arith.constant 0 : i32
      %dma_start3A_129 = tpu.memref_slice %arg8[%add3A_109, %dma_start3A_128] : memref<32x128xi32, #tpu.memory_space<vmem>> -> memref<1x128xi32, #tpu.memory_space<vmem>>
      %dma_start3A_130 = tpu.memref_squeeze %dma_start3A_129 : memref<1x128xi32, #tpu.memory_space<vmem>> -> memref<128xi32, #tpu.memory_space<vmem>>
      %dma_start3A_131 = arith.constant 0 : i32
      %dma_start3A_132 = tpu.memref_slice %arg15[%dma_start3A_131] : memref<10240xf32, #tpu.memory_space<vmem_shared>> -> memref<10240xf32, #tpu.memory_space<vmem_shared>>
      tpu.enqueue_indirect_dma source(%arg11 : memref<128xf32, #tpu.memory_space<vmem>>) target(%dma_start3A_132 : memref<10240xf32, #tpu.memory_space<vmem_shared>>) offsets(%dma_start3A_130 : memref<128xi32, #tpu.memory_space<vmem>>) semaphore(%arg16 : memref<!tpu.dma_semaphore, #tpu.memory_space<semaphore_mem>>) {add = true}
      %while3A_133 = arith.constant 0 : i32
      scf.yield %while3A_133 : i32
    }
    %while3A_90 = arith.constant 1 : i32
    %while3A_91 = scf.for %while3A_107 = %while3A_87 to %while3A_83 step %while3A_90 iter_args(%while3A_108 = %while3A_89) -> (i32)  : i32 {
      %add3A_109 = arith.addi %sub3A_35, %while3A_107 : i32
      %mul3A_110 = arith.constant 128 : i32
      %mul3A_111 = arith.muli %while3A_107, %mul3A_110 : i32
      %add3A_112 = arith.addi %sub3A_14, %mul3A_111 : i32
      %dma_start3A_113 = tpu.memref_slice %arg9[%add3A_112] : memref<2816xf32, #tpu.memory_space<vmem>> -> memref<128xf32, #tpu.memory_space<vmem>>
      %dma_start3A_114 = arith.constant 0 : i32
      %dma_start3A_115 = tpu.memref_slice %arg8[%add3A_109, %dma_start3A_114] : memref<32x128xi32, #tpu.memory_space<vmem>> -> memref<1x128xi32, #tpu.memory_space<vmem>>
      %dma_start3A_116 = tpu.memref_squeeze %dma_start3A_115 : memref<1x128xi32, #tpu.memory_space<vmem>> -> memref<128xi32, #tpu.memory_space<vmem>>
      %dma_start3A_117 = arith.constant 0 : i32
      %dma_start3A_118 = tpu.memref_slice %arg13[%dma_start3A_117] : memref<10240xf32, #tpu.memory_space<vmem_shared>> -> memref<10240xf32, #tpu.memory_space<vmem_shared>>
      tpu.enqueue_indirect_dma source(%dma_start3A_113 : memref<128xf32, #tpu.memory_space<vmem>>) target(%dma_start3A_118 : memref<10240xf32, #tpu.memory_space<vmem_shared>>) offsets(%dma_start3A_116 : memref<128xi32, #tpu.memory_space<vmem>>) semaphore(%arg16 : memref<!tpu.dma_semaphore, #tpu.memory_space<semaphore_mem>>) {add = true}
      %mul3A_119 = arith.constant 128 : i32
      %mul3A_120 = arith.muli %while3A_107, %mul3A_119 : i32
      %add3A_121 = arith.addi %sub3A_14, %mul3A_120 : i32
      %dma_start3A_122 = tpu.memref_slice %arg10[%add3A_121] : memref<2816xf32, #tpu.memory_space<vmem>> -> memref<128xf32, #tpu.memory_space<vmem>>
      %dma_start3A_123 = arith.constant 0 : i32
      %dma_start3A_124 = tpu.memref_slice %arg8[%add3A_109, %dma_start3A_123] : memref<32x128xi32, #tpu.memory_space<vmem>> -> memref<1x128xi32, #tpu.memory_space<vmem>>
      %dma_start3A_125 = tpu.memref_squeeze %dma_start3A_124 : memref<1x128xi32, #tpu.memory_space<vmem>> -> memref<128xi32, #tpu.memory_space<vmem>>
      %dma_start3A_126 = arith.constant 0 : i32
      %dma_start3A_127 = tpu.memref_slice %arg14[%dma_start3A_126] : memref<10240xf32, #tpu.memory_space<vmem_shared>> -> memref<10240xf32, #tpu.memory_space<vmem_shared>>
      tpu.enqueue_indirect_dma source(%dma_start3A_122 : memref<128xf32, #tpu.memory_space<vmem>>) target(%dma_start3A_127 : memref<10240xf32, #tpu.memory_space<vmem_shared>>) offsets(%dma_start3A_125 : memref<128xi32, #tpu.memory_space<vmem>>) semaphore(%arg16 : memref<!tpu.dma_semaphore, #tpu.memory_space<semaphore_mem>>) {add = true}
      %dma_start3A_128 = arith.constant 0 : i32
      %dma_start3A_129 = tpu.memref_slice %arg8[%add3A_109, %dma_start3A_128] : memref<32x128xi32, #tpu.memory_space<vmem>> -> memref<1x128xi32, #tpu.memory_space<vmem>>
      %dma_start3A_130 = tpu.memref_squeeze %dma_start3A_129 : memref<1x128xi32, #tpu.memory_space<vmem>> -> memref<128xi32, #tpu.memory_space<vmem>>
      %dma_start3A_131 = arith.constant 0 : i32
      %dma_start3A_132 = tpu.memref_slice %arg15[%dma_start3A_131] : memref<10240xf32, #tpu.memory_space<vmem_shared>> -> memref<10240xf32, #tpu.memory_space<vmem_shared>>
      tpu.enqueue_indirect_dma source(%arg11 : memref<128xf32, #tpu.memory_space<vmem>>) target(%dma_start3A_132 : memref<10240xf32, #tpu.memory_space<vmem_shared>>) offsets(%dma_start3A_130 : memref<128xi32, #tpu.memory_space<vmem>>) semaphore(%arg16 : memref<!tpu.dma_semaphore, #tpu.memory_space<semaphore_mem>>) {add = true}
      %while3A_133 = arith.constant 0 : i32
      scf.yield %while3A_133 : i32
    }
    %while3A_92 = arith.constant 0 : i32
    %while3A_93 = arith.constant 0 : i32
    %while3A_94 = arith.subi %max3A_5, %while3A_92 : i32
    %while3A_95 = arith.addi %while3A_92, %while3A_94 : i32
    %while3A_96 = arith.constant 1 : i32
    %while3A_97 = arith.divsi %while3A_94, %while3A_96 : i32
    %while3A_98 = arith.muli %while3A_97, %while3A_96 : i32
    %while3A_99 = arith.addi %while3A_92, %while3A_98 : i32
    %while3A_100 = arith.constant 1 : i32
    %while3A_101 = scf.for %while3A_107 = %while3A_92 to %while3A_99 step %while3A_100 iter_args(%while3A_108 = %while3A_93) -> (i32)  : i32 {
      %dma_wait3A_109 = arith.constant 0 : i32
      %dma_wait3A_110 = arith.constant 0 : i32
      %dma_wait3A_111 = tpu.memref_slice %arg9[%dma_wait3A_110] : memref<2816xf32, #tpu.memory_space<vmem>> -> memref<128xf32, #tpu.memory_space<vmem>>
      %dma_wait3A_112 = arith.constant 0 : i32
      %dma_wait3A_113 = tpu.memref_slice %arg3[%dma_wait3A_109, %dma_wait3A_112] : memref<1x90112xf32, #tpu.memory_space<hbm>> -> memref<1x128xf32, #tpu.memory_space<hbm>>
      %dma_wait3A_114 = tpu.memref_squeeze %dma_wait3A_113 : memref<1x128xf32, #tpu.memory_space<hbm>> -> memref<128xf32, #tpu.memory_space<hbm>>
      %dma_wait3A_115 = arith.constant 0 : i32
      %dma_wait3A_116 = tpu.memref_slice %arg9[%dma_wait3A_115] : memref<2816xf32, #tpu.memory_space<vmem>> -> memref<128xf32, #tpu.memory_space<vmem>>
      %dma_wait3A_117 = arith.constant 0 : i32
      %dma_wait3A_118 = tpu.memref_slice %arg3[%dma_wait3A_109, %dma_wait3A_117] : memref<1x90112xf32, #tpu.memory_space<hbm>> -> memref<1x128xf32, #tpu.memory_space<hbm>>
      %dma_wait3A_119 = tpu.memref_squeeze %dma_wait3A_118 : memref<1x128xf32, #tpu.memory_space<hbm>> -> memref<128xf32, #tpu.memory_space<hbm>>
      tpu.wait_dma2 semaphore(%arg16 : memref<!tpu.dma_semaphore, #tpu.memory_space<semaphore_mem>>) src(%dma_wait3A_119 : memref<128xf32, #tpu.memory_space<hbm>>) dst(%dma_wait3A_116 : memref<128xf32, #tpu.memory_space<vmem>>)
      %dma_wait3A_120 = arith.constant 0 : i32
      %dma_wait3A_121 = arith.constant 0 : i32
      %dma_wait3A_122 = tpu.memref_slice %arg9[%dma_wait3A_121] : memref<2816xf32, #tpu.memory_space<vmem>> -> memref<128xf32, #tpu.memory_space<vmem>>
      %dma_wait3A_123 = arith.constant 0 : i32
      %dma_wait3A_124 = tpu.memref_slice %arg3[%dma_wait3A_120, %dma_wait3A_123] : memref<1x90112xf32, #tpu.memory_space<hbm>> -> memref<1x128xf32, #tpu.memory_space<hbm>>
      %dma_wait3A_125 = tpu.memref_squeeze %dma_wait3A_124 : memref<1x128xf32, #tpu.memory_space<hbm>> -> memref<128xf32, #tpu.memory_space<hbm>>
      %dma_wait3A_126 = arith.constant 0 : i32
      %dma_wait3A_127 = tpu.memref_slice %arg9[%dma_wait3A_126] : memref<2816xf32, #tpu.memory_space<vmem>> -> memref<128xf32, #tpu.memory_space<vmem>>
      %dma_wait3A_128 = arith.constant 0 : i32
      %dma_wait3A_129 = tpu.memref_slice %arg3[%dma_wait3A_120, %dma_wait3A_128] : memref<1x90112xf32, #tpu.memory_space<hbm>> -> memref<1x128xf32, #tpu.memory_space<hbm>>
      %dma_wait3A_130 = tpu.memref_squeeze %dma_wait3A_129 : memref<1x128xf32, #tpu.memory_space<hbm>> -> memref<128xf32, #tpu.memory_space<hbm>>
      tpu.wait_dma2 semaphore(%arg16 : memref<!tpu.dma_semaphore, #tpu.memory_space<semaphore_mem>>) src(%dma_wait3A_130 : memref<128xf32, #tpu.memory_space<hbm>>) dst(%dma_wait3A_127 : memref<128xf32, #tpu.memory_space<vmem>>)
      %dma_wait3A_131 = arith.constant 0 : i32
      %dma_wait3A_132 = arith.constant 0 : i32
      %dma_wait3A_133 = tpu.memref_slice %arg9[%dma_wait3A_132] : memref<2816xf32, #tpu.memory_space<vmem>> -> memref<128xf32, #tpu.memory_space<vmem>>
      %dma_wait3A_134 = arith.constant 0 : i32
      %dma_wait3A_135 = tpu.memref_slice %arg3[%dma_wait3A_131, %dma_wait3A_134] : memref<1x90112xf32, #tpu.memory_space<hbm>> -> memref<1x128xf32, #tpu.memory_space<hbm>>
      %dma_wait3A_136 = tpu.memref_squeeze %dma_wait3A_135 : memref<1x128xf32, #tpu.memory_space<hbm>> -> memref<128xf32, #tpu.memory_space<hbm>>
      %dma_wait3A_137 = arith.constant 0 : i32
      %dma_wait3A_138 = tpu.memref_slice %arg9[%dma_wait3A_137] : memref<2816xf32, #tpu.memory_space<vmem>> -> memref<128xf32, #tpu.memory_space<vmem>>
      %dma_wait3A_139 = arith.constant 0 : i32
      %dma_wait3A_140 = tpu.memref_slice %arg3[%dma_wait3A_131, %dma_wait3A_139] : memref<1x90112xf32, #tpu.memory_space<hbm>> -> memref<1x128xf32, #tpu.memory_space<hbm>>
      %dma_wait3A_141 = tpu.memref_squeeze %dma_wait3A_140 : memref<1x128xf32, #tpu.memory_space<hbm>> -> memref<128xf32, #tpu.memory_space<hbm>>
      tpu.wait_dma2 semaphore(%arg16 : memref<!tpu.dma_semaphore, #tpu.memory_space<semaphore_mem>>) src(%dma_wait3A_141 : memref<128xf32, #tpu.memory_space<hbm>>) dst(%dma_wait3A_138 : memref<128xf32, #tpu.memory_space<vmem>>)
      %while3A_142 = arith.constant 0 : i32
      scf.yield %while3A_142 : i32
    }
    %while3A_102 = arith.constant 1 : i32
    %while3A_103 = scf.for %while3A_107 = %while3A_99 to %while3A_95 step %while3A_102 iter_args(%while3A_108 = %while3A_101) -> (i32)  : i32 {
      %dma_wait3A_109 = arith.constant 0 : i32
      %dma_wait3A_110 = arith.constant 0 : i32
      %dma_wait3A_111 = tpu.memref_slice %arg9[%dma_wait3A_110] : memref<2816xf32, #tpu.memory_space<vmem>> -> memref<128xf32, #tpu.memory_space<vmem>>
      %dma_wait3A_112 = arith.constant 0 : i32
      %dma_wait3A_113 = tpu.memref_slice %arg3[%dma_wait3A_109, %dma_wait3A_112] : memref<1x90112xf32, #tpu.memory_space<hbm>> -> memref<1x128xf32, #tpu.memory_space<hbm>>
      %dma_wait3A_114 = tpu.memref_squeeze %dma_wait3A_113 : memref<1x128xf32, #tpu.memory_space<hbm>> -> memref<128xf32, #tpu.memory_space<hbm>>
      %dma_wait3A_115 = arith.constant 0 : i32
      %dma_wait3A_116 = tpu.memref_slice %arg9[%dma_wait3A_115] : memref<2816xf32, #tpu.memory_space<vmem>> -> memref<128xf32, #tpu.memory_space<vmem>>
      %dma_wait3A_117 = arith.constant 0 : i32
      %dma_wait3A_118 = tpu.memref_slice %arg3[%dma_wait3A_109, %dma_wait3A_117] : memref<1x90112xf32, #tpu.memory_space<hbm>> -> memref<1x128xf32, #tpu.memory_space<hbm>>
      %dma_wait3A_119 = tpu.memref_squeeze %dma_wait3A_118 : memref<1x128xf32, #tpu.memory_space<hbm>> -> memref<128xf32, #tpu.memory_space<hbm>>
      tpu.wait_dma2 semaphore(%arg16 : memref<!tpu.dma_semaphore, #tpu.memory_space<semaphore_mem>>) src(%dma_wait3A_119 : memref<128xf32, #tpu.memory_space<hbm>>) dst(%dma_wait3A_116 : memref<128xf32, #tpu.memory_space<vmem>>)
      %dma_wait3A_120 = arith.constant 0 : i32
      %dma_wait3A_121 = arith.constant 0 : i32
      %dma_wait3A_122 = tpu.memref_slice %arg9[%dma_wait3A_121] : memref<2816xf32, #tpu.memory_space<vmem>> -> memref<128xf32, #tpu.memory_space<vmem>>
      %dma_wait3A_123 = arith.constant 0 : i32
      %dma_wait3A_124 = tpu.memref_slice %arg3[%dma_wait3A_120, %dma_wait3A_123] : memref<1x90112xf32, #tpu.memory_space<hbm>> -> memref<1x128xf32, #tpu.memory_space<hbm>>
      %dma_wait3A_125 = tpu.memref_squeeze %dma_wait3A_124 : memref<1x128xf32, #tpu.memory_space<hbm>> -> memref<128xf32, #tpu.memory_space<hbm>>
      %dma_wait3A_126 = arith.constant 0 : i32
      %dma_wait3A_127 = tpu.memref_slice %arg9[%dma_wait3A_126] : memref<2816xf32, #tpu.memory_space<vmem>> -> memref<128xf32, #tpu.memory_space<vmem>>
      %dma_wait3A_128 = arith.constant 0 : i32
      %dma_wait3A_129 = tpu.memref_slice %arg3[%dma_wait3A_120, %dma_wait3A_128] : memref<1x90112xf32, #tpu.memory_space<hbm>> -> memref<1x128xf32, #tpu.memory_space<hbm>>
      %dma_wait3A_130 = tpu.memref_squeeze %dma_wait3A_129 : memref<1x128xf32, #tpu.memory_space<hbm>> -> memref<128xf32, #tpu.memory_space<hbm>>
      tpu.wait_dma2 semaphore(%arg16 : memref<!tpu.dma_semaphore, #tpu.memory_space<semaphore_mem>>) src(%dma_wait3A_130 : memref<128xf32, #tpu.memory_space<hbm>>) dst(%dma_wait3A_127 : memref<128xf32, #tpu.memory_space<vmem>>)
      %dma_wait3A_131 = arith.constant 0 : i32
      %dma_wait3A_132 = arith.constant 0 : i32
      %dma_wait3A_133 = tpu.memref_slice %arg9[%dma_wait3A_132] : memref<2816xf32, #tpu.memory_space<vmem>> -> memref<128xf32, #tpu.memory_space<vmem>>
      %dma_wait3A_134 = arith.constant 0 : i32
      %dma_wait3A_135 = tpu.memref_slice %arg3[%dma_wait3A_131, %dma_wait3A_134] : memref<1x90112xf32, #tpu.memory_space<hbm>> -> memref<1x128xf32, #tpu.memory_space<hbm>>
      %dma_wait3A_136 = tpu.memref_squeeze %dma_wait3A_135 : memref<1x128xf32, #tpu.memory_space<hbm>> -> memref<128xf32, #tpu.memory_space<hbm>>
      %dma_wait3A_137 = arith.constant 0 : i32
      %dma_wait3A_138 = tpu.memref_slice %arg9[%dma_wait3A_137] : memref<2816xf32, #tpu.memory_space<vmem>> -> memref<128xf32, #tpu.memory_space<vmem>>
      %dma_wait3A_139 = arith.constant 0 : i32
      %dma_wait3A_140 = tpu.memref_slice %arg3[%dma_wait3A_131, %dma_wait3A_139] : memref<1x90112xf32, #tpu.memory_space<hbm>> -> memref<1x128xf32, #tpu.memory_space<hbm>>
      %dma_wait3A_141 = tpu.memref_squeeze %dma_wait3A_140 : memref<1x128xf32, #tpu.memory_space<hbm>> -> memref<128xf32, #tpu.memory_space<hbm>>
      tpu.wait_dma2 semaphore(%arg16 : memref<!tpu.dma_semaphore, #tpu.memory_space<semaphore_mem>>) src(%dma_wait3A_141 : memref<128xf32, #tpu.memory_space<hbm>>) dst(%dma_wait3A_138 : memref<128xf32, #tpu.memory_space<vmem>>)
      %while3A_142 = arith.constant 0 : i32
      scf.yield %while3A_142 : i32
    }
    %barrier3A_104 = arith.constant 0 : index
    tpu.barrier barrier_id(%barrier3A_104)
    %eq3A = arith.constant 0 : i32
    %eq3A_105 = arith.cmpi eq, %arg1, %eq3A : i32
    %convert_element_type3A = arith.extui %eq3A_105 : i1 to i32
    %cond3A = arith.constant 0 : i32
    %cond3A_106 = arith.cmpi ne, %convert_element_type3A, %cond3A : i32
    scf.if %cond3A_106 {
      %mul3A_107 = arith.constant 10240 : i32
      %mul3A_108 = arith.muli %arg0, %mul3A_107 : i32
      %dma_start3A_109 = arith.constant 0 : i32
      %dma_start3A_110 = tpu.memref_slice %arg5[%dma_start3A_109, %mul3A_108] : memref<1x20480xf32, #tpu.memory_space<hbm>> -> memref<1x10240xf32, #tpu.memory_space<hbm>>
      %dma_start3A_111 = tpu.memref_squeeze %dma_start3A_110 : memref<1x10240xf32, #tpu.memory_space<hbm>> -> memref<10240xf32, #tpu.memory_space<hbm>>
      tpu.enqueue_dma source(%arg13 : memref<10240xf32, #tpu.memory_space<vmem_shared>>) target(%dma_start3A_111 : memref<10240xf32, #tpu.memory_space<hbm>>) target_semaphore(%arg16 : memref<!tpu.dma_semaphore, #tpu.memory_space<semaphore_mem>>)
      %mul3A_112 = arith.constant 10240 : i32
      %mul3A_113 = arith.muli %arg0, %mul3A_112 : i32
      %dma_start3A_114 = arith.constant 0 : i32
      %dma_start3A_115 = tpu.memref_slice %arg6[%dma_start3A_114, %mul3A_113] : memref<1x20480xf32, #tpu.memory_space<hbm>> -> memref<1x10240xf32, #tpu.memory_space<hbm>>
      %dma_start3A_116 = tpu.memref_squeeze %dma_start3A_115 : memref<1x10240xf32, #tpu.memory_space<hbm>> -> memref<10240xf32, #tpu.memory_space<hbm>>
      tpu.enqueue_dma source(%arg14 : memref<10240xf32, #tpu.memory_space<vmem_shared>>) target(%dma_start3A_116 : memref<10240xf32, #tpu.memory_space<hbm>>) target_semaphore(%arg16 : memref<!tpu.dma_semaphore, #tpu.memory_space<semaphore_mem>>)
      %mul3A_117 = arith.constant 10240 : i32
      %mul3A_118 = arith.muli %arg0, %mul3A_117 : i32
      %dma_start3A_119 = arith.constant 0 : i32
      %dma_start3A_120 = tpu.memref_slice %arg7[%dma_start3A_119, %mul3A_118] : memref<1x20480xf32, #tpu.memory_space<hbm>> -> memref<1x10240xf32, #tpu.memory_space<hbm>>
      %dma_start3A_121 = tpu.memref_squeeze %dma_start3A_120 : memref<1x10240xf32, #tpu.memory_space<hbm>> -> memref<10240xf32, #tpu.memory_space<hbm>>
      tpu.enqueue_dma source(%arg15 : memref<10240xf32, #tpu.memory_space<vmem_shared>>) target(%dma_start3A_121 : memref<10240xf32, #tpu.memory_space<hbm>>) target_semaphore(%arg16 : memref<!tpu.dma_semaphore, #tpu.memory_space<semaphore_mem>>)
      %dma_wait3A_122 = arith.constant 0 : i32
      %dma_wait3A_123 = tpu.memref_slice %arg5[%dma_wait3A_122, %mul3A_108] : memref<1x20480xf32, #tpu.memory_space<hbm>> -> memref<1x10240xf32, #tpu.memory_space<hbm>>
      %dma_wait3A_124 = tpu.memref_squeeze %dma_wait3A_123 : memref<1x10240xf32, #tpu.memory_space<hbm>> -> memref<10240xf32, #tpu.memory_space<hbm>>
      tpu.wait_dma2 semaphore(%arg16 : memref<!tpu.dma_semaphore, #tpu.memory_space<semaphore_mem>>) src(%arg13 : memref<10240xf32, #tpu.memory_space<vmem_shared>>) dst(%dma_wait3A_124 : memref<10240xf32, #tpu.memory_space<hbm>>)
      %dma_wait3A_125 = arith.constant 0 : i32
      %dma_wait3A_126 = tpu.memref_slice %arg6[%dma_wait3A_125, %mul3A_113] : memref<1x20480xf32, #tpu.memory_space<hbm>> -> memref<1x10240xf32, #tpu.memory_space<hbm>>
      %dma_wait3A_127 = tpu.memref_squeeze %dma_wait3A_126 : memref<1x10240xf32, #tpu.memory_space<hbm>> -> memref<10240xf32, #tpu.memory_space<hbm>>
      tpu.wait_dma2 semaphore(%arg16 : memref<!tpu.dma_semaphore, #tpu.memory_space<semaphore_mem>>) src(%arg14 : memref<10240xf32, #tpu.memory_space<vmem_shared>>) dst(%dma_wait3A_127 : memref<10240xf32, #tpu.memory_space<hbm>>)
      %dma_wait3A_128 = arith.constant 0 : i32
      %dma_wait3A_129 = tpu.memref_slice %arg7[%dma_wait3A_128, %mul3A_118] : memref<1x20480xf32, #tpu.memory_space<hbm>> -> memref<1x10240xf32, #tpu.memory_space<hbm>>
      %dma_wait3A_130 = tpu.memref_squeeze %dma_wait3A_129 : memref<1x10240xf32, #tpu.memory_space<hbm>> -> memref<10240xf32, #tpu.memory_space<hbm>>
      tpu.wait_dma2 semaphore(%arg16 : memref<!tpu.dma_semaphore, #tpu.memory_space<semaphore_mem>>) src(%arg15 : memref<10240xf32, #tpu.memory_space<vmem_shared>>) dst(%dma_wait3A_130 : memref<10240xf32, #tpu.memory_space<hbm>>)
    } else {
    }
    return
  }
}

#map = affine_map<(d0, d1) -> (0, 0)>
module attributes {stable_mosaic.version = 14 : i64} {
  func.func @body(%arg0: i32, %arg1: i32, %arg2: memref<448x128xi32, #tpu.memory_space<hbm>>, %arg3: memref<1x49152xf32, #tpu.memory_space<hbm>>, %arg4: memref<1x49152xf32, #tpu.memory_space<hbm>>, %arg5: memref<1x20480xf32, #tpu.memory_space<hbm>>, %arg6: memref<1x20480xf32, #tpu.memory_space<hbm>>, %arg7: memref<1x20480xf32, #tpu.memory_space<hbm>>, %arg8: memref<24x128xi32, #tpu.memory_space<vmem>>, %arg9: memref<1536xf32, #tpu.memory_space<vmem>>, %arg10: memref<1536xf32, #tpu.memory_space<vmem>>, %arg11: memref<128xf32, #tpu.memory_space<vmem>>, %arg12: memref<640xf32, #tpu.memory_space<vmem>>, %arg13: memref<10240xf32, #tpu.memory_space<vmem_shared>>, %arg14: memref<10240xf32, #tpu.memory_space<vmem_shared>>, %arg15: memref<10240xf32, #tpu.memory_space<vmem_shared>>, %arg16: memref<!tpu.dma_semaphore, #tpu.memory_space<semaphore_mem>>) attributes {dimension_semantics = [#tpu.dimension_semantics<core_parallel>, #tpu.dimension_semantics<subcore_parallel>], iteration_bounds = array<i64: 2, 16>, scalar_prefetch = 0 : i64, scratch_operands = 9 : i64, tpu.core_type = #tpu.core_type<sc_vector_subcore>, window_params = [{transform_indices = #map}, {transform_indices = #map}, {transform_indices = #map}, {transform_indices = #map}, {transform_indices = #map}, {transform_indices = #map}]} {
    %mul3A = arith.constant 2 : i32
    %mul3A_0 = arith.muli %arg1, %mul3A : i32
    %add3A = arith.addi %mul3A_0, %arg0 : i32
    %mul3A_1 = arith.constant 12 : i32
    %mul3A_2 = arith.muli %add3A, %mul3A_1 : i32
    %sub3A = arith.constant 384 : i32
    %sub3A_3 = arith.subi %sub3A, %mul3A_2 : i32
    %min3A = arith.constant 12 : i32
    %min3A_4 = arith.minsi %min3A, %sub3A_3 : i32
    %max3A = arith.constant 0 : i32
    %max3A_5 = arith.maxsi %min3A_4, %max3A : i32
    %mul3A_6 = arith.constant 128 : i32
    %mul3A_7 = arith.muli %mul3A_2, %mul3A_6 : i32
    %min3A_8 = arith.constant 47616 : i32
    %min3A_9 = arith.minsi %mul3A_7, %min3A_8 : i32
    %max3A_10 = arith.constant 0 : i32
    %max3A_11 = arith.maxsi %min3A_9, %max3A_10 : i32
    %multiple_of3A = tpu.assume_multiple %max3A_11, 128 : i32
    %mul3A_12 = arith.constant 128 : i32
    %mul3A_13 = arith.muli %mul3A_2, %mul3A_12 : i32
    %sub3A_14 = arith.subi %mul3A_13, %multiple_of3A : i32
    %jit3A = arith.constant 8 : i32
    %div3A = arith.divsi %mul3A_2, %jit3A : i32
    %sign3A = arith.constant 0 : i32
    %sign3A_15 = arith.cmpi sgt, %mul3A_2, %sign3A : i32
    %sign3A_16 = arith.extui %sign3A_15 : i1 to i32
    %sign3A_17 = arith.constant 0 : i32
    %sign3A_18 = arith.cmpi slt, %mul3A_2, %sign3A_17 : i32
    %sign3A_19 = arith.extui %sign3A_18 : i1 to i32
    %sign3A_20 = arith.subi %sign3A_16, %sign3A_19 : i32
    %sign3A_21 = arith.constant 0 : i32
    %sign3A_22 = arith.cmpi sgt, %jit3A, %sign3A_21 : i32
    %sign3A_23 = arith.extui %sign3A_22 : i1 to i32
    %sign3A_24 = arith.constant 0 : i32
    %sign3A_25 = arith.cmpi slt, %jit3A, %sign3A_24 : i32
    %sign3A_26 = arith.extui %sign3A_25 : i1 to i32
    %sign3A_27 = arith.subi %sign3A_23, %sign3A_26 : i32
    %ne3A = arith.cmpi ne, %sign3A_20, %sign3A_27 : i32
    %rem3A = arith.remsi %mul3A_2, %jit3A : i32
    %ne3A_28 = arith.constant 0 : i32
    %ne3A_29 = arith.cmpi ne, %rem3A, %ne3A_28 : i32
    %and3A = arith.andi %ne3A, %ne3A_29 : i1
    %sub3A_30 = arith.constant 1 : i32
    %sub3A_31 = arith.subi %div3A, %sub3A_30 : i32
    %select_n3A = arith.select %and3A, %sub3A_31, %div3A : i32
    %mul3A_32 = arith.constant 8 : i32
    %mul3A_33 = arith.muli %select_n3A, %mul3A_32 : i32
    %multiple_of3A_34 = tpu.assume_multiple %mul3A_33, 8 : i32
    %sub3A_35 = arith.subi %mul3A_2, %multiple_of3A_34 : i32
    %dma_start3A = arith.constant 0 : i32
    %dma_start3A_36 = tpu.memref_slice %arg2[%multiple_of3A_34, %dma_start3A] : memref<448x128xi32, #tpu.memory_space<hbm>> -> memref<24x128xi32, #tpu.memory_space<hbm>>
    %dma_start3A_37 = arith.constant 0 : i32
    %dma_start3A_38 = tpu.memref_slice %arg2[%multiple_of3A_34, %dma_start3A_37] : memref<448x128xi32, #tpu.memory_space<hbm>> -> memref<24x128xi32, #tpu.memory_space<hbm>>
    tpu.enqueue_dma source(%dma_start3A_38 : memref<24x128xi32, #tpu.memory_space<hbm>>) target(%arg8 : memref<24x128xi32, #tpu.memory_space<vmem>>) target_semaphore(%arg16 : memref<!tpu.dma_semaphore, #tpu.memory_space<semaphore_mem>>)
    %dma_start3A_39 = arith.constant 0 : i32
    %dma_start3A_40 = tpu.memref_slice %arg3[%dma_start3A_39, %multiple_of3A] : memref<1x49152xf32, #tpu.memory_space<hbm>> -> memref<1x1536xf32, #tpu.memory_space<hbm>>
    %dma_start3A_41 = tpu.memref_squeeze %dma_start3A_40 : memref<1x1536xf32, #tpu.memory_space<hbm>> -> memref<1536xf32, #tpu.memory_space<hbm>>
    %dma_start3A_42 = tpu.memref_slice %arg3[%dma_start3A_39, %multiple_of3A] : memref<1x49152xf32, #tpu.memory_space<hbm>> -> memref<1x1536xf32, #tpu.memory_space<hbm>>
    %dma_start3A_43 = tpu.memref_squeeze %dma_start3A_42 : memref<1x1536xf32, #tpu.memory_space<hbm>> -> memref<1536xf32, #tpu.memory_space<hbm>>
    tpu.enqueue_dma source(%dma_start3A_43 : memref<1536xf32, #tpu.memory_space<hbm>>) target(%arg9 : memref<1536xf32, #tpu.memory_space<vmem>>) target_semaphore(%arg16 : memref<!tpu.dma_semaphore, #tpu.memory_space<semaphore_mem>>)
    %dma_start3A_44 = arith.constant 0 : i32
    %dma_start3A_45 = tpu.memref_slice %arg4[%dma_start3A_44, %multiple_of3A] : memref<1x49152xf32, #tpu.memory_space<hbm>> -> memref<1x1536xf32, #tpu.memory_space<hbm>>
    %dma_start3A_46 = tpu.memref_squeeze %dma_start3A_45 : memref<1x1536xf32, #tpu.memory_space<hbm>> -> memref<1536xf32, #tpu.memory_space<hbm>>
    %dma_start3A_47 = tpu.memref_slice %arg4[%dma_start3A_44, %multiple_of3A] : memref<1x49152xf32, #tpu.memory_space<hbm>> -> memref<1x1536xf32, #tpu.memory_space<hbm>>
    %dma_start3A_48 = tpu.memref_squeeze %dma_start3A_47 : memref<1x1536xf32, #tpu.memory_space<hbm>> -> memref<1536xf32, #tpu.memory_space<hbm>>
    tpu.enqueue_dma source(%dma_start3A_48 : memref<1536xf32, #tpu.memory_space<hbm>>) target(%arg10 : memref<1536xf32, #tpu.memory_space<vmem>>) target_semaphore(%arg16 : memref<!tpu.dma_semaphore, #tpu.memory_space<semaphore_mem>>)
    %scan3A = arith.constant 0 : i32
    %scan3A_49 = arith.constant 0 : i32
    %scan3A_50 = arith.constant 40 : i32
    %scan3A_51 = arith.addi %scan3A_49, %scan3A_50 : i32
    %scan3A_52 = arith.constant 1 : i32
    %scan3A_53 = scf.for %scan3A_107 = %scan3A_49 to %scan3A_51 step %scan3A_52 iter_args(%scan3A_108 = %scan3A) -> (i32)  : i32 {
      %broadcast_in_dim3A = arith.constant 0.000000e+00 : f32
      %broadcast_in_dim3A_109 = vector.broadcast %broadcast_in_dim3A : f32 to vector<16xf32>
      %mul3A_110 = arith.constant 16 : i32
      %mul3A_111 = arith.muli %scan3A_107, %mul3A_110 : i32
      %swap3A = arith.index_cast %mul3A_111 : i32 to index
      %swap3A_112 = tpu.vector_load %arg12[%swap3A] {strides = array<i32>} : memref<640xf32, #tpu.memory_space<vmem>>, vector<16xf32>,
      %swap3A_113 = vector.shape_cast %swap3A_112 : vector<16xf32> to vector<16xf32>
      %swap3A_114 = vector.shape_cast %broadcast_in_dim3A_109 : vector<16xf32> to vector<16xf32>
      tpu.vector_store %arg12[%swap3A], %swap3A_114 {strides = array<i32>} : memref<640xf32, #tpu.memory_space<vmem>>, vector<16xf32>,
      %scan3A_115 = arith.constant 0 : i32
      scf.yield %scan3A_115 : i32
    }
    %scan3A_54 = arith.constant 40 : i32
    %mul3A_55 = arith.constant 640 : i32
    %mul3A_56 = arith.muli %arg1, %mul3A_55 : i32
    "tpu.region"() ({
      %run_scoped3A = tpu.sem_alloc : memref<!tpu.dma_semaphore, #tpu.memory_space<semaphore_mem>>
      %dma_start3A_107 = tpu.memref_slice %arg13[%mul3A_56] : memref<10240xf32, #tpu.memory_space<vmem_shared>> -> memref<640xf32, #tpu.memory_space<vmem_shared>>
      %dma_start3A_108 = tpu.memref_slice %arg13[%mul3A_56] : memref<10240xf32, #tpu.memory_space<vmem_shared>> -> memref<640xf32, #tpu.memory_space<vmem_shared>>
      tpu.enqueue_dma source(%arg12 : memref<640xf32, #tpu.memory_space<vmem>>) target(%dma_start3A_108 : memref<640xf32, #tpu.memory_space<vmem_shared>>) target_semaphore(%run_scoped3A : memref<!tpu.dma_semaphore, #tpu.memory_space<semaphore_mem>>)
      %dma_wait3A_109 = tpu.memref_slice %arg13[%mul3A_56] : memref<10240xf32, #tpu.memory_space<vmem_shared>> -> memref<640xf32, #tpu.memory_space<vmem_shared>>
      %dma_wait3A_110 = tpu.memref_slice %arg13[%mul3A_56] : memref<10240xf32, #tpu.memory_space<vmem_shared>> -> memref<640xf32, #tpu.memory_space<vmem_shared>>
      tpu.wait_dma2 semaphore(%run_scoped3A : memref<!tpu.dma_semaphore, #tpu.memory_space<semaphore_mem>>) src(%arg12 : memref<640xf32, #tpu.memory_space<vmem>>) dst(%dma_wait3A_110 : memref<640xf32, #tpu.memory_space<vmem_shared>>)
      tpu.yield
    }) : () -> ()
    %mul3A_57 = arith.constant 640 : i32
    %mul3A_58 = arith.muli %arg1, %mul3A_57 : i32
    "tpu.region"() ({
      %run_scoped3A = tpu.sem_alloc : memref<!tpu.dma_semaphore, #tpu.memory_space<semaphore_mem>>
      %dma_start3A_107 = tpu.memref_slice %arg14[%mul3A_58] : memref<10240xf32, #tpu.memory_space<vmem_shared>> -> memref<640xf32, #tpu.memory_space<vmem_shared>>
      %dma_start3A_108 = tpu.memref_slice %arg14[%mul3A_58] : memref<10240xf32, #tpu.memory_space<vmem_shared>> -> memref<640xf32, #tpu.memory_space<vmem_shared>>
      tpu.enqueue_dma source(%arg12 : memref<640xf32, #tpu.memory_space<vmem>>) target(%dma_start3A_108 : memref<640xf32, #tpu.memory_space<vmem_shared>>) target_semaphore(%run_scoped3A : memref<!tpu.dma_semaphore, #tpu.memory_space<semaphore_mem>>)
      %dma_wait3A_109 = tpu.memref_slice %arg14[%mul3A_58] : memref<10240xf32, #tpu.memory_space<vmem_shared>> -> memref<640xf32, #tpu.memory_space<vmem_shared>>
      %dma_wait3A_110 = tpu.memref_slice %arg14[%mul3A_58] : memref<10240xf32, #tpu.memory_space<vmem_shared>> -> memref<640xf32, #tpu.memory_space<vmem_shared>>
      tpu.wait_dma2 semaphore(%run_scoped3A : memref<!tpu.dma_semaphore, #tpu.memory_space<semaphore_mem>>) src(%arg12 : memref<640xf32, #tpu.memory_space<vmem>>) dst(%dma_wait3A_110 : memref<640xf32, #tpu.memory_space<vmem_shared>>)
      tpu.yield
    }) : () -> ()
    %mul3A_59 = arith.constant 640 : i32
    %mul3A_60 = arith.muli %arg1, %mul3A_59 : i32
    "tpu.region"() ({
      %run_scoped3A = tpu.sem_alloc : memref<!tpu.dma_semaphore, #tpu.memory_space<semaphore_mem>>
      %dma_start3A_107 = tpu.memref_slice %arg15[%mul3A_60] : memref<10240xf32, #tpu.memory_space<vmem_shared>> -> memref<640xf32, #tpu.memory_space<vmem_shared>>
      %dma_start3A_108 = tpu.memref_slice %arg15[%mul3A_60] : memref<10240xf32, #tpu.memory_space<vmem_shared>> -> memref<640xf32, #tpu.memory_space<vmem_shared>>
      tpu.enqueue_dma source(%arg12 : memref<640xf32, #tpu.memory_space<vmem>>) target(%dma_start3A_108 : memref<640xf32, #tpu.memory_space<vmem_shared>>) target_semaphore(%run_scoped3A : memref<!tpu.dma_semaphore, #tpu.memory_space<semaphore_mem>>)
      %dma_wait3A_109 = tpu.memref_slice %arg15[%mul3A_60] : memref<10240xf32, #tpu.memory_space<vmem_shared>> -> memref<640xf32, #tpu.memory_space<vmem_shared>>
      %dma_wait3A_110 = tpu.memref_slice %arg15[%mul3A_60] : memref<10240xf32, #tpu.memory_space<vmem_shared>> -> memref<640xf32, #tpu.memory_space<vmem_shared>>
      tpu.wait_dma2 semaphore(%run_scoped3A : memref<!tpu.dma_semaphore, #tpu.memory_space<semaphore_mem>>) src(%arg12 : memref<640xf32, #tpu.memory_space<vmem>>) dst(%dma_wait3A_110 : memref<640xf32, #tpu.memory_space<vmem_shared>>)
      tpu.yield
    }) : () -> ()
    %scan3A_61 = arith.constant 0 : i32
    %scan3A_62 = arith.constant 0 : i32
    %scan3A_63 = arith.constant 8 : i32
    %scan3A_64 = arith.addi %scan3A_62, %scan3A_63 : i32
    %scan3A_65 = arith.constant 1 : i32
    %scan3A_66 = scf.for %scan3A_107 = %scan3A_62 to %scan3A_64 step %scan3A_65 iter_args(%scan3A_108 = %scan3A_61) -> (i32)  : i32 {
      %broadcast_in_dim3A = arith.constant 1.000000e+00 : f32
      %broadcast_in_dim3A_109 = vector.broadcast %broadcast_in_dim3A : f32 to vector<16xf32>
      %mul3A_110 = arith.constant 16 : i32
      %mul3A_111 = arith.muli %scan3A_107, %mul3A_110 : i32
      %swap3A = arith.index_cast %mul3A_111 : i32 to index
      %swap3A_112 = tpu.vector_load %arg11[%swap3A] {strides = array<i32>} : memref<128xf32, #tpu.memory_space<vmem>>, vector<16xf32>,
      %swap3A_113 = vector.shape_cast %swap3A_112 : vector<16xf32> to vector<16xf32>
      %swap3A_114 = vector.shape_cast %broadcast_in_dim3A_109 : vector<16xf32> to vector<16xf32>
      tpu.vector_store %arg11[%swap3A], %swap3A_114 {strides = array<i32>} : memref<128xf32, #tpu.memory_space<vmem>>, vector<16xf32>,
      %scan3A_115 = arith.constant 0 : i32
      scf.yield %scan3A_115 : i32
    }
    %scan3A_67 = arith.constant 8 : i32
    %dma_wait3A = arith.constant 0 : i32
    %dma_wait3A_68 = tpu.memref_slice %arg2[%multiple_of3A_34, %dma_wait3A] : memref<448x128xi32, #tpu.memory_space<hbm>> -> memref<24x128xi32, #tpu.memory_space<hbm>>
    %dma_wait3A_69 = arith.constant 0 : i32
    %dma_wait3A_70 = tpu.memref_slice %arg2[%multiple_of3A_34, %dma_wait3A_69] : memref<448x128xi32, #tpu.memory_space<hbm>> -> memref<24x128xi32, #tpu.memory_space<hbm>>
    tpu.wait_dma2 semaphore(%arg16 : memref<!tpu.dma_semaphore, #tpu.memory_space<semaphore_mem>>) src(%dma_wait3A_70 : memref<24x128xi32, #tpu.memory_space<hbm>>) dst(%arg8 : memref<24x128xi32, #tpu.memory_space<vmem>>)
    %dma_wait3A_71 = arith.constant 0 : i32
    %dma_wait3A_72 = tpu.memref_slice %arg3[%dma_wait3A_71, %multiple_of3A] : memref<1x49152xf32, #tpu.memory_space<hbm>> -> memref<1x1536xf32, #tpu.memory_space<hbm>>
    %dma_wait3A_73 = tpu.memref_squeeze %dma_wait3A_72 : memref<1x1536xf32, #tpu.memory_space<hbm>> -> memref<1536xf32, #tpu.memory_space<hbm>>
    %dma_wait3A_74 = tpu.memref_slice %arg3[%dma_wait3A_71, %multiple_of3A] : memref<1x49152xf32, #tpu.memory_space<hbm>> -> memref<1x1536xf32, #tpu.memory_space<hbm>>
    %dma_wait3A_75 = tpu.memref_squeeze %dma_wait3A_74 : memref<1x1536xf32, #tpu.memory_space<hbm>> -> memref<1536xf32, #tpu.memory_space<hbm>>
    tpu.wait_dma2 semaphore(%arg16 : memref<!tpu.dma_semaphore, #tpu.memory_space<semaphore_mem>>) src(%dma_wait3A_75 : memref<1536xf32, #tpu.memory_space<hbm>>) dst(%arg9 : memref<1536xf32, #tpu.memory_space<vmem>>)
    %dma_wait3A_76 = arith.constant 0 : i32
    %dma_wait3A_77 = tpu.memref_slice %arg4[%dma_wait3A_76, %multiple_of3A] : memref<1x49152xf32, #tpu.memory_space<hbm>> -> memref<1x1536xf32, #tpu.memory_space<hbm>>
    %dma_wait3A_78 = tpu.memref_squeeze %dma_wait3A_77 : memref<1x1536xf32, #tpu.memory_space<hbm>> -> memref<1536xf32, #tpu.memory_space<hbm>>
    %dma_wait3A_79 = tpu.memref_slice %arg4[%dma_wait3A_76, %multiple_of3A] : memref<1x49152xf32, #tpu.memory_space<hbm>> -> memref<1x1536xf32, #tpu.memory_space<hbm>>
    %dma_wait3A_80 = tpu.memref_squeeze %dma_wait3A_79 : memref<1x1536xf32, #tpu.memory_space<hbm>> -> memref<1536xf32, #tpu.memory_space<hbm>>
    tpu.wait_dma2 semaphore(%arg16 : memref<!tpu.dma_semaphore, #tpu.memory_space<semaphore_mem>>) src(%dma_wait3A_80 : memref<1536xf32, #tpu.memory_space<hbm>>) dst(%arg10 : memref<1536xf32, #tpu.memory_space<vmem>>)
    %barrier3A = arith.constant 0 : index
    tpu.barrier barrier_id(%barrier3A)
    %while3A = arith.constant 0 : i32
    %while3A_81 = arith.constant 0 : i32
    %while3A_82 = arith.subi %max3A_5, %while3A : i32
    %while3A_83 = arith.addi %while3A, %while3A_82 : i32
    %while3A_84 = arith.constant 1 : i32
    %while3A_85 = arith.divsi %while3A_82, %while3A_84 : i32
    %while3A_86 = arith.muli %while3A_85, %while3A_84 : i32
    %while3A_87 = arith.addi %while3A, %while3A_86 : i32
    %while3A_88 = arith.constant 1 : i32
    %while3A_89 = scf.for %while3A_107 = %while3A to %while3A_87 step %while3A_88 iter_args(%while3A_108 = %while3A_81) -> (i32)  : i32 {
      %add3A_109 = arith.addi %sub3A_35, %while3A_107 : i32
      %mul3A_110 = arith.constant 128 : i32
      %mul3A_111 = arith.muli %while3A_107, %mul3A_110 : i32
      %add3A_112 = arith.addi %sub3A_14, %mul3A_111 : i32
      %dma_start3A_113 = tpu.memref_slice %arg9[%add3A_112] : memref<1536xf32, #tpu.memory_space<vmem>> -> memref<128xf32, #tpu.memory_space<vmem>>
      %dma_start3A_114 = arith.constant 0 : i32
      %dma_start3A_115 = tpu.memref_slice %arg8[%add3A_109, %dma_start3A_114] : memref<24x128xi32, #tpu.memory_space<vmem>> -> memref<1x128xi32, #tpu.memory_space<vmem>>
      %dma_start3A_116 = tpu.memref_squeeze %dma_start3A_115 : memref<1x128xi32, #tpu.memory_space<vmem>> -> memref<128xi32, #tpu.memory_space<vmem>>
      %dma_start3A_117 = arith.constant 0 : i32
      %dma_start3A_118 = tpu.memref_slice %arg13[%dma_start3A_117] : memref<10240xf32, #tpu.memory_space<vmem_shared>> -> memref<10240xf32, #tpu.memory_space<vmem_shared>>
      tpu.enqueue_indirect_dma source(%dma_start3A_113 : memref<128xf32, #tpu.memory_space<vmem>>) target(%dma_start3A_118 : memref<10240xf32, #tpu.memory_space<vmem_shared>>) offsets(%dma_start3A_116 : memref<128xi32, #tpu.memory_space<vmem>>) semaphore(%arg16 : memref<!tpu.dma_semaphore, #tpu.memory_space<semaphore_mem>>) {add = true}
      %mul3A_119 = arith.constant 128 : i32
      %mul3A_120 = arith.muli %while3A_107, %mul3A_119 : i32
      %add3A_121 = arith.addi %sub3A_14, %mul3A_120 : i32
      %dma_start3A_122 = tpu.memref_slice %arg10[%add3A_121] : memref<1536xf32, #tpu.memory_space<vmem>> -> memref<128xf32, #tpu.memory_space<vmem>>
      %dma_start3A_123 = arith.constant 0 : i32
      %dma_start3A_124 = tpu.memref_slice %arg8[%add3A_109, %dma_start3A_123] : memref<24x128xi32, #tpu.memory_space<vmem>> -> memref<1x128xi32, #tpu.memory_space<vmem>>
      %dma_start3A_125 = tpu.memref_squeeze %dma_start3A_124 : memref<1x128xi32, #tpu.memory_space<vmem>> -> memref<128xi32, #tpu.memory_space<vmem>>
      %dma_start3A_126 = arith.constant 0 : i32
      %dma_start3A_127 = tpu.memref_slice %arg14[%dma_start3A_126] : memref<10240xf32, #tpu.memory_space<vmem_shared>> -> memref<10240xf32, #tpu.memory_space<vmem_shared>>
      tpu.enqueue_indirect_dma source(%dma_start3A_122 : memref<128xf32, #tpu.memory_space<vmem>>) target(%dma_start3A_127 : memref<10240xf32, #tpu.memory_space<vmem_shared>>) offsets(%dma_start3A_125 : memref<128xi32, #tpu.memory_space<vmem>>) semaphore(%arg16 : memref<!tpu.dma_semaphore, #tpu.memory_space<semaphore_mem>>) {add = true}
      %dma_start3A_128 = arith.constant 0 : i32
      %dma_start3A_129 = tpu.memref_slice %arg8[%add3A_109, %dma_start3A_128] : memref<24x128xi32, #tpu.memory_space<vmem>> -> memref<1x128xi32, #tpu.memory_space<vmem>>
      %dma_start3A_130 = tpu.memref_squeeze %dma_start3A_129 : memref<1x128xi32, #tpu.memory_space<vmem>> -> memref<128xi32, #tpu.memory_space<vmem>>
      %dma_start3A_131 = arith.constant 0 : i32
      %dma_start3A_132 = tpu.memref_slice %arg15[%dma_start3A_131] : memref<10240xf32, #tpu.memory_space<vmem_shared>> -> memref<10240xf32, #tpu.memory_space<vmem_shared>>
      tpu.enqueue_indirect_dma source(%arg11 : memref<128xf32, #tpu.memory_space<vmem>>) target(%dma_start3A_132 : memref<10240xf32, #tpu.memory_space<vmem_shared>>) offsets(%dma_start3A_130 : memref<128xi32, #tpu.memory_space<vmem>>) semaphore(%arg16 : memref<!tpu.dma_semaphore, #tpu.memory_space<semaphore_mem>>) {add = true}
      %while3A_133 = arith.constant 0 : i32
      scf.yield %while3A_133 : i32
    }
    %while3A_90 = arith.constant 1 : i32
    %while3A_91 = scf.for %while3A_107 = %while3A_87 to %while3A_83 step %while3A_90 iter_args(%while3A_108 = %while3A_89) -> (i32)  : i32 {
      %add3A_109 = arith.addi %sub3A_35, %while3A_107 : i32
      %mul3A_110 = arith.constant 128 : i32
      %mul3A_111 = arith.muli %while3A_107, %mul3A_110 : i32
      %add3A_112 = arith.addi %sub3A_14, %mul3A_111 : i32
      %dma_start3A_113 = tpu.memref_slice %arg9[%add3A_112] : memref<1536xf32, #tpu.memory_space<vmem>> -> memref<128xf32, #tpu.memory_space<vmem>>
      %dma_start3A_114 = arith.constant 0 : i32
      %dma_start3A_115 = tpu.memref_slice %arg8[%add3A_109, %dma_start3A_114] : memref<24x128xi32, #tpu.memory_space<vmem>> -> memref<1x128xi32, #tpu.memory_space<vmem>>
      %dma_start3A_116 = tpu.memref_squeeze %dma_start3A_115 : memref<1x128xi32, #tpu.memory_space<vmem>> -> memref<128xi32, #tpu.memory_space<vmem>>
      %dma_start3A_117 = arith.constant 0 : i32
      %dma_start3A_118 = tpu.memref_slice %arg13[%dma_start3A_117] : memref<10240xf32, #tpu.memory_space<vmem_shared>> -> memref<10240xf32, #tpu.memory_space<vmem_shared>>
      tpu.enqueue_indirect_dma source(%dma_start3A_113 : memref<128xf32, #tpu.memory_space<vmem>>) target(%dma_start3A_118 : memref<10240xf32, #tpu.memory_space<vmem_shared>>) offsets(%dma_start3A_116 : memref<128xi32, #tpu.memory_space<vmem>>) semaphore(%arg16 : memref<!tpu.dma_semaphore, #tpu.memory_space<semaphore_mem>>) {add = true}
      %mul3A_119 = arith.constant 128 : i32
      %mul3A_120 = arith.muli %while3A_107, %mul3A_119 : i32
      %add3A_121 = arith.addi %sub3A_14, %mul3A_120 : i32
      %dma_start3A_122 = tpu.memref_slice %arg10[%add3A_121] : memref<1536xf32, #tpu.memory_space<vmem>> -> memref<128xf32, #tpu.memory_space<vmem>>
      %dma_start3A_123 = arith.constant 0 : i32
      %dma_start3A_124 = tpu.memref_slice %arg8[%add3A_109, %dma_start3A_123] : memref<24x128xi32, #tpu.memory_space<vmem>> -> memref<1x128xi32, #tpu.memory_space<vmem>>
      %dma_start3A_125 = tpu.memref_squeeze %dma_start3A_124 : memref<1x128xi32, #tpu.memory_space<vmem>> -> memref<128xi32, #tpu.memory_space<vmem>>
      %dma_start3A_126 = arith.constant 0 : i32
      %dma_start3A_127 = tpu.memref_slice %arg14[%dma_start3A_126] : memref<10240xf32, #tpu.memory_space<vmem_shared>> -> memref<10240xf32, #tpu.memory_space<vmem_shared>>
      tpu.enqueue_indirect_dma source(%dma_start3A_122 : memref<128xf32, #tpu.memory_space<vmem>>) target(%dma_start3A_127 : memref<10240xf32, #tpu.memory_space<vmem_shared>>) offsets(%dma_start3A_125 : memref<128xi32, #tpu.memory_space<vmem>>) semaphore(%arg16 : memref<!tpu.dma_semaphore, #tpu.memory_space<semaphore_mem>>) {add = true}
      %dma_start3A_128 = arith.constant 0 : i32
      %dma_start3A_129 = tpu.memref_slice %arg8[%add3A_109, %dma_start3A_128] : memref<24x128xi32, #tpu.memory_space<vmem>> -> memref<1x128xi32, #tpu.memory_space<vmem>>
      %dma_start3A_130 = tpu.memref_squeeze %dma_start3A_129 : memref<1x128xi32, #tpu.memory_space<vmem>> -> memref<128xi32, #tpu.memory_space<vmem>>
      %dma_start3A_131 = arith.constant 0 : i32
      %dma_start3A_132 = tpu.memref_slice %arg15[%dma_start3A_131] : memref<10240xf32, #tpu.memory_space<vmem_shared>> -> memref<10240xf32, #tpu.memory_space<vmem_shared>>
      tpu.enqueue_indirect_dma source(%arg11 : memref<128xf32, #tpu.memory_space<vmem>>) target(%dma_start3A_132 : memref<10240xf32, #tpu.memory_space<vmem_shared>>) offsets(%dma_start3A_130 : memref<128xi32, #tpu.memory_space<vmem>>) semaphore(%arg16 : memref<!tpu.dma_semaphore, #tpu.memory_space<semaphore_mem>>) {add = true}
      %while3A_133 = arith.constant 0 : i32
      scf.yield %while3A_133 : i32
    }
    %while3A_92 = arith.constant 0 : i32
    %while3A_93 = arith.constant 0 : i32
    %while3A_94 = arith.subi %max3A_5, %while3A_92 : i32
    %while3A_95 = arith.addi %while3A_92, %while3A_94 : i32
    %while3A_96 = arith.constant 1 : i32
    %while3A_97 = arith.divsi %while3A_94, %while3A_96 : i32
    %while3A_98 = arith.muli %while3A_97, %while3A_96 : i32
    %while3A_99 = arith.addi %while3A_92, %while3A_98 : i32
    %while3A_100 = arith.constant 1 : i32
    %while3A_101 = scf.for %while3A_107 = %while3A_92 to %while3A_99 step %while3A_100 iter_args(%while3A_108 = %while3A_93) -> (i32)  : i32 {
      %dma_wait3A_109 = arith.constant 0 : i32
      %dma_wait3A_110 = arith.constant 0 : i32
      %dma_wait3A_111 = tpu.memref_slice %arg9[%dma_wait3A_110] : memref<1536xf32, #tpu.memory_space<vmem>> -> memref<128xf32, #tpu.memory_space<vmem>>
      %dma_wait3A_112 = arith.constant 0 : i32
      %dma_wait3A_113 = tpu.memref_slice %arg3[%dma_wait3A_109, %dma_wait3A_112] : memref<1x49152xf32, #tpu.memory_space<hbm>> -> memref<1x128xf32, #tpu.memory_space<hbm>>
      %dma_wait3A_114 = tpu.memref_squeeze %dma_wait3A_113 : memref<1x128xf32, #tpu.memory_space<hbm>> -> memref<128xf32, #tpu.memory_space<hbm>>
      %dma_wait3A_115 = arith.constant 0 : i32
      %dma_wait3A_116 = tpu.memref_slice %arg9[%dma_wait3A_115] : memref<1536xf32, #tpu.memory_space<vmem>> -> memref<128xf32, #tpu.memory_space<vmem>>
      %dma_wait3A_117 = arith.constant 0 : i32
      %dma_wait3A_118 = tpu.memref_slice %arg3[%dma_wait3A_109, %dma_wait3A_117] : memref<1x49152xf32, #tpu.memory_space<hbm>> -> memref<1x128xf32, #tpu.memory_space<hbm>>
      %dma_wait3A_119 = tpu.memref_squeeze %dma_wait3A_118 : memref<1x128xf32, #tpu.memory_space<hbm>> -> memref<128xf32, #tpu.memory_space<hbm>>
      tpu.wait_dma2 semaphore(%arg16 : memref<!tpu.dma_semaphore, #tpu.memory_space<semaphore_mem>>) src(%dma_wait3A_119 : memref<128xf32, #tpu.memory_space<hbm>>) dst(%dma_wait3A_116 : memref<128xf32, #tpu.memory_space<vmem>>)
      %dma_wait3A_120 = arith.constant 0 : i32
      %dma_wait3A_121 = arith.constant 0 : i32
      %dma_wait3A_122 = tpu.memref_slice %arg9[%dma_wait3A_121] : memref<1536xf32, #tpu.memory_space<vmem>> -> memref<128xf32, #tpu.memory_space<vmem>>
      %dma_wait3A_123 = arith.constant 0 : i32
      %dma_wait3A_124 = tpu.memref_slice %arg3[%dma_wait3A_120, %dma_wait3A_123] : memref<1x49152xf32, #tpu.memory_space<hbm>> -> memref<1x128xf32, #tpu.memory_space<hbm>>
      %dma_wait3A_125 = tpu.memref_squeeze %dma_wait3A_124 : memref<1x128xf32, #tpu.memory_space<hbm>> -> memref<128xf32, #tpu.memory_space<hbm>>
      %dma_wait3A_126 = arith.constant 0 : i32
      %dma_wait3A_127 = tpu.memref_slice %arg9[%dma_wait3A_126] : memref<1536xf32, #tpu.memory_space<vmem>> -> memref<128xf32, #tpu.memory_space<vmem>>
      %dma_wait3A_128 = arith.constant 0 : i32
      %dma_wait3A_129 = tpu.memref_slice %arg3[%dma_wait3A_120, %dma_wait3A_128] : memref<1x49152xf32, #tpu.memory_space<hbm>> -> memref<1x128xf32, #tpu.memory_space<hbm>>
      %dma_wait3A_130 = tpu.memref_squeeze %dma_wait3A_129 : memref<1x128xf32, #tpu.memory_space<hbm>> -> memref<128xf32, #tpu.memory_space<hbm>>
      tpu.wait_dma2 semaphore(%arg16 : memref<!tpu.dma_semaphore, #tpu.memory_space<semaphore_mem>>) src(%dma_wait3A_130 : memref<128xf32, #tpu.memory_space<hbm>>) dst(%dma_wait3A_127 : memref<128xf32, #tpu.memory_space<vmem>>)
      %dma_wait3A_131 = arith.constant 0 : i32
      %dma_wait3A_132 = arith.constant 0 : i32
      %dma_wait3A_133 = tpu.memref_slice %arg9[%dma_wait3A_132] : memref<1536xf32, #tpu.memory_space<vmem>> -> memref<128xf32, #tpu.memory_space<vmem>>
      %dma_wait3A_134 = arith.constant 0 : i32
      %dma_wait3A_135 = tpu.memref_slice %arg3[%dma_wait3A_131, %dma_wait3A_134] : memref<1x49152xf32, #tpu.memory_space<hbm>> -> memref<1x128xf32, #tpu.memory_space<hbm>>
      %dma_wait3A_136 = tpu.memref_squeeze %dma_wait3A_135 : memref<1x128xf32, #tpu.memory_space<hbm>> -> memref<128xf32, #tpu.memory_space<hbm>>
      %dma_wait3A_137 = arith.constant 0 : i32
      %dma_wait3A_138 = tpu.memref_slice %arg9[%dma_wait3A_137] : memref<1536xf32, #tpu.memory_space<vmem>> -> memref<128xf32, #tpu.memory_space<vmem>>
      %dma_wait3A_139 = arith.constant 0 : i32
      %dma_wait3A_140 = tpu.memref_slice %arg3[%dma_wait3A_131, %dma_wait3A_139] : memref<1x49152xf32, #tpu.memory_space<hbm>> -> memref<1x128xf32, #tpu.memory_space<hbm>>
      %dma_wait3A_141 = tpu.memref_squeeze %dma_wait3A_140 : memref<1x128xf32, #tpu.memory_space<hbm>> -> memref<128xf32, #tpu.memory_space<hbm>>
      tpu.wait_dma2 semaphore(%arg16 : memref<!tpu.dma_semaphore, #tpu.memory_space<semaphore_mem>>) src(%dma_wait3A_141 : memref<128xf32, #tpu.memory_space<hbm>>) dst(%dma_wait3A_138 : memref<128xf32, #tpu.memory_space<vmem>>)
      %while3A_142 = arith.constant 0 : i32
      scf.yield %while3A_142 : i32
    }
    %while3A_102 = arith.constant 1 : i32
    %while3A_103 = scf.for %while3A_107 = %while3A_99 to %while3A_95 step %while3A_102 iter_args(%while3A_108 = %while3A_101) -> (i32)  : i32 {
      %dma_wait3A_109 = arith.constant 0 : i32
      %dma_wait3A_110 = arith.constant 0 : i32
      %dma_wait3A_111 = tpu.memref_slice %arg9[%dma_wait3A_110] : memref<1536xf32, #tpu.memory_space<vmem>> -> memref<128xf32, #tpu.memory_space<vmem>>
      %dma_wait3A_112 = arith.constant 0 : i32
      %dma_wait3A_113 = tpu.memref_slice %arg3[%dma_wait3A_109, %dma_wait3A_112] : memref<1x49152xf32, #tpu.memory_space<hbm>> -> memref<1x128xf32, #tpu.memory_space<hbm>>
      %dma_wait3A_114 = tpu.memref_squeeze %dma_wait3A_113 : memref<1x128xf32, #tpu.memory_space<hbm>> -> memref<128xf32, #tpu.memory_space<hbm>>
      %dma_wait3A_115 = arith.constant 0 : i32
      %dma_wait3A_116 = tpu.memref_slice %arg9[%dma_wait3A_115] : memref<1536xf32, #tpu.memory_space<vmem>> -> memref<128xf32, #tpu.memory_space<vmem>>
      %dma_wait3A_117 = arith.constant 0 : i32
      %dma_wait3A_118 = tpu.memref_slice %arg3[%dma_wait3A_109, %dma_wait3A_117] : memref<1x49152xf32, #tpu.memory_space<hbm>> -> memref<1x128xf32, #tpu.memory_space<hbm>>
      %dma_wait3A_119 = tpu.memref_squeeze %dma_wait3A_118 : memref<1x128xf32, #tpu.memory_space<hbm>> -> memref<128xf32, #tpu.memory_space<hbm>>
      tpu.wait_dma2 semaphore(%arg16 : memref<!tpu.dma_semaphore, #tpu.memory_space<semaphore_mem>>) src(%dma_wait3A_119 : memref<128xf32, #tpu.memory_space<hbm>>) dst(%dma_wait3A_116 : memref<128xf32, #tpu.memory_space<vmem>>)
      %dma_wait3A_120 = arith.constant 0 : i32
      %dma_wait3A_121 = arith.constant 0 : i32
      %dma_wait3A_122 = tpu.memref_slice %arg9[%dma_wait3A_121] : memref<1536xf32, #tpu.memory_space<vmem>> -> memref<128xf32, #tpu.memory_space<vmem>>
      %dma_wait3A_123 = arith.constant 0 : i32
      %dma_wait3A_124 = tpu.memref_slice %arg3[%dma_wait3A_120, %dma_wait3A_123] : memref<1x49152xf32, #tpu.memory_space<hbm>> -> memref<1x128xf32, #tpu.memory_space<hbm>>
      %dma_wait3A_125 = tpu.memref_squeeze %dma_wait3A_124 : memref<1x128xf32, #tpu.memory_space<hbm>> -> memref<128xf32, #tpu.memory_space<hbm>>
      %dma_wait3A_126 = arith.constant 0 : i32
      %dma_wait3A_127 = tpu.memref_slice %arg9[%dma_wait3A_126] : memref<1536xf32, #tpu.memory_space<vmem>> -> memref<128xf32, #tpu.memory_space<vmem>>
      %dma_wait3A_128 = arith.constant 0 : i32
      %dma_wait3A_129 = tpu.memref_slice %arg3[%dma_wait3A_120, %dma_wait3A_128] : memref<1x49152xf32, #tpu.memory_space<hbm>> -> memref<1x128xf32, #tpu.memory_space<hbm>>
      %dma_wait3A_130 = tpu.memref_squeeze %dma_wait3A_129 : memref<1x128xf32, #tpu.memory_space<hbm>> -> memref<128xf32, #tpu.memory_space<hbm>>
      tpu.wait_dma2 semaphore(%arg16 : memref<!tpu.dma_semaphore, #tpu.memory_space<semaphore_mem>>) src(%dma_wait3A_130 : memref<128xf32, #tpu.memory_space<hbm>>) dst(%dma_wait3A_127 : memref<128xf32, #tpu.memory_space<vmem>>)
      %dma_wait3A_131 = arith.constant 0 : i32
      %dma_wait3A_132 = arith.constant 0 : i32
      %dma_wait3A_133 = tpu.memref_slice %arg9[%dma_wait3A_132] : memref<1536xf32, #tpu.memory_space<vmem>> -> memref<128xf32, #tpu.memory_space<vmem>>
      %dma_wait3A_134 = arith.constant 0 : i32
      %dma_wait3A_135 = tpu.memref_slice %arg3[%dma_wait3A_131, %dma_wait3A_134] : memref<1x49152xf32, #tpu.memory_space<hbm>> -> memref<1x128xf32, #tpu.memory_space<hbm>>
      %dma_wait3A_136 = tpu.memref_squeeze %dma_wait3A_135 : memref<1x128xf32, #tpu.memory_space<hbm>> -> memref<128xf32, #tpu.memory_space<hbm>>
      %dma_wait3A_137 = arith.constant 0 : i32
      %dma_wait3A_138 = tpu.memref_slice %arg9[%dma_wait3A_137] : memref<1536xf32, #tpu.memory_space<vmem>> -> memref<128xf32, #tpu.memory_space<vmem>>
      %dma_wait3A_139 = arith.constant 0 : i32
      %dma_wait3A_140 = tpu.memref_slice %arg3[%dma_wait3A_131, %dma_wait3A_139] : memref<1x49152xf32, #tpu.memory_space<hbm>> -> memref<1x128xf32, #tpu.memory_space<hbm>>
      %dma_wait3A_141 = tpu.memref_squeeze %dma_wait3A_140 : memref<1x128xf32, #tpu.memory_space<hbm>> -> memref<128xf32, #tpu.memory_space<hbm>>
      tpu.wait_dma2 semaphore(%arg16 : memref<!tpu.dma_semaphore, #tpu.memory_space<semaphore_mem>>) src(%dma_wait3A_141 : memref<128xf32, #tpu.memory_space<hbm>>) dst(%dma_wait3A_138 : memref<128xf32, #tpu.memory_space<vmem>>)
      %while3A_142 = arith.constant 0 : i32
      scf.yield %while3A_142 : i32
    }
    %barrier3A_104 = arith.constant 0 : index
    tpu.barrier barrier_id(%barrier3A_104)
    %eq3A = arith.constant 0 : i32
    %eq3A_105 = arith.cmpi eq, %arg1, %eq3A : i32
    %convert_element_type3A = arith.extui %eq3A_105 : i1 to i32
    %cond3A = arith.constant 0 : i32
    %cond3A_106 = arith.cmpi ne, %convert_element_type3A, %cond3A : i32
    scf.if %cond3A_106 {
      %mul3A_107 = arith.constant 10240 : i32
      %mul3A_108 = arith.muli %arg0, %mul3A_107 : i32
      %dma_start3A_109 = arith.constant 0 : i32
      %dma_start3A_110 = tpu.memref_slice %arg5[%dma_start3A_109, %mul3A_108] : memref<1x20480xf32, #tpu.memory_space<hbm>> -> memref<1x10240xf32, #tpu.memory_space<hbm>>
      %dma_start3A_111 = tpu.memref_squeeze %dma_start3A_110 : memref<1x10240xf32, #tpu.memory_space<hbm>> -> memref<10240xf32, #tpu.memory_space<hbm>>
      tpu.enqueue_dma source(%arg13 : memref<10240xf32, #tpu.memory_space<vmem_shared>>) target(%dma_start3A_111 : memref<10240xf32, #tpu.memory_space<hbm>>) target_semaphore(%arg16 : memref<!tpu.dma_semaphore, #tpu.memory_space<semaphore_mem>>)
      %mul3A_112 = arith.constant 10240 : i32
      %mul3A_113 = arith.muli %arg0, %mul3A_112 : i32
      %dma_start3A_114 = arith.constant 0 : i32
      %dma_start3A_115 = tpu.memref_slice %arg6[%dma_start3A_114, %mul3A_113] : memref<1x20480xf32, #tpu.memory_space<hbm>> -> memref<1x10240xf32, #tpu.memory_space<hbm>>
      %dma_start3A_116 = tpu.memref_squeeze %dma_start3A_115 : memref<1x10240xf32, #tpu.memory_space<hbm>> -> memref<10240xf32, #tpu.memory_space<hbm>>
      tpu.enqueue_dma source(%arg14 : memref<10240xf32, #tpu.memory_space<vmem_shared>>) target(%dma_start3A_116 : memref<10240xf32, #tpu.memory_space<hbm>>) target_semaphore(%arg16 : memref<!tpu.dma_semaphore, #tpu.memory_space<semaphore_mem>>)
      %mul3A_117 = arith.constant 10240 : i32
      %mul3A_118 = arith.muli %arg0, %mul3A_117 : i32
      %dma_start3A_119 = arith.constant 0 : i32
      %dma_start3A_120 = tpu.memref_slice %arg7[%dma_start3A_119, %mul3A_118] : memref<1x20480xf32, #tpu.memory_space<hbm>> -> memref<1x10240xf32, #tpu.memory_space<hbm>>
      %dma_start3A_121 = tpu.memref_squeeze %dma_start3A_120 : memref<1x10240xf32, #tpu.memory_space<hbm>> -> memref<10240xf32, #tpu.memory_space<hbm>>
      tpu.enqueue_dma source(%arg15 : memref<10240xf32, #tpu.memory_space<vmem_shared>>) target(%dma_start3A_121 : memref<10240xf32, #tpu.memory_space<hbm>>) target_semaphore(%arg16 : memref<!tpu.dma_semaphore, #tpu.memory_space<semaphore_mem>>)
      %dma_wait3A_122 = arith.constant 0 : i32
      %dma_wait3A_123 = tpu.memref_slice %arg5[%dma_wait3A_122, %mul3A_108] : memref<1x20480xf32, #tpu.memory_space<hbm>> -> memref<1x10240xf32, #tpu.memory_space<hbm>>
      %dma_wait3A_124 = tpu.memref_squeeze %dma_wait3A_123 : memref<1x10240xf32, #tpu.memory_space<hbm>> -> memref<10240xf32, #tpu.memory_space<hbm>>
      tpu.wait_dma2 semaphore(%arg16 : memref<!tpu.dma_semaphore, #tpu.memory_space<semaphore_mem>>) src(%arg13 : memref<10240xf32, #tpu.memory_space<vmem_shared>>) dst(%dma_wait3A_124 : memref<10240xf32, #tpu.memory_space<hbm>>)
      %dma_wait3A_125 = arith.constant 0 : i32
      %dma_wait3A_126 = tpu.memref_slice %arg6[%dma_wait3A_125, %mul3A_113] : memref<1x20480xf32, #tpu.memory_space<hbm>> -> memref<1x10240xf32, #tpu.memory_space<hbm>>
      %dma_wait3A_127 = tpu.memref_squeeze %dma_wait3A_126 : memref<1x10240xf32, #tpu.memory_space<hbm>> -> memref<10240xf32, #tpu.memory_space<hbm>>
      tpu.wait_dma2 semaphore(%arg16 : memref<!tpu.dma_semaphore, #tpu.memory_space<semaphore_mem>>) src(%arg14 : memref<10240xf32, #tpu.memory_space<vmem_shared>>) dst(%dma_wait3A_127 : memref<10240xf32, #tpu.memory_space<hbm>>)
      %dma_wait3A_128 = arith.constant 0 : i32
      %dma_wait3A_129 = tpu.memref_slice %arg7[%dma_wait3A_128, %mul3A_118] : memref<1x20480xf32, #tpu.memory_space<hbm>> -> memref<1x10240xf32, #tpu.memory_space<hbm>>
      %dma_wait3A_130 = tpu.memref_squeeze %dma_wait3A_129 : memref<1x10240xf32, #tpu.memory_space<hbm>> -> memref<10240xf32, #tpu.memory_space<hbm>>
      tpu.wait_dma2 semaphore(%arg16 : memref<!tpu.dma_semaphore, #tpu.memory_space<semaphore_mem>>) src(%arg15 : memref<10240xf32, #tpu.memory_space<vmem_shared>>) dst(%dma_wait3A_130 : memref<10240xf32, #tpu.memory_space<hbm>>)
    } else {
    }
    return
  }
}

module attributes {stable_mosaic.version = 14 : i64} {
  func.func @_proj_body(%arg0: i32, %arg1: memref<8192x256xf32, #tpu.memory_space<vmem>>, %arg2: memref<2x256xf32, #tpu.memory_space<vmem>>, %arg3: memref<64x128xi32, #tpu.memory_space<vmem>>, %arg4: memref<1x8192xf32, #tpu.memory_space<vmem>>, %arg5: memref<1x8192xf32, #tpu.memory_space<vmem>>, %arg6: memref<64x128xi32, #tpu.memory_space<vmem>>) attributes {dimension_semantics = [#tpu.dimension_semantics<arbitrary>], iteration_bounds = array<i64: 11>, scalar_prefetch = 0 : i64, scratch_operands = 0 : i64, tpu.core_type = #tpu.core_type<tc>, window_params = [{transform_indices = @transform_0, window_bounds = array<i64: 8192, 256>}, {pipeline_mode = #tpu.pipeline_mode<synchronous>, transform_indices = @transform_1, window_bounds = array<i64: 2, 256>}, {transform_indices = @transform_2, window_bounds = array<i64: 64, 128>}, {transform_indices = @transform_3, window_bounds = array<i64: 1, 8192>}, {transform_indices = @transform_4, window_bounds = array<i64: 1, 8192>}, {transform_indices = @transform_5, window_bounds = array<i64: 64, 128>}]} {
    %get3A = arith.constant 0 : index
    %get3A_0 = arith.constant 0 : index
    %get3A_1 = vector.load %arg2[%get3A, %get3A_0] : memref<2x256xf32, #tpu.memory_space<vmem>>, vector<2x256xf32>
    %convert_element_type3A = arith.truncf %get3A_1 : vector<2x256xf32> to vector<2x256xbf16>
    %get3A_2 = arith.constant 0 : index
    %get3A_3 = arith.constant 0 : index
    %get3A_4 = vector.load %arg1[%get3A_2, %get3A_3] : memref<8192x256xf32, #tpu.memory_space<vmem>>, vector<8192x256xf32>
    %convert_element_type3A_5 = arith.truncf %get3A_4 : vector<8192x256xf32> to vector<8192x256xbf16>
    %dot_general3A = arith.constant dense<0.000000e+00> : vector<2x8192xf32>
    %dot_general3A_6 = tpu.matmul %convert_element_type3A, %convert_element_type3A_5, %dot_general3A {dimension_numbers = #tpu.dot_dimension_numbers<[1], [1], [0], [0], [0, 0, 1, 0], [], []>, transpose_lhs_hint = false} : vector<2x256xbf16>, vector<8192x256xbf16>, vector<2x8192xf32> -> vector<2x8192xf32>
    %slice3A = vector.extract_strided_slice %dot_general3A_6 {offsets = [0, 0], sizes = [1, 8192], strides = [1, 1]} : vector<2x8192xf32> to vector<1x8192xf32>
    %swap3A = arith.constant 0 : index
    %swap3A_7 = arith.constant 0 : index
    %swap3A_8 = vector.load %arg4[%swap3A, %swap3A_7] : memref<1x8192xf32, #tpu.memory_space<vmem>>, vector<1x8192xf32>
    tpu.vector_store %arg4[%swap3A, %swap3A_7], %slice3A {strides = array<i32>} : memref<1x8192xf32, #tpu.memory_space<vmem>>, vector<1x8192xf32>,
    %slice3A_9 = vector.extract_strided_slice %dot_general3A_6 {offsets = [1, 0], sizes = [1, 8192], strides = [1, 1]} : vector<2x8192xf32> to vector<1x8192xf32>
    %swap3A_10 = arith.constant 0 : index
    %swap3A_11 = arith.constant 0 : index
    %swap3A_12 = vector.load %arg5[%swap3A_10, %swap3A_11] : memref<1x8192xf32, #tpu.memory_space<vmem>>, vector<1x8192xf32>
    tpu.vector_store %arg5[%swap3A_10, %swap3A_11], %slice3A_9 {strides = array<i32>} : memref<1x8192xf32, #tpu.memory_space<vmem>>, vector<1x8192xf32>,
    %get3A_13 = arith.constant 0 : index
    %get3A_14 = arith.constant 0 : index
    %get3A_15 = vector.load %arg3[%get3A_13, %get3A_14] : memref<64x128xi32, #tpu.memory_space<vmem>>, vector<64x128xi32>
    %swap3A_16 = arith.constant 0 : index
    %swap3A_17 = arith.constant 0 : index
    %swap3A_18 = vector.load %arg6[%swap3A_16, %swap3A_17] : memref<64x128xi32, #tpu.memory_space<vmem>>, vector<64x128xi32>
    tpu.vector_store %arg6[%swap3A_16, %swap3A_17], %get3A_15 {strides = array<i32>} : memref<64x128xi32, #tpu.memory_space<vmem>>, vector<64x128xi32>,
    return
  }
  func.func @transform_0(%arg0: i32) -> (i32, i32) {
    %add3A = arith.constant 0 : i32
    %add3A_0 = arith.addi %arg0, %add3A : i32
    %c0_i32 = arith.constant 0 : i32
    %c0_i32_1 = arith.constant 0 : i32
    return %add3A_0, %c0_i32 : i32, i32
  }
  func.func @transform_1(%arg0: i32) -> (i32, i32) {
    %c0_i32 = arith.constant 0 : i32
    %c0_i32_0 = arith.constant 0 : i32
    %c0_i32_1 = arith.constant 0 : i32
    return %c0_i32, %c0_i32_0 : i32, i32
  }
  func.func @transform_2(%arg0: i32) -> (i32, i32) {
    %add3A = arith.constant 0 : i32
    %add3A_0 = arith.addi %arg0, %add3A : i32
    %c0_i32 = arith.constant 0 : i32
    %c0_i32_1 = arith.constant 0 : i32
    return %add3A_0, %c0_i32 : i32, i32
  }
  func.func @transform_3(%arg0: i32) -> (i32, i32) {
    %c0_i32 = arith.constant 0 : i32
    %c0_i32_0 = arith.constant 0 : i32
    return %c0_i32, %arg0 : i32, i32
  }
  func.func @transform_4(%arg0: i32) -> (i32, i32) {
    %c0_i32 = arith.constant 0 : i32
    %c0_i32_0 = arith.constant 0 : i32
    return %c0_i32, %arg0 : i32, i32
  }
  func.func @transform_5(%arg0: i32) -> (i32, i32) {
    %c0_i32 = arith.constant 0 : i32
    %c0_i32_0 = arith.constant 0 : i32
    return %arg0, %c0_i32 : i32, i32
  }
}

module attributes {stable_mosaic.version = 14 : i64} {
  func.func @_proj_body(%arg0: i32, %arg1: memref<8192x256xf32, #tpu.memory_space<vmem>>, %arg2: memref<2x256xf32, #tpu.memory_space<vmem>>, %arg3: memref<64x128xi32, #tpu.memory_space<vmem>>, %arg4: memref<1x8192xf32, #tpu.memory_space<vmem>>, %arg5: memref<1x8192xf32, #tpu.memory_space<vmem>>, %arg6: memref<64x128xi32, #tpu.memory_space<vmem>>) attributes {dimension_semantics = [#tpu.dimension_semantics<arbitrary>], iteration_bounds = array<i64: 6>, scalar_prefetch = 0 : i64, scratch_operands = 0 : i64, tpu.core_type = #tpu.core_type<tc>, window_params = [{transform_indices = @transform_0, window_bounds = array<i64: 8192, 256>}, {pipeline_mode = #tpu.pipeline_mode<synchronous>, transform_indices = @transform_1, window_bounds = array<i64: 2, 256>}, {transform_indices = @transform_2, window_bounds = array<i64: 64, 128>}, {transform_indices = @transform_3, window_bounds = array<i64: 1, 8192>}, {transform_indices = @transform_4, window_bounds = array<i64: 1, 8192>}, {transform_indices = @transform_5, window_bounds = array<i64: 64, 128>}]} {
    %get3A = arith.constant 0 : index
    %get3A_0 = arith.constant 0 : index
    %get3A_1 = vector.load %arg2[%get3A, %get3A_0] : memref<2x256xf32, #tpu.memory_space<vmem>>, vector<2x256xf32>
    %convert_element_type3A = arith.truncf %get3A_1 : vector<2x256xf32> to vector<2x256xbf16>
    %get3A_2 = arith.constant 0 : index
    %get3A_3 = arith.constant 0 : index
    %get3A_4 = vector.load %arg1[%get3A_2, %get3A_3] : memref<8192x256xf32, #tpu.memory_space<vmem>>, vector<8192x256xf32>
    %convert_element_type3A_5 = arith.truncf %get3A_4 : vector<8192x256xf32> to vector<8192x256xbf16>
    %dot_general3A = arith.constant dense<0.000000e+00> : vector<2x8192xf32>
    %dot_general3A_6 = tpu.matmul %convert_element_type3A, %convert_element_type3A_5, %dot_general3A {dimension_numbers = #tpu.dot_dimension_numbers<[1], [1], [0], [0], [0, 0, 1, 0], [], []>, transpose_lhs_hint = false} : vector<2x256xbf16>, vector<8192x256xbf16>, vector<2x8192xf32> -> vector<2x8192xf32>
    %slice3A = vector.extract_strided_slice %dot_general3A_6 {offsets = [0, 0], sizes = [1, 8192], strides = [1, 1]} : vector<2x8192xf32> to vector<1x8192xf32>
    %swap3A = arith.constant 0 : index
    %swap3A_7 = arith.constant 0 : index
    %swap3A_8 = vector.load %arg4[%swap3A, %swap3A_7] : memref<1x8192xf32, #tpu.memory_space<vmem>>, vector<1x8192xf32>
    tpu.vector_store %arg4[%swap3A, %swap3A_7], %slice3A {strides = array<i32>} : memref<1x8192xf32, #tpu.memory_space<vmem>>, vector<1x8192xf32>,
    %slice3A_9 = vector.extract_strided_slice %dot_general3A_6 {offsets = [1, 0], sizes = [1, 8192], strides = [1, 1]} : vector<2x8192xf32> to vector<1x8192xf32>
    %swap3A_10 = arith.constant 0 : index
    %swap3A_11 = arith.constant 0 : index
    %swap3A_12 = vector.load %arg5[%swap3A_10, %swap3A_11] : memref<1x8192xf32, #tpu.memory_space<vmem>>, vector<1x8192xf32>
    tpu.vector_store %arg5[%swap3A_10, %swap3A_11], %slice3A_9 {strides = array<i32>} : memref<1x8192xf32, #tpu.memory_space<vmem>>, vector<1x8192xf32>,
    %get3A_13 = arith.constant 0 : index
    %get3A_14 = arith.constant 0 : index
    %get3A_15 = vector.load %arg3[%get3A_13, %get3A_14] : memref<64x128xi32, #tpu.memory_space<vmem>>, vector<64x128xi32>
    %swap3A_16 = arith.constant 0 : index
    %swap3A_17 = arith.constant 0 : index
    %swap3A_18 = vector.load %arg6[%swap3A_16, %swap3A_17] : memref<64x128xi32, #tpu.memory_space<vmem>>, vector<64x128xi32>
    tpu.vector_store %arg6[%swap3A_16, %swap3A_17], %get3A_15 {strides = array<i32>} : memref<64x128xi32, #tpu.memory_space<vmem>>, vector<64x128xi32>,
    return
  }
  func.func @transform_0(%arg0: i32) -> (i32, i32) {
    %add3A = arith.constant 11 : i32
    %add3A_0 = arith.addi %arg0, %add3A : i32
    %c0_i32 = arith.constant 0 : i32
    %c0_i32_1 = arith.constant 0 : i32
    return %add3A_0, %c0_i32 : i32, i32
  }
  func.func @transform_1(%arg0: i32) -> (i32, i32) {
    %c0_i32 = arith.constant 0 : i32
    %c0_i32_0 = arith.constant 0 : i32
    %c0_i32_1 = arith.constant 0 : i32
    return %c0_i32, %c0_i32_0 : i32, i32
  }
  func.func @transform_2(%arg0: i32) -> (i32, i32) {
    %add3A = arith.constant 11 : i32
    %add3A_0 = arith.addi %arg0, %add3A : i32
    %c0_i32 = arith.constant 0 : i32
    %c0_i32_1 = arith.constant 0 : i32
    return %add3A_0, %c0_i32 : i32, i32
  }
  func.func @transform_3(%arg0: i32) -> (i32, i32) {
    %c0_i32 = arith.constant 0 : i32
    %c0_i32_0 = arith.constant 0 : i32
    return %c0_i32, %arg0 : i32, i32
  }
  func.func @transform_4(%arg0: i32) -> (i32, i32) {
    %c0_i32 = arith.constant 0 : i32
    %c0_i32_0 = arith.constant 0 : i32
    return %c0_i32, %arg0 : i32, i32
  }
  func.func @transform_5(%arg0: i32) -> (i32, i32) {
    %c0_i32 = arith.constant 0 : i32
    %c0_i32_0 = arith.constant 0 : i32
    return %arg0, %c0_i32 : i32, i32
  }
}

module attributes {stable_mosaic.version = 14 : i64} {
  func.func @_final_body(%arg0: memref<1x20480xf32, #tpu.memory_space<vmem>>, %arg1: memref<1x20480xf32, #tpu.memory_space<vmem>>, %arg2: memref<1x20480xf32, #tpu.memory_space<vmem>>, %arg3: memref<1x20480xf32, #tpu.memory_space<vmem>>, %arg4: memref<1x20480xf32, #tpu.memory_space<vmem>>, %arg5: memref<1x20480xf32, #tpu.memory_space<vmem>>, %arg6: memref<1x20480xf32, #tpu.memory_space<vmem>>, %arg7: memref<1x20480xf32, #tpu.memory_space<vmem>>, %arg8: memref<1x20480xf32, #tpu.memory_space<vmem>>, %arg9: memref<2xf32, #tpu.memory_space<smem>>, %arg10: memref<2x10240xf32, #tpu.memory_space<vmem>>) attributes {dimension_semantics = [], scalar_prefetch = 0 : i64, scratch_operands = 0 : i64, tpu.core_type = #tpu.core_type<tc>} {
    %get3A = arith.constant 0 : index
    %get3A_0 = arith.constant 0 : index
    %get3A_1 = vector.load %arg0[%get3A, %get3A_0] : memref<1x20480xf32, #tpu.memory_space<vmem>>, vector<1x10240xf32>
    %get3A_2 = arith.constant 0 : index
    %get3A_3 = arith.constant 10240 : index
    %get3A_4 = vector.load %arg0[%get3A_2, %get3A_3] : memref<1x20480xf32, #tpu.memory_space<vmem>>, vector<1x10240xf32>
    %add3A = arith.addf %get3A_1, %get3A_4 : vector<1x10240xf32>
    %get3A_5 = arith.constant 0 : index
    %get3A_6 = arith.constant 0 : index
    %get3A_7 = vector.load %arg3[%get3A_5, %get3A_6] : memref<1x20480xf32, #tpu.memory_space<vmem>>, vector<1x10240xf32>
    %get3A_8 = arith.constant 0 : index
    %get3A_9 = arith.constant 10240 : index
    %get3A_10 = vector.load %arg3[%get3A_8, %get3A_9] : memref<1x20480xf32, #tpu.memory_space<vmem>>, vector<1x10240xf32>
    %add3A_11 = arith.addf %get3A_7, %get3A_10 : vector<1x10240xf32>
    %add3A_12 = arith.addf %add3A, %add3A_11 : vector<1x10240xf32>
    %get3A_13 = arith.constant 0 : index
    %get3A_14 = arith.constant 0 : index
    %get3A_15 = vector.load %arg6[%get3A_13, %get3A_14] : memref<1x20480xf32, #tpu.memory_space<vmem>>, vector<1x10240xf32>
    %get3A_16 = arith.constant 0 : index
    %get3A_17 = arith.constant 10240 : index
    %get3A_18 = vector.load %arg6[%get3A_16, %get3A_17] : memref<1x20480xf32, #tpu.memory_space<vmem>>, vector<1x10240xf32>
    %add3A_19 = arith.addf %get3A_15, %get3A_18 : vector<1x10240xf32>
    %add3A_20 = arith.addf %add3A_12, %add3A_19 : vector<1x10240xf32>
    %get3A_21 = arith.constant 0 : index
    %get3A_22 = arith.constant 0 : index
    %get3A_23 = vector.load %arg1[%get3A_21, %get3A_22] : memref<1x20480xf32, #tpu.memory_space<vmem>>, vector<1x10240xf32>
    %get3A_24 = arith.constant 0 : index
    %get3A_25 = arith.constant 10240 : index
    %get3A_26 = vector.load %arg1[%get3A_24, %get3A_25] : memref<1x20480xf32, #tpu.memory_space<vmem>>, vector<1x10240xf32>
    %add3A_27 = arith.addf %get3A_23, %get3A_26 : vector<1x10240xf32>
    %get3A_28 = arith.constant 0 : index
    %get3A_29 = arith.constant 0 : index
    %get3A_30 = vector.load %arg4[%get3A_28, %get3A_29] : memref<1x20480xf32, #tpu.memory_space<vmem>>, vector<1x10240xf32>
    %get3A_31 = arith.constant 0 : index
    %get3A_32 = arith.constant 10240 : index
    %get3A_33 = vector.load %arg4[%get3A_31, %get3A_32] : memref<1x20480xf32, #tpu.memory_space<vmem>>, vector<1x10240xf32>
    %add3A_34 = arith.addf %get3A_30, %get3A_33 : vector<1x10240xf32>
    %add3A_35 = arith.addf %add3A_27, %add3A_34 : vector<1x10240xf32>
    %get3A_36 = arith.constant 0 : index
    %get3A_37 = arith.constant 0 : index
    %get3A_38 = vector.load %arg7[%get3A_36, %get3A_37] : memref<1x20480xf32, #tpu.memory_space<vmem>>, vector<1x10240xf32>
    %get3A_39 = arith.constant 0 : index
    %get3A_40 = arith.constant 10240 : index
    %get3A_41 = vector.load %arg7[%get3A_39, %get3A_40] : memref<1x20480xf32, #tpu.memory_space<vmem>>, vector<1x10240xf32>
    %add3A_42 = arith.addf %get3A_38, %get3A_41 : vector<1x10240xf32>
    %add3A_43 = arith.addf %add3A_35, %add3A_42 : vector<1x10240xf32>
    %get3A_44 = arith.constant 0 : index
    %get3A_45 = arith.constant 0 : index
    %get3A_46 = vector.load %arg2[%get3A_44, %get3A_45] : memref<1x20480xf32, #tpu.memory_space<vmem>>, vector<1x10240xf32>
    %get3A_47 = arith.constant 0 : index
    %get3A_48 = arith.constant 10240 : index
    %get3A_49 = vector.load %arg2[%get3A_47, %get3A_48] : memref<1x20480xf32, #tpu.memory_space<vmem>>, vector<1x10240xf32>
    %add3A_50 = arith.addf %get3A_46, %get3A_49 : vector<1x10240xf32>
    %get3A_51 = arith.constant 0 : index
    %get3A_52 = arith.constant 0 : index
    %get3A_53 = vector.load %arg5[%get3A_51, %get3A_52] : memref<1x20480xf32, #tpu.memory_space<vmem>>, vector<1x10240xf32>
    %get3A_54 = arith.constant 0 : index
    %get3A_55 = arith.constant 10240 : index
    %get3A_56 = vector.load %arg5[%get3A_54, %get3A_55] : memref<1x20480xf32, #tpu.memory_space<vmem>>, vector<1x10240xf32>
    %add3A_57 = arith.addf %get3A_53, %get3A_56 : vector<1x10240xf32>
    %add3A_58 = arith.addf %add3A_50, %add3A_57 : vector<1x10240xf32>
    %get3A_59 = arith.constant 0 : index
    %get3A_60 = arith.constant 0 : index
    %get3A_61 = vector.load %arg8[%get3A_59, %get3A_60] : memref<1x20480xf32, #tpu.memory_space<vmem>>, vector<1x10240xf32>
    %get3A_62 = arith.constant 0 : index
    %get3A_63 = arith.constant 10240 : index
    %get3A_64 = vector.load %arg8[%get3A_62, %get3A_63] : memref<1x20480xf32, #tpu.memory_space<vmem>>, vector<1x10240xf32>
    %add3A_65 = arith.addf %get3A_61, %get3A_64 : vector<1x10240xf32>
    %add3A_66 = arith.addf %add3A_58, %add3A_65 : vector<1x10240xf32>
    %max3A = arith.constant 1.000000e+00 : f32
    %max3A_67 = vector.broadcast %max3A : f32 to vector<1x10240xf32>
    %max3A_68 = arith.maximumf %add3A_66, %max3A_67 : vector<1x10240xf32>
    %div3A = arith.divf %add3A_20, %max3A_68 : vector<1x10240xf32>
    %get3A_69 = arith.constant 0 : index
    %get3A_70 = memref.load %arg9[%get3A_69] : memref<2xf32, #tpu.memory_space<smem>>
    %add3A_71 = vector.broadcast %get3A_70 : f32 to vector<1x10240xf32>
    %add3A_72 = arith.addf %div3A, %add3A_71 : vector<1x10240xf32>
    %div3A_73 = arith.divf %add3A_43, %max3A_68 : vector<1x10240xf32>
    %get3A_74 = arith.constant 1 : index
    %get3A_75 = memref.load %arg9[%get3A_74] : memref<2xf32, #tpu.memory_space<smem>>
    %add3A_76 = vector.broadcast %get3A_75 : f32 to vector<1x10240xf32>
    %add3A_77 = arith.addf %div3A_73, %add3A_76 : vector<1x10240xf32>
    %max3A_78 = arith.maximumf %add3A_72, %add3A_77 : vector<1x10240xf32>
    %sub3A = arith.subf %add3A_72, %max3A_78 : vector<1x10240xf32>
    %exp3A = math.exp %sub3A : vector<1x10240xf32>
    %sub3A_79 = arith.subf %add3A_77, %max3A_78 : vector<1x10240xf32>
    %exp3A_80 = math.exp %sub3A_79 : vector<1x10240xf32>
    %add3A_81 = arith.addf %exp3A, %exp3A_80 : vector<1x10240xf32>
    %div3A_82 = arith.divf %exp3A, %add3A_81 : vector<1x10240xf32>
    %swap3A = arith.constant 0 : index
    %swap3A_83 = arith.constant 0 : index
    %swap3A_84 = vector.load %arg10[%swap3A, %swap3A_83] : memref<2x10240xf32, #tpu.memory_space<vmem>>, vector<1x10240xf32>
    tpu.vector_store %arg10[%swap3A, %swap3A_83], %div3A_82 {strides = array<i32>} : memref<2x10240xf32, #tpu.memory_space<vmem>>, vector<1x10240xf32>,
    %div3A_85 = arith.divf %exp3A_80, %add3A_81 : vector<1x10240xf32>
    %swap3A_86 = arith.constant 1 : index
    %swap3A_87 = arith.constant 0 : index
    %swap3A_88 = vector.load %arg10[%swap3A_86, %swap3A_87] : memref<2x10240xf32, #tpu.memory_space<vmem>>, vector<1x10240xf32>
    tpu.vector_store %arg10[%swap3A_86, %swap3A_87], %div3A_85 {strides = array<i32>} : memref<2x10240xf32, #tpu.memory_space<vmem>>, vector<1x10240xf32>,
    return
  }
}

module attributes {stable_mosaic.version = 14 : i64} {
  func.func @_proj_body(%arg0: i32, %arg1: memref<8192x256xf32, #tpu.memory_space<vmem>>, %arg2: memref<2x256xf32, #tpu.memory_space<vmem>>, %arg3: memref<64x128xi32, #tpu.memory_space<vmem>>, %arg4: memref<1x8192xf32, #tpu.memory_space<vmem>>, %arg5: memref<1x8192xf32, #tpu.memory_space<vmem>>, %arg6: memref<64x128xi32, #tpu.memory_space<vmem>>) attributes {dimension_semantics = [#tpu.dimension_semantics<arbitrary>], iteration_bounds = array<i64: 3>, scalar_prefetch = 0 : i64, scratch_operands = 0 : i64, tpu.core_type = #tpu.core_type<tc>, window_params = [{transform_indices = @transform_0, window_bounds = array<i64: 8192, 256>}, {pipeline_mode = #tpu.pipeline_mode<synchronous>, transform_indices = @transform_1, window_bounds = array<i64: 2, 256>}, {transform_indices = @transform_2, window_bounds = array<i64: 64, 128>}, {transform_indices = @transform_3, window_bounds = array<i64: 1, 8192>}, {transform_indices = @transform_4, window_bounds = array<i64: 1, 8192>}, {transform_indices = @transform_5, window_bounds = array<i64: 64, 128>}]} {
    %get3A = arith.constant 0 : index
    %get3A_0 = arith.constant 0 : index
    %get3A_1 = vector.load %arg2[%get3A, %get3A_0] : memref<2x256xf32, #tpu.memory_space<vmem>>, vector<2x256xf32>
    %convert_element_type3A = arith.truncf %get3A_1 : vector<2x256xf32> to vector<2x256xbf16>
    %get3A_2 = arith.constant 0 : index
    %get3A_3 = arith.constant 0 : index
    %get3A_4 = vector.load %arg1[%get3A_2, %get3A_3] : memref<8192x256xf32, #tpu.memory_space<vmem>>, vector<8192x256xf32>
    %convert_element_type3A_5 = arith.truncf %get3A_4 : vector<8192x256xf32> to vector<8192x256xbf16>
    %dot_general3A = arith.constant dense<0.000000e+00> : vector<2x8192xf32>
    %dot_general3A_6 = tpu.matmul %convert_element_type3A, %convert_element_type3A_5, %dot_general3A {dimension_numbers = #tpu.dot_dimension_numbers<[1], [1], [0], [0], [0, 0, 1, 0], [], []>, transpose_lhs_hint = false} : vector<2x256xbf16>, vector<8192x256xbf16>, vector<2x8192xf32> -> vector<2x8192xf32>
    %slice3A = vector.extract_strided_slice %dot_general3A_6 {offsets = [0, 0], sizes = [1, 8192], strides = [1, 1]} : vector<2x8192xf32> to vector<1x8192xf32>
    %swap3A = arith.constant 0 : index
    %swap3A_7 = arith.constant 0 : index
    %swap3A_8 = vector.load %arg4[%swap3A, %swap3A_7] : memref<1x8192xf32, #tpu.memory_space<vmem>>, vector<1x8192xf32>
    tpu.vector_store %arg4[%swap3A, %swap3A_7], %slice3A {strides = array<i32>} : memref<1x8192xf32, #tpu.memory_space<vmem>>, vector<1x8192xf32>,
    %slice3A_9 = vector.extract_strided_slice %dot_general3A_6 {offsets = [1, 0], sizes = [1, 8192], strides = [1, 1]} : vector<2x8192xf32> to vector<1x8192xf32>
    %swap3A_10 = arith.constant 0 : index
    %swap3A_11 = arith.constant 0 : index
    %swap3A_12 = vector.load %arg5[%swap3A_10, %swap3A_11] : memref<1x8192xf32, #tpu.memory_space<vmem>>, vector<1x8192xf32>
    tpu.vector_store %arg5[%swap3A_10, %swap3A_11], %slice3A_9 {strides = array<i32>} : memref<1x8192xf32, #tpu.memory_space<vmem>>, vector<1x8192xf32>,
    %get3A_13 = arith.constant 0 : index
    %get3A_14 = arith.constant 0 : index
    %get3A_15 = vector.load %arg3[%get3A_13, %get3A_14] : memref<64x128xi32, #tpu.memory_space<vmem>>, vector<64x128xi32>
    %swap3A_16 = arith.constant 0 : index
    %swap3A_17 = arith.constant 0 : index
    %swap3A_18 = vector.load %arg6[%swap3A_16, %swap3A_17] : memref<64x128xi32, #tpu.memory_space<vmem>>, vector<64x128xi32>
    tpu.vector_store %arg6[%swap3A_16, %swap3A_17], %get3A_15 {strides = array<i32>} : memref<64x128xi32, #tpu.memory_space<vmem>>, vector<64x128xi32>,
    return
  }
  func.func @transform_0(%arg0: i32) -> (i32, i32) {
    %add3A = arith.constant 17 : i32
    %add3A_0 = arith.addi %arg0, %add3A : i32
    %c0_i32 = arith.constant 0 : i32
    %c0_i32_1 = arith.constant 0 : i32
    return %add3A_0, %c0_i32 : i32, i32
  }
  func.func @transform_1(%arg0: i32) -> (i32, i32) {
    %c0_i32 = arith.constant 0 : i32
    %c0_i32_0 = arith.constant 0 : i32
    %c0_i32_1 = arith.constant 0 : i32
    return %c0_i32, %c0_i32_0 : i32, i32
  }
  func.func @transform_2(%arg0: i32) -> (i32, i32) {
    %add3A = arith.constant 17 : i32
    %add3A_0 = arith.addi %arg0, %add3A : i32
    %c0_i32 = arith.constant 0 : i32
    %c0_i32_1 = arith.constant 0 : i32
    return %add3A_0, %c0_i32 : i32, i32
  }
  func.func @transform_3(%arg0: i32) -> (i32, i32) {
    %c0_i32 = arith.constant 0 : i32
    %c0_i32_0 = arith.constant 0 : i32
    return %c0_i32, %arg0 : i32, i32
  }
  func.func @transform_4(%arg0: i32) -> (i32, i32) {
    %c0_i32 = arith.constant 0 : i32
    %c0_i32_0 = arith.constant 0 : i32
    return %c0_i32, %arg0 : i32, i32
  }
  func.func @transform_5(%arg0: i32) -> (i32, i32) {
    %c0_i32 = arith.constant 0 : i32
    %c0_i32_0 = arith.constant 0 : i32
    return %arg0, %c0_i32 : i32, i32
  }
}

</mosaic_0001>

<sc_bundles>
// kernel: kernel.12.cloned.1.call-start
scs
__scs_entry_jumppad:
0x0: {  	(pc) =	sbr.rel $0x88, $3  }
0x1: {  	(tag) =	ssettag $0x0;
	lr =	simm.s32 $0x1  }
0x2: {  	[smem:$0x3F9D] =	sst lr;
	_ =	strace $0xD0000000  }
0x3: {  	_ = 	snop  }
0x4: {  	_ = 	snop  }
0x5: {  	_ = 	snop  }
0x6: {  	_ = 	snop  }
0x7: {  	_ = 	snop  }
__scs_overlays_trampoline_lowered:
0x8: {  	[smem:$0x3FAC] =	sst s0  }
0x9: {  	[smem:$0x3FAD] =	sst s1  }
0xa: {  	[smem:$0x3FAE] =	sst s2  }
0xb: {  	[smem:$0x3FAF] =	sst s3  }
0xc: {  	[smem:$0x3FB0] =	sst s4  }
0xd: {  	[smem:$0x3FB1] =	sst s5  }
0xe: {  	[smem:$0x3FB2] =	sst s6  }
0xf: {  	[smem:$0x3FB3] =	sst s7  }
0x10: {  	[smem:$0x3FB4] =	sst s8  }
0x11: {  	[smem:$0x3FB5] =	sst s9;
	s0 =	simm.s32 @!p0 $0x0  }
0x12: {  	s1 =	sld [smem:$0x3F9B];
	s0 =	simm.s32 @p0 $0x1  }
0x13: {  	[smem:$0x3FB6] =	sst s0;
	s0 =	simm.s32 @!p1 $0x0  }
0x14: {  	s2 =	sld [smem:$0x3F9A];
	s0 =	simm.s32 @p1 $0x1  }
0x15: {  	[smem:$0x3FB7] =	sst s0;
	s0 =	simm.s32 @!p2 $0x0  }
0x16: {  	s3 =	sld [smem:$0x3FDB];
	s0 =	simm.s32 @p2 $0x1  }
0x17: {  	s4 =	simm.s32 $0x1BF5;
	[smem:$0x3FB9] =	sst s0  }
0x18: {  	s0 =	sld [smem:$0x3F9C];
	_ =	swait.ge [sflag:s4], $0x0  }
0x19: {  	s7 =	sld [smem:$0x3F9D]  }
0x1a: {  	s8 =	sadd.s32 $0xFFFFE003, lr  }
0x1b: {  	s9 =	sadd.s32 $0xFFFFFEF7, lr;
	s5 =	simm.s32 $0xFFFFFFFF;
	p2 =	slt.u32 s8, $0xFFFFF086  }
0x1c: {  	p1 =	slt.u32 s9, $0xF7A;
	s5 =	simm.s32 @!p2 $0x0  }
0x1d: {  	s5 =	simm.s32 @p1 $0x1;
	p0 =	seq.s32 s7, s2  }
0x1e: {  	s7 =	smul.u32 @!p0 $0xF7A, s2;
	p2 =	seq.s32 @!p0 s5, $0x0  }
0x1f: {  	s9 =	smul.u32 $0xF7A, s1;
	s8 =	simm.s32 @!p0 $0x1BF5;
	p2 =	por !p2, p0  }
0x20: {  	[sflag:s8] =	ssyncset.s32 @!p0 $0xFFFFF086;
	s6 =	sadd.s32 @!p0 s3, s7;
	s7 =	simm.s32 @!p0 $0x108  }
0x21: {  	s3 =	sadd.s32 s3, s9;
	s6 =	sadd.s32 @!p0 $0x88, s6;
	s7 =	simm.s32 @p2 $0x1082  }
0x22: {  	[simem:s7], [sflag:s8] =	dma.local @!p0 [hbm:s6], $0xF7A  }
0x23: {  	s9 =	sor.u32 $0xD0000000, s2;
	s6 =	simm.s32 $0x108;
	_ =	swait.ge @!p0 [sflag:s8], $0x0  }
0x24: {  	s3 =	sadd.s32 $0x88, s3;
	s6 =	simm.s32 @!p1 $0x1082;
	[sflag:s4] =	ssyncset.s32 $0xFFFFF086  }
0x25: {  	[simem:s6], [sflag:s4] =	dma.local [hbm:s3], $0xF7A  }
0x26: {  	[smem:$0x3F9D] =	sst s1;
	(tag) =	ssettag s2;
	_ =	strace s9  }
0x27: {  	s1 =	sld [smem:$0x3FAD]  }
0x28: {  	s2 =	sld [smem:$0x3FAE]  }
0x29: {  	s4 =	sld [smem:$0x3FB0]  }
0x2a: {  	p0 =	seq.s32 s5, $0x0;
	s5 =	sld [smem:$0x3FB1]  }
0x2b: {  	s6 =	sld [smem:$0x3FB2]  }
0x2c: {  	s7 =	sld [smem:$0x3FB3]  }
0x2d: {  	s3 =	simm.s32 $0x108;
	s8 =	sld [smem:$0x3FB4]  }
0x2e: {  	s3 =	simm.s32 @!p0 $0x1082;
	s9 =	sld [smem:$0x3FB5]  }
0x2f: {  	lr =	sadd.s32 s0, s3;
	s0 =	sld [smem:$0x3FAC]  }
0x30: {  	s3 =	sld [smem:$0x3FAF]  }
0x31: {  	[smem:$0x3FB8] =	sst s10  }
0x32: {  	s10 =	sld [smem:$0x3FB6];
	_ =	sdelay $0x3  }
0x33: {  	p0 =	seq.s32 s10, $0x1;
	s10 =	sld [smem:$0x3FB8];
	_ =	sdelay $0x3  }
0x34: {  	[smem:$0x3FB8] =	sst s10  }
0x35: {  	s10 =	sld [smem:$0x3FB7];
	_ =	sdelay $0x3  }
0x36: {  	p1 =	seq.s32 s10, $0x1;
	s10 =	sld [smem:$0x3FB8];
	_ =	sdelay $0x3  }
0x37: {  	[smem:$0x3FB8] =	sst s10  }
0x38: {  	s10 =	sld [smem:$0x3FB9]  }
0x39: {  	_ = 	snop;
	(pc) =	sbr.ind lr, $3  }
0x3a: {  	_ = 	snop  }
0x3b: {  	_ = 	snop  }
0x3c: {  	p2 =	seq.s32 s10, $0x1;
	s10 =	sld [smem:$0x3FB8]  }
0x3d: {  	_ =	shalt  }
0x3e: {  	_ =	shalt  }
0x3f: {  	_ =	shalt  }
0x40: {  	_ =	shalt  }
0x41: {  	_ =	shalt  }
0x42: {  	_ =	shalt  }
0x43: {  	_ =	shalt  }
0x44: {  	_ =	shalt  }
0x45: {  	_ =	shalt  }
0x46: {  	_ =	shalt  }
0x47: {  	_ =	shalt  }
0x48: {  	_ =	shalt  }
0x49: {  	_ =	shalt  }
0x4a: {  	_ =	shalt  }
0x4b: {  	_ =	shalt  }
0x4c: {  	_ =	shalt  }
0x4d: {  	_ =	shalt  }
0x4e: {  	_ =	shalt  }
0x4f: {  	_ =	shalt  }
0x50: {  	_ =	shalt  }
0x51: {  	_ =	shalt  }
0x52: {  	_ =	shalt  }
0x53: {  	_ =	shalt  }
0x54: {  	_ =	shalt  }
0x55: {  	_ =	shalt  }
0x56: {  	_ =	shalt  }
0x57: {  	_ =	shalt  }
0x58: {  	_ =	shalt  }
0x59: {  	_ =	shalt  }
0x5a: {  	_ =	shalt  }
0x5b: {  	_ =	shalt  }
0x5c: {  	_ =	shalt  }
0x5d: {  	_ =	shalt  }
0x5e: {  	_ =	shalt  }
0x5f: {  	_ =	shalt  }
0x60: {  	_ =	shalt  }
0x61: {  	_ =	shalt  }
0x62: {  	_ =	shalt  }
0x63: {  	_ =	shalt  }
0x64: {  	_ =	shalt  }
0x65: {  	_ =	shalt  }
0x66: {  	_ =	shalt  }
0x67: {  	_ =	shalt  }
0x68: {  	_ =	shalt  }
0x69: {  	_ =	shalt  }
0x6a: {  	_ =	shalt  }
0x6b: {  	_ =	shalt  }
0x6c: {  	_ =	shalt  }
0x6d: {  	_ =	shalt  }
0x6e: {  	_ =	shalt  }
0x6f: {  	_ =	shalt  }
0x70: {  	_ =	shalt  }
0x71: {  	_ =	shalt  }
0x72: {  	_ =	shalt  }
0x73: {  	_ =	shalt  }
0x74: {  	_ =	shalt  }
0x75: {  	_ =	shalt  }
0x76: {  	_ =	shalt  }
0x77: {  	_ =	shalt  }
0x78: {  	_ =	shalt  }
0x79: {  	_ =	shalt  }
0x7a: {  	_ =	shalt  }
0x7b: {  	_ =	shalt  }
0x7c: {  	_ =	shalt  }
0x7d: {  	_ =	shalt  }
0x7e: {  	_ =	shalt  }
0x7f: {  	_ =	shalt  }
0x80: {  	_ =	shalt  }
0x81: {  	_ =	shalt  }
0x82: {  	_ =	shalt  }
0x83: {  	_ =	shalt  }
0x84: {  	_ =	shalt  }
0x85: {  	_ =	shalt  }
0x86: {  	_ =	shalt  }
0x87: {  	_ =	shalt  }
.Lfunc_end0:
.L_simem_size_0:
called_computation.1_lowered:
.L_overlay_start_0:
0x88: {  	s2 =	sld [smem:$0x3FD9]  }
0x89: {  	s3 =	sld [smem:$0x3FFE];
	_ =	sdelay $0x1  }
0x8a: {  	s1 =	srdreg.scid  }
0x8b: {  	s0 =	sand.u32 $0x1, s1  }
0x8c: {  	s17 =	sshll.u32 s0, $0xA;
	s2 =	sadd.s32 s3, s2  }
0x8d: {  	s2 =	sadd.s32 s2, s17  }
0x8e: {  	[smem:$0x3FC4] =	sst s2  }
0x8f: {  	_ = 	snop  }
0x90: {  	(tm) =	ssettm $0x1  }
0x91: {  	s18 =	sld [smem:$0x3FFB];
	_ =	sdelay $0x3  }
0x92: {  	_ =	strace s18  }
0x93: {  	s2 =	sld [smem:$0x3FFC];
	_ =	sdelay $0x3  }
0x94: {  	_ =	strace s2  }
0x95: {  	s2 =	sld [smem:$0x3FFD];
	_ =	sdelay $0x3  }
0x96: {  	_ =	strace s2  }
0x97: {  	_ =	strace $0x8FFFFFFF  }
0x98: {  	s19 =	sld [smem:$0x3FDB];
	_ =	sdelay $0x1  }
0x99: {  	s20 =	simm.s32 $_scs_section_size  }
0x9a: {  	s4 =	simm.s32 $_size__tile_overlayer_lowered;
	s5 =	simm.s32 $_tile_overlayer_lowered  }
0x9b: {  	s6 =	simm.s32 $0x1BFF;
	s21 =	sshll.u32 s5, $0x1;
	s3 =	sadd.s32 s20, s19  }
0x9c: {  	s22 =	simm.s32 $0x0;
	s4 =	sshll.u32 s4, $0x1;
	s5 =	sadd.s32 s21, s3  }
0x9d: {  	[timem:s22], [sflag:s6] =	dma.local [hbm:s5], s4  }
0x9e: {  	_ =	swait.ge [sflag:s6], s4  }
0x9f: {  	s4 =	ssub.s32 $0x0, s4;
	[sflag:s6] =	ssyncset.done $0x0  }
0xa0: {  	[sflag:s6] =	ssyncadd.s32 s4;
	_ =	sdelay $0x1  }
0xa1: {  	s23 =	simm.s32 $0x1B8B  }
0xa2: {  	_ =	swait.ge [sflag:s23], $0x1  }
0xa3: {  	[sflag:s23] =	ssyncset.done $0x0  }
0xa4: {  	[sflag:s23] =	ssyncadd.s32 $0xFFFFFFFF  }
0xa5: {  	s4 =	sld [smem:$0x0]  }
0xa6: {  	s5 =	sand.u32 $0xFFFFFFFE, s1  }
0xa7: {  	p0 =	sne.s32 s1, s5  }
0xa8: {  	s5 =	sshll.u32 @p0 s5, $0xE  }
0xa9: {  	s5 =	sadd.s32 @p0 $0x11B8D, s5;
	s6 =	sshll.u32 @p0 s4, $0x11  }
0xaa: {  	s5 =	sor.u32 @p0 s6, s5  }
0xab: {  	[sflag:s5] =	ssyncadd.remote.s32 @p0 $0x1;
	_ =	sdelay $0x1  }
0xac: {  	s5 =	simm.s32 @p0 $0x1B8D  }
0xad: {  	_ =	swait.eq @p0 [sflag:s5], $0x1  }
0xae: {  	[sflag:s5] =	ssyncadd.s32 @p0 $0xFFFFFFFF  }
0xaf: {  	s6 =	sshll.u32 @!p0 s1, $0xE  }
0xb0: {  	s6 =	sor.u32 @!p0 $0x4000, s6;
	s5 =	simm.s32 @!p0 $0x1B8D  }
0xb1: {  	s4 =	sshll.u32 @!p0 s4, $0x11;
	s6 =	sadd.s32 @!p0 $0x11B8D, s6;
	_ =	swait.eq @!p0 [sflag:s5], $0x1  }
0xb2: {  	s4 =	sor.u32 @!p0 s4, s6;
	[sflag:s5] =	ssyncadd.s32 @!p0 $0xFFFFFFFF  }
0xb3: {  	s25 =	simm.s32 $0x1B8E;
	s24 =	sld [smem:$0x3FFE];
	[sflag:s4] =	ssyncadd.remote.s32 @!p0 $0x1  }
0xb4: {  	s26 =	simm.s32 $execute0_lowered;
	[smem:$0x3FD2] =	sst s25  }
0xb5: {  	s5 =	sshll.u32 s26, $0x1;
	_ =	strace $0x80000049;
	[dreg:$0x1] =	wrdreg $0xFFFFFFFF  }
0xb6: {  	s28 =	simm.s32 $_size_execute0_lowered;
	s3 =	sadd.s32 s3, s5;
	[dreg:$0x0] =	wrdreg $0x0  }
0xb7: {  	s5 =	sshll.u32 s28, $0x1;
	[dreg:$0x2] =	wrdreg s3  }
0xb8: {  	[dreg:$0x3] =	wrdreg s5  }
0xb9: {  	[dreg:$0x4] =	wrdreg $0xC0  }
0xba: {  	_ =	task [dreg:s22], $0x5FFFF  }
0xbb: {  	[dreg:$0x1] =	wrdreg $0xFFFFFFFF  }
0xbc: {  	[dreg:$0x0] =	wrdreg $0x60  }
0xbd: {  	[dreg:$0x2] =	wrdreg s24  }
0xbe: {  	[dreg:$0x3] =	wrdreg $0x1B000  }
0xbf: {  	[dreg:$0x4] =	wrdreg $0x1D800  }
0xc0: {  	[dreg:$0x5] =	wrdreg $0x20000  }
0xc1: {  	[dreg:$0x6] =	wrdreg $0xA  }
0xc2: {  	_ =	task.clear_ibuf [dreg:s22], $0x7FFFF;
	_ =	strace $0x90000049  }
0xc3: {  	s29 =	simm.s32 $0xA;
	_ =	strace $0x8000004B  }
0xc4: {  	_ =	swait.ge [sflag:s29], $0x1  }
0xc5: {  	[sflag:s29] =	ssyncadd.s32 $0xFFFFFFFF  }
0xc6: {  	_ =	strace $0x9000004B  }
0xc7: {  	_ =	sfence  }
0xc8: {  	s30 =	sld [smem:$0x0];
	_ =	sdelay $0x2  }
0xc9: {  	s31 =	sshll.u32 s1, $0xD;
	s1 =	sshrl.u32 s1, $0x2  }
0xca: {  	s4 =	sand.u32 $0x4000, s31;
	s1 =	sadd.s32 s1, s30  }
0xcb: {  	s0 =	sor.u32 s4, s0;
	s1 =	sshll.u32 s1, $0x11  }
0xcc: {  	s0 =	sor.u32 s1, s0  }
0xcd: {  	s0 =	sadd.s32 $0x8F2B, s0  }
0xce: {  	[sflag:s0] =	ssyncadd.remote.s32 $0x1  }
0xcf: {  	_ =	sfence.sel $0xFFFF  }
0xd0: {  	[dreg:$0x0] =	wrdreg $0xFFFFFFFF;
	(pc) =	sbr.abs _section_cstart, $3  }
0xd1: {  	[dreg:$0x1] =	wrdreg $0xFFFFFFFF  }
0xd2: {  	_ =	task.clear_ibuf [dreg:s22], $0x2FFFF;
	_ =	strace $0x9FFFFFFF  }
0xd3: {  	(tm) =	ssettm $0x7FFFFFFF  }
tec
execute0_lowered:
.L_overlay_start_1:
0x0: {  	(tag) =	ssettag $0x1  }
0x1: {  	s5 =	rddreg [dreg:$0x0]  }
0x2: {  	s1 =	rddreg [dreg:$0x1]  }
0x3: {  	s0 =	srdreg.scid;
	s2 =	rddreg [dreg:$0x2]  }
0x4: {  	s18 =	stileid.u32;
	s3 =	rddreg [dreg:$0x3]  }
0x5: {  	s4 =	simm.s32 $0x0;
	s6 =	sand.u32 $0x1, s0;
	s13 =	sshll.u32 s18, $0x1  }
0x6: {  	[smem:$0x7FF] =	sst s4;
	s0 =	sor.u32 s6, s13  }
0x7: {  	s25 =	simm.s32 $0xC80;
	s7 =	smul.u32 $0xC0, s0;
	s0 =	rddreg [dreg:$0x4]  }
0x8: {  	s26 =	simm.s32 $0x1280;
	_ =	strace $0x8000004A;
	[dreg:$0xe] =	wrdreg s25  }
0x9: {  	s28 =	simm.s32 $0xD00;
	[dreg:$0xf] =	wrdreg s26  }
0xa: {  	s11 =	simm.s32 $0x1300;
	[dreg:$0x10] =	wrdreg s28  }
0xb: {  	s12 =	simm.s32 $0xD80;
	[dreg:$0x11] =	wrdreg s11  }
0xc: {  	s29 =	simm.s32 $0x1500;
	s13 =	simm.s32 $0x1380;
	[dreg:$0x12] =	wrdreg s12  }
0xd: {  	s30 =	simm.s32 $0xF80;
	s31 =	simm.s32 $0x1700;
	[dreg:$0x13] =	wrdreg s13  }
0xe: {  	s9 =	smul.u32 $0x280, s18;
	p0 =	sne.s32 s18, $0x0;
	[dreg:$0x19] =	wrdreg s29  }
0xf: {  	s18 =	simm.s32 $0xC00;
	s10 =	smul.u32 $0x500, s6;
	[dreg:$0x1a] =	wrdreg s30  }
0x10: {  	s19 =	ssub.s32 $0x2, s6;
	s15 =	sadd.s32 s9, s1;
	[smem:$0x7FD] =	sst s31  }
0x11: {  	s17 =	sadd.s32 s9, s2;
	s20 =	sadd.s32 s9, s3;
	[dreg:$0x8] =	wrdreg s15  }
0x12: {  	s21 =	sshrl.u32 s19, $0x1;
	s25 =	simm.s32 $0x1100;
	[dreg:$0x9] =	wrdreg s17  }
0x13: {  	s26 =	simm.s32 $0x1780;
	s16 =	sadd.s32 s10, s5;
	[dreg:$0xa] =	wrdreg s20  }
0x14: {  	s15 =	simm.s32 $0x1400;
	s17 =	simm.s32 $0x1480;
	[smem:$0x7FC] =	sst s25  }
0x15: {  	s20 =	simm.s32 $0x1580;
	s25 =	simm.s32 $0x1180;
	[dreg:$0x15] =	wrdreg s15  }
0x16: {  	s8 =	sand.u32 $0x1F80, s7;
	s7 =	sadd.s32 s7, s5;
	[dreg:$0x17] =	wrdreg s17  }
0x17: {  	s22 =	sadd.s32 $0x13A00, s16;
	s23 =	sadd.s32 $0x14400, s16;
	[dreg:$0x1b] =	wrdreg s20  }
0x18: {  	s24 =	sadd.s32 $0x14E00, s16;
	s16 =	simm.s32 $0xE80;
	[dreg:$0xb] =	wrdreg s22  }
0x19: {  	s20 =	simm.s32 $0x1880;
	s8 =	sadd.s32 s8, s5;
	[dreg:$0xc] =	wrdreg s23  }
0x1a: {  	s14 =	sadd.s32 $0x10A00, s7;
	s7 =	sadd.s32 $0x12200, s7;
	[dreg:$0xd] =	wrdreg s24  }
0x1b: {  	s5 =	sshll.u32 s6, $0x9;
	[dreg:$0x16] =	wrdreg s16;
	s22 =	simm.s32 $0x1600  }
0x1c: {  	s23 =	simm.s32 $0x1080;
	s24 =	simm.s32 $0x1680;
	[dreg:$0x6] =	wrdreg s14  }
0x1d: {  	s8 =	sadd.s32 $0xEE00, s8;
	[dreg:$0x7] =	wrdreg s7;
	s7 =	ssub.s32 s19, s21  }
0x1e: {  	s9 =	sor.u32 $0x180, s5;
	s10 =	sadd.s32 $0x200, s5;
	s11 =	sadd.s32 $0x280, s5  }
0x1f: {  	s12 =	sadd.s32 $0x300, s5;
	s14 =	simm.s32 $0xE00;
	s13 =	sadd.s32 $0x380, s5  }
0x20: {  	s15 =	sor.u32 $0x480, s5;
	s16 =	sor.u32 $0x500, s5;
	[dreg:$0x1d] =	wrdreg s22  }
0x21: {  	s19 =	simm.s32 $0xF00;
	s17 =	sor.u32 $0x580, s5;
	[dreg:$0x1e] =	wrdreg s23  }
0x22: {  	s21 =	simm.s32 $0x1000;
	s22 =	simm.s32 $0x1;
	[dreg:$0x1f] =	wrdreg s24  }
0x23: {  	s23 =	simm.s32 $0x80;
	s24 =	simm.s32 $0x1800;
	[dreg:$0x5] =	wrdreg s8  }
0x24: {  	s6 =	smax.u32 s7, $0x1;
	s7 =	sor.u32 $0x80, s5;
	[dreg:$0x14] =	wrdreg s14  }
0x25: {  	s8 =	sor.u32 $0x100, s5;
	s14 =	sor.u32 $0x400, s5;
	[dreg:$0x18] =	wrdreg s19  }
0x26: {  	v0 =	vimm.f32 $0.0e+00;
	v1 =	vimm.f32 $1.000000000e+00;
	s19 =	simm.s32 $0x1200;
	[dreg:$0x1c] =	wrdreg s21;
	s21 =	simm.s32 $0x2  }
.LBB2_1:
0x27: {  	s28 =	rddreg [dreg:$0x5]  }
0x28: {  	[tilespmem:s4], [sflag:$0x1] =	stream.linear.gather [hbm4b:s28+s4], $0xC00, $0x38;
	[tilespmem:$0x2280] =	vst v63  }
0x29: {  	s29 =	rddreg [dreg:$0x6]  }
0x2a: {  	[tilespmem:s18], [sflag:$0x1] =	stream.linear.gather [hbm4b:s29+s4], $0x600, $0x38;
	[tilespmem:$0x2280] =	vst v63  }
0x2b: {  	s31 =	rddreg [dreg:$0x7]  }
0x2c: {  	[tilespmem:s19], [sflag:$0x1] =	stream.linear.gather [hbm4b:s31+s4], $0x600, $0x38;
	[tilespmem:$0x2280] =	vst v63  }
0x2d: {  	[tilespmem:$0x1880] =	vst v0  }
0x2e: {  	[tilespmem:$0x1890] =	vst v0  }
0x2f: {  	[tilespmem:$0x18A0] =	vst v0  }
0x30: {  	[tilespmem:$0x18B0] =	vst v0  }
0x31: {  	[tilespmem:$0x18C0] =	vst v0  }
0x32: {  	[tilespmem:$0x18D0] =	vst v0  }
0x33: {  	[tilespmem:$0x18E0] =	vst v0  }
0x34: {  	[tilespmem:$0x18F0] =	vst v0  }
0x35: {  	[tilespmem:$0x1900] =	vst v0  }
0x36: {  	[tilespmem:$0x1910] =	vst v0  }
0x37: {  	[tilespmem:$0x1920] =	vst v0  }
0x38: {  	[tilespmem:$0x1930] =	vst v0  }
0x39: {  	[tilespmem:$0x1940] =	vst v0  }
0x3a: {  	[tilespmem:$0x1950] =	vst v0  }
0x3b: {  	[tilespmem:$0x1960] =	vst v0  }
0x3c: {  	[tilespmem:$0x1970] =	vst v0  }
0x3d: {  	[tilespmem:$0x1980] =	vst v0  }
0x3e: {  	[tilespmem:$0x1990] =	vst v0  }
0x3f: {  	[tilespmem:$0x19A0] =	vst v0  }
0x40: {  	[tilespmem:$0x19B0] =	vst v0  }
0x41: {  	[tilespmem:$0x19C0] =	vst v0  }
0x42: {  	[tilespmem:$0x19D0] =	vst v0  }
0x43: {  	[tilespmem:$0x19E0] =	vst v0  }
0x44: {  	[tilespmem:$0x19F0] =	vst v0  }
0x45: {  	[tilespmem:$0x1A00] =	vst v0  }
0x46: {  	[tilespmem:$0x1A10] =	vst v0  }
0x47: {  	[tilespmem:$0x1A20] =	vst v0  }
0x48: {  	[tilespmem:$0x1A30] =	vst v0  }
0x49: {  	[tilespmem:$0x1A40] =	vst v0  }
0x4a: {  	[tilespmem:$0x1A50] =	vst v0  }
0x4b: {  	[tilespmem:$0x1A60] =	vst v0  }
0x4c: {  	[tilespmem:$0x1A70] =	vst v0  }
0x4d: {  	[tilespmem:$0x1A80] =	vst v0  }
0x4e: {  	[tilespmem:$0x1A90] =	vst v0  }
0x4f: {  	[tilespmem:$0x1AA0] =	vst v0  }
0x50: {  	[tilespmem:$0x1AB0] =	vst v0  }
0x51: {  	[tilespmem:$0x1AC0] =	vst v0  }
0x52: {  	[tilespmem:$0x1AD0] =	vst v0  }
0x53: {  	[tilespmem:$0x1AE0] =	vst v0  }
0x54: {  	s30 =	rddreg [dreg:$0x8];
	[tilespmem:$0x1AF0] =	vst v0  }
0x55: {  	[spmem:s30] =	stream.linear.scatter [tilespmem:s20], [sflag:$0x2], $0x280, $0x38;
	[tilespmem:$0x2280] =	vst v63  }
0x56: {  	_ =	swait.ge [sflag:s21], $0x280  }
0x57: {  	[sflag:s21] =	ssyncset.done $0x0  }
0x58: {  	s31 =	rddreg [dreg:$0x9];
	[sflag:s21] =	ssyncadd.s32 $0xFFFFFD80  }
0x59: {  	[spmem:s31] =	stream.linear.scatter [tilespmem:s20], [sflag:$0x2], $0x280, $0x38;
	[tilespmem:$0x2280] =	vst v63  }
0x5a: {  	_ =	swait.ge [sflag:s21], $0x280  }
0x5b: {  	[sflag:s21] =	ssyncset.done $0x0  }
0x5c: {  	s29 =	rddreg [dreg:$0xa];
	[sflag:s21] =	ssyncadd.s32 $0xFFFFFD80  }
0x5d: {  	[spmem:s29] =	stream.linear.scatter [tilespmem:s20], [sflag:$0x2], $0x280, $0x38;
	[tilespmem:$0x2280] =	vst v63  }
0x5e: {  	_ =	swait.ge [sflag:s21], $0x280  }
0x5f: {  	[sflag:s21] =	ssyncset.done $0x0  }
0x60: {  	[sflag:s21] =	ssyncadd.s32 $0xFFFFFD80  }
0x61: {  	[tilespmem:$0x1800] =	vst v1  }
0x62: {  	[tilespmem:$0x1810] =	vst v1  }
0x63: {  	[tilespmem:$0x1820] =	vst v1  }
0x64: {  	[tilespmem:$0x1830] =	vst v1  }
0x65: {  	[tilespmem:$0x1840] =	vst v1  }
0x66: {  	[tilespmem:$0x1850] =	vst v1  }
0x67: {  	[tilespmem:$0x1860] =	vst v1  }
0x68: {  	[tilespmem:$0x1870] =	vst v1  }
0x69: {  	_ =	swait.ge [sflag:s22], $0xC00  }
0x6a: {  	[sflag:s22] =	ssyncset.done $0x0  }
0x6b: {  	[sflag:s22] =	ssyncadd.s32 $0xFFFFF400  }
0x6c: {  	_ =	swait.ge [sflag:s22], $0x600  }
0x6d: {  	[sflag:s22] =	ssyncset.done $0x0  }
0x6e: {  	[sflag:s22] =	ssyncadd.s32 $0xFFFFFA00  }
0x6f: {  	_ =	swait.ge [sflag:s22], $0x600  }
0x70: {  	[sflag:s22] =	ssyncset.done $0x0  }
0x71: {  	[sflag:s22] =	ssyncadd.s32 $0xFFFFFA00  }
0x72: {  	[bflag:$0x0] =	sbarrier.arrive $0xFFFF  }
0x73: {  	[spmem:s1] =	stream.indirect.scatter.add.f32 [tilespmem:s18], [sflag:$0x1], $0x1, s5, s23, $0xb8;
	[tilespmem:$0x2280] =	vst v63  }
0x74: {  	_ = 	snop  }
0x75: {  	[spmem:s2] =	stream.indirect.scatter.add.f32 [tilespmem:s19], [sflag:$0x1], $0x1, s5, s23, $0xb8;
	[tilespmem:$0x2280] =	vst v63  }
0x76: {  	_ = 	snop  }
0x77: {  	[spmem:s3] =	stream.indirect.scatter.add.f32 [tilespmem:s24], [sflag:$0x1], $0x1, s5, s23, $0xb8;
	[tilespmem:$0x2280] =	vst v63  }
0x78: {  	s30 =	rddreg [dreg:$0xe]  }
0x79: {  	[spmem:s1] =	stream.indirect.scatter.add.f32 [tilespmem:s30], [sflag:$0x1], $0x1, s7, s23, $0xb8;
	[tilespmem:$0x2280] =	vst v63  }
0x7a: {  	s31 =	rddreg [dreg:$0xf]  }
0x7b: {  	[spmem:s2] =	stream.indirect.scatter.add.f32 [tilespmem:s31], [sflag:$0x1], $0x1, s7, s23, $0xb8;
	[tilespmem:$0x2280] =	vst v63  }
0x7c: {  	_ = 	snop  }
0x7d: {  	[spmem:s3] =	stream.indirect.scatter.add.f32 [tilespmem:s24], [sflag:$0x1], $0x1, s7, s23, $0xb8;
	[tilespmem:$0x2280] =	vst v63  }
0x7e: {  	s30 =	rddreg [dreg:$0x10]  }
0x7f: {  	[spmem:s1] =	stream.indirect.scatter.add.f32 [tilespmem:s30], [sflag:$0x1], $0x1, s8, s23, $0xb8;
	[tilespmem:$0x2280] =	vst v63  }
0x80: {  	s31 =	rddreg [dreg:$0x11]  }
0x81: {  	[spmem:s2] =	stream.indirect.scatter.add.f32 [tilespmem:s31], [sflag:$0x1], $0x1, s8, s23, $0xb8;
	[tilespmem:$0x2280] =	vst v63  }
0x82: {  	_ = 	snop  }
0x83: {  	[spmem:s3] =	stream.indirect.scatter.add.f32 [tilespmem:s24], [sflag:$0x1], $0x1, s8, s23, $0xb8;
	[tilespmem:$0x2280] =	vst v63  }
0x84: {  	s30 =	rddreg [dreg:$0x12]  }
0x85: {  	[spmem:s1] =	stream.indirect.scatter.add.f32 [tilespmem:s30], [sflag:$0x1], $0x1, s9, s23, $0xb8;
	[tilespmem:$0x2280] =	vst v63  }
0x86: {  	s31 =	rddreg [dreg:$0x13]  }
0x87: {  	[spmem:s2] =	stream.indirect.scatter.add.f32 [tilespmem:s31], [sflag:$0x1], $0x1, s9, s23, $0xb8;
	[tilespmem:$0x2280] =	vst v63  }
0x88: {  	_ = 	snop  }
0x89: {  	[spmem:s3] =	stream.indirect.scatter.add.f32 [tilespmem:s24], [sflag:$0x1], $0x1, s9, s23, $0xb8;
	[tilespmem:$0x2280] =	vst v63  }
0x8a: {  	s30 =	rddreg [dreg:$0x14]  }
0x8b: {  	[spmem:s1] =	stream.indirect.scatter.add.f32 [tilespmem:s30], [sflag:$0x1], $0x1, s10, s23, $0xb8;
	[tilespmem:$0x2280] =	vst v63  }
0x8c: {  	s31 =	rddreg [dreg:$0x15]  }
0x8d: {  	[spmem:s2] =	stream.indirect.scatter.add.f32 [tilespmem:s31], [sflag:$0x1], $0x1, s10, s23, $0xb8;
	[tilespmem:$0x2280] =	vst v63  }
0x8e: {  	_ = 	snop  }
0x8f: {  	[spmem:s3] =	stream.indirect.scatter.add.f32 [tilespmem:s24], [sflag:$0x1], $0x1, s10, s23, $0xb8;
	[tilespmem:$0x2280] =	vst v63  }
0x90: {  	s30 =	rddreg [dreg:$0x16]  }
0x91: {  	[spmem:s1] =	stream.indirect.scatter.add.f32 [tilespmem:s30], [sflag:$0x1], $0x1, s11, s23, $0xb8;
	[tilespmem:$0x2280] =	vst v63  }
0x92: {  	s31 =	rddreg [dreg:$0x17]  }
0x93: {  	[spmem:s2] =	stream.indirect.scatter.add.f32 [tilespmem:s31], [sflag:$0x1], $0x1, s11, s23, $0xb8;
	[tilespmem:$0x2280] =	vst v63  }
0x94: {  	_ = 	snop  }
0x95: {  	[spmem:s3] =	stream.indirect.scatter.add.f32 [tilespmem:s24], [sflag:$0x1], $0x1, s11, s23, $0xb8;
	[tilespmem:$0x2280] =	vst v63  }
0x96: {  	s30 =	rddreg [dreg:$0x18]  }
0x97: {  	[spmem:s1] =	stream.indirect.scatter.add.f32 [tilespmem:s30], [sflag:$0x1], $0x1, s12, s23, $0xb8;
	[tilespmem:$0x2280] =	vst v63  }
0x98: {  	s31 =	rddreg [dreg:$0x19]  }
0x99: {  	[spmem:s2] =	stream.indirect.scatter.add.f32 [tilespmem:s31], [sflag:$0x1], $0x1, s12, s23, $0xb8;
	[tilespmem:$0x2280] =	vst v63  }
0x9a: {  	_ = 	snop  }
0x9b: {  	[spmem:s3] =	stream.indirect.scatter.add.f32 [tilespmem:s24], [sflag:$0x1], $0x1, s12, s23, $0xb8;
	[tilespmem:$0x2280] =	vst v63  }
0x9c: {  	s30 =	rddreg [dreg:$0x1a]  }
0x9d: {  	[spmem:s1] =	stream.indirect.scatter.add.f32 [tilespmem:s30], [sflag:$0x1], $0x1, s13, s23, $0xb8;
	[tilespmem:$0x2280] =	vst v63  }
0x9e: {  	s31 =	rddreg [dreg:$0x1b]  }
0x9f: {  	[spmem:s2] =	stream.indirect.scatter.add.f32 [tilespmem:s31], [sflag:$0x1], $0x1, s13, s23, $0xb8;
	[tilespmem:$0x2280] =	vst v63  }
0xa0: {  	_ = 	snop  }
0xa1: {  	[spmem:s3] =	stream.indirect.scatter.add.f32 [tilespmem:s24], [sflag:$0x1], $0x1, s13, s23, $0xb8;
	[tilespmem:$0x2280] =	vst v63  }
0xa2: {  	s30 =	rddreg [dreg:$0x1c]  }
0xa3: {  	[spmem:s1] =	stream.indirect.scatter.add.f32 [tilespmem:s30], [sflag:$0x1], $0x1, s14, s23, $0xb8;
	[tilespmem:$0x2280] =	vst v63  }
0xa4: {  	s31 =	rddreg [dreg:$0x1d]  }
0xa5: {  	[spmem:s2] =	stream.indirect.scatter.add.f32 [tilespmem:s31], [sflag:$0x1], $0x1, s14, s23, $0xb8;
	[tilespmem:$0x2280] =	vst v63  }
0xa6: {  	_ = 	snop  }
0xa7: {  	[spmem:s3] =	stream.indirect.scatter.add.f32 [tilespmem:s24], [sflag:$0x1], $0x1, s14, s23, $0xb8;
	[tilespmem:$0x2280] =	vst v63  }
0xa8: {  	s30 =	rddreg [dreg:$0x1e]  }
0xa9: {  	[spmem:s1] =	stream.indirect.scatter.add.f32 [tilespmem:s30], [sflag:$0x1], $0x1, s15, s23, $0xb8;
	[tilespmem:$0x2280] =	vst v63  }
0xaa: {  	s31 =	rddreg [dreg:$0x1f]  }
0xab: {  	[spmem:s2] =	stream.indirect.scatter.add.f32 [tilespmem:s31], [sflag:$0x1], $0x1, s15, s23, $0xb8;
	[tilespmem:$0x2280] =	vst v63  }
0xac: {  	s30 =	sld [smem:$0x7FC]  }
0xad: {  	[spmem:s3] =	stream.indirect.scatter.add.f32 [tilespmem:s24], [sflag:$0x1], $0x1, s15, s23, $0xb8;
	[tilespmem:$0x2280] =	vst v63  }
0xae: {  	s31 =	sld [smem:$0x7FD]  }
0xaf: {  	[spmem:s1] =	stream.indirect.scatter.add.f32 [tilespmem:s30], [sflag:$0x1], $0x1, s16, s23, $0xb8;
	[tilespmem:$0x2280] =	vst v63  }
0xb0: {  	_ = 	snop  }
0xb1: {  	[spmem:s2] =	stream.indirect.scatter.add.f32 [tilespmem:s31], [sflag:$0x1], $0x1, s16, s23, $0xb8;
	[tilespmem:$0x2280] =	vst v63  }
0xb2: {  	_ = 	snop  }
0xb3: {  	[spmem:s3] =	stream.indirect.scatter.add.f32 [tilespmem:s24], [sflag:$0x1], $0x1, s16, s23, $0xb8;
	[tilespmem:$0x2280] =	vst v63  }
0xb4: {  	_ = 	snop  }
0xb5: {  	[spmem:s1] =	stream.indirect.scatter.add.f32 [tilespmem:s25], [sflag:$0x1], $0x1, s17, s23, $0xb8;
	[tilespmem:$0x2280] =	vst v63  }
0xb6: {  	_ = 	snop  }
0xb7: {  	[spmem:s2] =	stream.indirect.scatter.add.f32 [tilespmem:s26], [sflag:$0x1], $0x1, s17, s23, $0xb8;
	[tilespmem:$0x2280] =	vst v63  }
0xb8: {  	_ = 	snop  }
0xb9: {  	[spmem:s3] =	stream.indirect.scatter.add.f32 [tilespmem:s24], [sflag:$0x1], $0x1, s17, s23, $0xb8;
	[tilespmem:$0x2280] =	vst v63  }
0xba: {  	_ =	swait.ge [sflag:s22], $0x80  }
0xbb: {  	[sflag:s22] =	ssyncset.done $0x0  }
0xbc: {  	[sflag:s22] =	ssyncadd.s32 $0xFFFFFF80  }
0xbd: {  	_ =	swait.ge [sflag:s22], $0x80  }
0xbe: {  	[sflag:s22] =	ssyncset.done $0x0  }
0xbf: {  	[sflag:s22] =	ssyncadd.s32 $0xFFFFFF80  }
0xc0: {  	_ =	swait.ge [sflag:s22], $0x80  }
0xc1: {  	[sflag:s22] =	ssyncset.done $0x0  }
0xc2: {  	[sflag:s22] =	ssyncadd.s32 $0xFFFFFF80  }
0xc3: {  	_ =	swait.ge [sflag:s22], $0x80  }
0xc4: {  	[sflag:s22] =	ssyncset.done $0x0  }
0xc5: {  	[sflag:s22] =	ssyncadd.s32 $0xFFFFFF80  }
0xc6: {  	_ =	swait.ge [sflag:s22], $0x80  }
0xc7: {  	[sflag:s22] =	ssyncset.done $0x0  }
0xc8: {  	[sflag:s22] =	ssyncadd.s32 $0xFFFFFF80  }
0xc9: {  	_ =	swait.ge [sflag:s22], $0x80  }
0xca: {  	[sflag:s22] =	ssyncset.done $0x0  }
0xcb: {  	[sflag:s22] =	ssyncadd.s32 $0xFFFFFF80  }
0xcc: {  	_ =	swait.ge [sflag:s22], $0x80  }
0xcd: {  	[sflag:s22] =	ssyncset.done $0x0  }
0xce: {  	[sflag:s22] =	ssyncadd.s32 $0xFFFFFF80  }
0xcf: {  	_ =	swait.ge [sflag:s22], $0x80  }
0xd0: {  	[sflag:s22] =	ssyncset.done $0x0  }
0xd1: {  	[sflag:s22] =	ssyncadd.s32 $0xFFFFFF80  }
0xd2: {  	_ =	swait.ge [sflag:s22], $0x80  }
0xd3: {  	[sflag:s22] =	ssyncset.done $0x0  }
0xd4: {  	[sflag:s22] =	ssyncadd.s32 $0xFFFFFF80  }
0xd5: {  	_ =	swait.ge [sflag:s22], $0x80  }
0xd6: {  	[sflag:s22] =	ssyncset.done $0x0  }
0xd7: {  	[sflag:s22] =	ssyncadd.s32 $0xFFFFFF80  }
0xd8: {  	_ =	swait.ge [sflag:s22], $0x80  }
0xd9: {  	[sflag:s22] =	ssyncset.done $0x0  }
0xda: {  	[sflag:s22] =	ssyncadd.s32 $0xFFFFFF80  }
0xdb: {  	_ =	swait.ge [sflag:s22], $0x80  }
0xdc: {  	[sflag:s22] =	ssyncset.done $0x0  }
0xdd: {  	[sflag:s22] =	ssyncadd.s32 $0xFFFFFF80  }
0xde: {  	_ =	swait.ge [sflag:s22], $0x80  }
0xdf: {  	[sflag:s22] =	ssyncset.done $0x0  }
0xe0: {  	[sflag:s22] =	ssyncadd.s32 $0xFFFFFF80  }
0xe1: {  	_ =	swait.ge [sflag:s22], $0x80  }
0xe2: {  	[sflag:s22] =	ssyncset.done $0x0  }
0xe3: {  	[sflag:s22] =	ssyncadd.s32 $0xFFFFFF80  }
0xe4: {  	_ =	swait.ge [sflag:s22], $0x80  }
0xe5: {  	[sflag:s22] =	ssyncset.done $0x0  }
0xe6: {  	[sflag:s22] =	ssyncadd.s32 $0xFFFFFF80  }
0xe7: {  	_ =	swait.ge [sflag:s22], $0x80  }
0xe8: {  	[sflag:s22] =	ssyncset.done $0x0  }
0xe9: {  	[sflag:s22] =	ssyncadd.s32 $0xFFFFFF80  }
0xea: {  	_ =	swait.ge [sflag:s22], $0x80  }
0xeb: {  	[sflag:s22] =	ssyncset.done $0x0  }
0xec: {  	[sflag:s22] =	ssyncadd.s32 $0xFFFFFF80  }
0xed: {  	_ =	swait.ge [sflag:s22], $0x80  }
0xee: {  	[sflag:s22] =	ssyncset.done $0x0  }
0xef: {  	[sflag:s22] =	ssyncadd.s32 $0xFFFFFF80  }
0xf0: {  	_ =	swait.ge [sflag:s22], $0x80  }
0xf1: {  	[sflag:s22] =	ssyncset.done $0x0  }
0xf2: {  	[sflag:s22] =	ssyncadd.s32 $0xFFFFFF80  }
0xf3: {  	_ =	swait.ge [sflag:s22], $0x80  }
0xf4: {  	[sflag:s22] =	ssyncset.done $0x0  }
0xf5: {  	[sflag:s22] =	ssyncadd.s32 $0xFFFFFF80  }
0xf6: {  	_ =	swait.ge [sflag:s22], $0x80  }
0xf7: {  	[sflag:s22] =	ssyncset.done $0x0  }
0xf8: {  	[sflag:s22] =	ssyncadd.s32 $0xFFFFFF80  }
0xf9: {  	_ =	swait.ge [sflag:s22], $0x80  }
0xfa: {  	[sflag:s22] =	ssyncset.done $0x0  }
0xfb: {  	[sflag:s22] =	ssyncadd.s32 $0xFFFFFF80  }
0xfc: {  	_ =	swait.ge [sflag:s22], $0x80  }
0xfd: {  	[sflag:s22] =	ssyncset.done $0x0  }
0xfe: {  	[sflag:s22] =	ssyncadd.s32 $0xFFFFFF80  }
0xff: {  	_ =	swait.ge [sflag:s22], $0x80  }
0x100: {  	[sflag:s22] =	ssyncset.done $0x0  }
0x101: {  	[sflag:s22] =	ssyncadd.s32 $0xFFFFFF80  }
0x102: {  	_ =	swait.ge [sflag:s22], $0x80  }
0x103: {  	[sflag:s22] =	ssyncset.done $0x0  }
0x104: {  	[sflag:s22] =	ssyncadd.s32 $0xFFFFFF80  }
0x105: {  	_ =	swait.ge [sflag:s22], $0x80  }
0x106: {  	[sflag:s22] =	ssyncset.done $0x0  }
0x107: {  	[sflag:s22] =	ssyncadd.s32 $0xFFFFFF80  }
0x108: {  	_ =	swait.ge [sflag:s22], $0x80  }
0x109: {  	[sflag:s22] =	ssyncset.done $0x0  }
0x10a: {  	[sflag:s22] =	ssyncadd.s32 $0xFFFFFF80  }
0x10b: {  	_ =	swait.ge [sflag:s22], $0x80  }
0x10c: {  	[sflag:s22] =	ssyncset.done $0x0  }
0x10d: {  	[sflag:s22] =	ssyncadd.s32 $0xFFFFFF80  }
0x10e: {  	_ =	swait.ge [sflag:s22], $0x80  }
0x10f: {  	[sflag:s22] =	ssyncset.done $0x0  }
0x110: {  	[sflag:s22] =	ssyncadd.s32 $0xFFFFFF80  }
0x111: {  	_ =	swait.ge [sflag:s22], $0x80  }
0x112: {  	[sflag:s22] =	ssyncset.done $0x0  }
0x113: {  	[sflag:s22] =	ssyncadd.s32 $0xFFFFFF80  }
0x114: {  	_ =	swait.ge [sflag:s22], $0x80  }
0x115: {  	[sflag:s22] =	ssyncset.done $0x0  }
0x116: {  	[sflag:s22] =	ssyncadd.s32 $0xFFFFFF80  }
0x117: {  	_ =	swait.ge [sflag:s22], $0x80  }
0x118: {  	[sflag:s22] =	ssyncset.done $0x0  }
0x119: {  	[sflag:s22] =	ssyncadd.s32 $0xFFFFFF80  }
0x11a: {  	_ =	swait.ge [sflag:s22], $0x80  }
0x11b: {  	[sflag:s22] =	ssyncset.done $0x0  }
0x11c: {  	[sflag:s22] =	ssyncadd.s32 $0xFFFFFF80  }
0x11d: {  	_ =	swait.ge [sflag:s22], $0x80  }
0x11e: {  	[sflag:s22] =	ssyncset.done $0x0  }
0x11f: {  	[sflag:s22] =	ssyncadd.s32 $0xFFFFFF80  }
0x120: {  	_ =	swait.ge [sflag:s22], $0x80  }
0x121: {  	[sflag:s22] =	ssyncset.done $0x0  }
0x122: {  	[sflag:s22] =	ssyncadd.s32 $0xFFFFFF80  }
0x123: {  	_ =	swait.ge [sflag:s22], $0x80  }
0x124: {  	[sflag:s22] =	ssyncset.done $0x0  }
0x125: {  	[sflag:s22] =	ssyncadd.s32 $0xFFFFFF80  }
0x126: {  	[bflag:$0x0] =	sbarrier.arrive $0xFFFF  }
0x127: {  	s29 =	sshrl.u32 @!p0 s1, $0x3;
	s30 =	simm.s32 @!p0 $0x1C01;
	s28 =	rddreg [dreg:$0xb]  }
0x128: {  	[hbm:s28], [sflag:s30] =	dma.local @!p0 [spmem:s29], $0x500  }
0x129: {  	s29 =	sshrl.u32 @!p0 s2, $0x3;
	s28 =	rddreg [dreg:$0xc]  }
0x12a: {  	[hbm:s28], [sflag:s30] =	dma.local @!p0 [spmem:s29], $0x500  }
0x12b: {  	s29 =	sshrl.u32 @!p0 s3, $0x3;
	s28 =	rddreg [dreg:$0xd]  }
0x12c: {  	[hbm:s28], [sflag:s30] =	dma.local @!p0 [spmem:s29], $0x500  }
0x12d: {  	s28 =	simm.s32 @!p0 $0x1  }
0x12e: {  	_ =	swait.ge @!p0 [sflag:s28], $0x500  }
0x12f: {  	[sflag:s28] =	ssyncset.done @!p0 $0x0  }
0x130: {  	s6 =	sadd.s32 $0xFFFFFFFF, s6;
	[sflag:s28] =	ssyncadd.s32 @!p0 $0xFFFFFB00  }
0x131: {  	p1 =	sne.s32 s6, $0x0;
	_ =	swait.ge @!p0 [sflag:s28], $0x500  }
.Ltmp0:
0x132: {  	[sflag:s28] =	ssyncset.done @!p0 $0x0;
	(pc) =	sbr.rel @p1 .LBB2_1-.Ltmp0, $4  }
0x133: {  	[sflag:s28] =	ssyncadd.s32 @!p0 $0xFFFFFB00  }
0x134: {  	_ =	swait.ge @!p0 [sflag:s28], $0x500  }
0x135: {  	[sflag:s28] =	ssyncset.done @!p0 $0x0  }
0x136: {  	[sflag:s28] =	ssyncadd.s32 @!p0 $0xFFFFFB00  }
0x137: {  	_ =	sfence.sel $0x180000  }
0x138: {  	[bflag:$0x0] =	sbarrier.arrive $0xFFFF  }
0x139: {  	_ =	strace $0x9000004A  }
0x13a: {  	s0 =	sadd.s32 @!p0 $0x100000, s0;
	[bflag:$0x2] =	sbarrier.arrive $0xFFFF  }
0x13b: {  	[sflag:s0] =	ssyncadd.tile.s32 @!p0 $0x1;
	_ =	shalt  }
.Lfunc_end2:
_tile_overlayer_lowered:
.L_overlay_start_2:
0x13c: {  	(tag) =	ssettag $0x2  }
0x13d: {  	s0 =	rddreg [dreg:$0x0];
	s2 =	stileid.u32  }
0x13e: {  	s1 =	rddreg [dreg:$0x1];
	p0 =	sne.s32 s2, $0x0  }
0x13f: {  	s3 =	rddreg [dreg:$0x2];
	[bflag:$0x3] =	sbarrier.arrive $0xFFFF;
	s2 =	simm.s32 @!p0 $0x1C02  }
0x140: {  	[timem:s3], [sflag:s2] =	dma.local @!p0 [hbm:s0], s1  }
0x141: {  	s0 =	simm.s32 @!p0 $0x2  }
0x142: {  	_ =	swait.ge @!p0 [sflag:s0], s1  }
0x143: {  	s1 =	ssub.s32 @!p0 $0x0, s1;
	[sflag:s0] =	ssyncset.done @!p0 $0x0  }
0x144: {  	[sflag:s0] =	ssyncadd.s32 @!p0 s1  }
0x145: {  	[bflag:$0x3] =	sbarrier.arrive $0xFFFF  }
0x146: {  	_ =	shalt  }

// kernel: kernel.15.cloned.1.call-start
scs
__scs_entry_jumppad:
0x0: {  	(pc) =	sbr.rel $0x88, $3  }
0x1: {  	(tag) =	ssettag $0x0;
	lr =	simm.s32 $0x1  }
0x2: {  	[smem:$0x3F9D] =	sst lr;
	_ =	strace $0xD0000000  }
0x3: {  	_ = 	snop  }
0x4: {  	_ = 	snop  }
0x5: {  	_ = 	snop  }
0x6: {  	_ = 	snop  }
0x7: {  	_ = 	snop  }
__scs_overlays_trampoline_lowered:
0x8: {  	[smem:$0x3FAC] =	sst s0  }
0x9: {  	[smem:$0x3FAD] =	sst s1  }
0xa: {  	[smem:$0x3FAE] =	sst s2  }
0xb: {  	[smem:$0x3FAF] =	sst s3  }
0xc: {  	[smem:$0x3FB0] =	sst s4  }
0xd: {  	[smem:$0x3FB1] =	sst s5  }
0xe: {  	[smem:$0x3FB2] =	sst s6  }
0xf: {  	[smem:$0x3FB3] =	sst s7  }
0x10: {  	[smem:$0x3FB4] =	sst s8  }
0x11: {  	[smem:$0x3FB5] =	sst s9;
	s0 =	simm.s32 @!p0 $0x0  }
0x12: {  	s1 =	sld [smem:$0x3F9B];
	s0 =	simm.s32 @p0 $0x1  }
0x13: {  	[smem:$0x3FB6] =	sst s0;
	s0 =	simm.s32 @!p1 $0x0  }
0x14: {  	s2 =	sld [smem:$0x3F9A];
	s0 =	simm.s32 @p1 $0x1  }
0x15: {  	[smem:$0x3FB7] =	sst s0;
	s0 =	simm.s32 @!p2 $0x0  }
0x16: {  	s3 =	sld [smem:$0x3FDB];
	s0 =	simm.s32 @p2 $0x1  }
0x17: {  	s4 =	simm.s32 $0x1BF5;
	[smem:$0x3FB9] =	sst s0  }
0x18: {  	s0 =	sld [smem:$0x3F9C];
	_ =	swait.ge [sflag:s4], $0x0  }
0x19: {  	s7 =	sld [smem:$0x3F9D]  }
0x1a: {  	s8 =	sadd.s32 $0xFFFFE003, lr  }
0x1b: {  	s9 =	sadd.s32 $0xFFFFFEF7, lr;
	s5 =	simm.s32 $0xFFFFFFFF;
	p2 =	slt.u32 s8, $0xFFFFF086  }
0x1c: {  	p1 =	slt.u32 s9, $0xF7A;
	s5 =	simm.s32 @!p2 $0x0  }
0x1d: {  	s5 =	simm.s32 @p1 $0x1;
	p0 =	seq.s32 s7, s2  }
0x1e: {  	s7 =	smul.u32 @!p0 $0xF7A, s2;
	p2 =	seq.s32 @!p0 s5, $0x0  }
0x1f: {  	s9 =	smul.u32 $0xF7A, s1;
	s8 =	simm.s32 @!p0 $0x1BF5;
	p2 =	por !p2, p0  }
0x20: {  	[sflag:s8] =	ssyncset.s32 @!p0 $0xFFFFF086;
	s6 =	sadd.s32 @!p0 s3, s7;
	s7 =	simm.s32 @!p0 $0x108  }
0x21: {  	s3 =	sadd.s32 s3, s9;
	s6 =	sadd.s32 @!p0 $0x88, s6;
	s7 =	simm.s32 @p2 $0x1082  }
0x22: {  	[simem:s7], [sflag:s8] =	dma.local @!p0 [hbm:s6], $0xF7A  }
0x23: {  	s9 =	sor.u32 $0xD0000000, s2;
	s6 =	simm.s32 $0x108;
	_ =	swait.ge @!p0 [sflag:s8], $0x0  }
0x24: {  	s3 =	sadd.s32 $0x88, s3;
	s6 =	simm.s32 @!p1 $0x1082;
	[sflag:s4] =	ssyncset.s32 $0xFFFFF086  }
0x25: {  	[simem:s6], [sflag:s4] =	dma.local [hbm:s3], $0xF7A  }
0x26: {  	[smem:$0x3F9D] =	sst s1;
	(tag) =	ssettag s2;
	_ =	strace s9  }
0x27: {  	s1 =	sld [smem:$0x3FAD]  }
0x28: {  	s2 =	sld [smem:$0x3FAE]  }
0x29: {  	s4 =	sld [smem:$0x3FB0]  }
0x2a: {  	p0 =	seq.s32 s5, $0x0;
	s5 =	sld [smem:$0x3FB1]  }
0x2b: {  	s6 =	sld [smem:$0x3FB2]  }
0x2c: {  	s7 =	sld [smem:$0x3FB3]  }
0x2d: {  	s3 =	simm.s32 $0x108;
	s8 =	sld [smem:$0x3FB4]  }
0x2e: {  	s3 =	simm.s32 @!p0 $0x1082;
	s9 =	sld [smem:$0x3FB5]  }
0x2f: {  	lr =	sadd.s32 s0, s3;
	s0 =	sld [smem:$0x3FAC]  }
0x30: {  	s3 =	sld [smem:$0x3FAF]  }
0x31: {  	[smem:$0x3FB8] =	sst s10  }
0x32: {  	s10 =	sld [smem:$0x3FB6];
	_ =	sdelay $0x3  }
0x33: {  	p0 =	seq.s32 s10, $0x1;
	s10 =	sld [smem:$0x3FB8];
	_ =	sdelay $0x3  }
0x34: {  	[smem:$0x3FB8] =	sst s10  }
0x35: {  	s10 =	sld [smem:$0x3FB7];
	_ =	sdelay $0x3  }
0x36: {  	p1 =	seq.s32 s10, $0x1;
	s10 =	sld [smem:$0x3FB8];
	_ =	sdelay $0x3  }
0x37: {  	[smem:$0x3FB8] =	sst s10  }
0x38: {  	s10 =	sld [smem:$0x3FB9]  }
0x39: {  	_ = 	snop;
	(pc) =	sbr.ind lr, $3  }
0x3a: {  	_ = 	snop  }
0x3b: {  	_ = 	snop  }
0x3c: {  	p2 =	seq.s32 s10, $0x1;
	s10 =	sld [smem:$0x3FB8]  }
0x3d: {  	_ =	shalt  }
0x3e: {  	_ =	shalt  }
0x3f: {  	_ =	shalt  }
0x40: {  	_ =	shalt  }
0x41: {  	_ =	shalt  }
0x42: {  	_ =	shalt  }
0x43: {  	_ =	shalt  }
0x44: {  	_ =	shalt  }
0x45: {  	_ =	shalt  }
0x46: {  	_ =	shalt  }
0x47: {  	_ =	shalt  }
0x48: {  	_ =	shalt  }
0x49: {  	_ =	shalt  }
0x4a: {  	_ =	shalt  }
0x4b: {  	_ =	shalt  }
0x4c: {  	_ =	shalt  }
0x4d: {  	_ =	shalt  }
0x4e: {  	_ =	shalt  }
0x4f: {  	_ =	shalt  }
0x50: {  	_ =	shalt  }
0x51: {  	_ =	shalt  }
0x52: {  	_ =	shalt  }
0x53: {  	_ =	shalt  }
0x54: {  	_ =	shalt  }
0x55: {  	_ =	shalt  }
0x56: {  	_ =	shalt  }
0x57: {  	_ =	shalt  }
0x58: {  	_ =	shalt  }
0x59: {  	_ =	shalt  }
0x5a: {  	_ =	shalt  }
0x5b: {  	_ =	shalt  }
0x5c: {  	_ =	shalt  }
0x5d: {  	_ =	shalt  }
0x5e: {  	_ =	shalt  }
0x5f: {  	_ =	shalt  }
0x60: {  	_ =	shalt  }
0x61: {  	_ =	shalt  }
0x62: {  	_ =	shalt  }
0x63: {  	_ =	shalt  }
0x64: {  	_ =	shalt  }
0x65: {  	_ =	shalt  }
0x66: {  	_ =	shalt  }
0x67: {  	_ =	shalt  }
0x68: {  	_ =	shalt  }
0x69: {  	_ =	shalt  }
0x6a: {  	_ =	shalt  }
0x6b: {  	_ =	shalt  }
0x6c: {  	_ =	shalt  }
0x6d: {  	_ =	shalt  }
0x6e: {  	_ =	shalt  }
0x6f: {  	_ =	shalt  }
0x70: {  	_ =	shalt  }
0x71: {  	_ =	shalt  }
0x72: {  	_ =	shalt  }
0x73: {  	_ =	shalt  }
0x74: {  	_ =	shalt  }
0x75: {  	_ =	shalt  }
0x76: {  	_ =	shalt  }
0x77: {  	_ =	shalt  }
0x78: {  	_ =	shalt  }
0x79: {  	_ =	shalt  }
0x7a: {  	_ =	shalt  }
0x7b: {  	_ =	shalt  }
0x7c: {  	_ =	shalt  }
0x7d: {  	_ =	shalt  }
0x7e: {  	_ =	shalt  }
0x7f: {  	_ =	shalt  }
0x80: {  	_ =	shalt  }
0x81: {  	_ =	shalt  }
0x82: {  	_ =	shalt  }
0x83: {  	_ =	shalt  }
0x84: {  	_ =	shalt  }
0x85: {  	_ =	shalt  }
0x86: {  	_ =	shalt  }
0x87: {  	_ =	shalt  }
.Lfunc_end0:
.L_simem_size_0:
called_computation.2_lowered:
.L_overlay_start_0:
0x88: {  	s2 =	sld [smem:$0x3FD9]  }
0x89: {  	s3 =	sld [smem:$0x3FFE];
	_ =	sdelay $0x1  }
0x8a: {  	s1 =	srdreg.scid  }
0x8b: {  	s0 =	sand.u32 $0x1, s1  }
0x8c: {  	s17 =	sshll.u32 s0, $0xA;
	s2 =	sadd.s32 s3, s2  }
0x8d: {  	s2 =	sadd.s32 s2, s17  }
0x8e: {  	[smem:$0x3FC4] =	sst s2  }
0x8f: {  	_ = 	snop  }
0x90: {  	(tm) =	ssettm $0x1  }
0x91: {  	s18 =	sld [smem:$0x3FFB];
	_ =	sdelay $0x3  }
0x92: {  	_ =	strace s18  }
0x93: {  	s2 =	sld [smem:$0x3FFC];
	_ =	sdelay $0x3  }
0x94: {  	_ =	strace s2  }
0x95: {  	s2 =	sld [smem:$0x3FFD];
	_ =	sdelay $0x3  }
0x96: {  	_ =	strace s2  }
0x97: {  	_ =	strace $0x8FFFFFFF  }
0x98: {  	s19 =	sld [smem:$0x3FDB];
	_ =	sdelay $0x1  }
0x99: {  	s20 =	simm.s32 $_scs_section_size  }
0x9a: {  	s4 =	simm.s32 $_size__tile_overlayer_lowered;
	s5 =	simm.s32 $_tile_overlayer_lowered  }
0x9b: {  	s6 =	simm.s32 $0x1BFF;
	s21 =	sshll.u32 s5, $0x1;
	s3 =	sadd.s32 s20, s19  }
0x9c: {  	s22 =	simm.s32 $0x0;
	s4 =	sshll.u32 s4, $0x1;
	s5 =	sadd.s32 s21, s3  }
0x9d: {  	[timem:s22], [sflag:s6] =	dma.local [hbm:s5], s4  }
0x9e: {  	_ =	swait.ge [sflag:s6], s4  }
0x9f: {  	s4 =	ssub.s32 $0x0, s4;
	[sflag:s6] =	ssyncset.done $0x0  }
0xa0: {  	[sflag:s6] =	ssyncadd.s32 s4;
	_ =	sdelay $0x1  }
0xa1: {  	s23 =	simm.s32 $0x1B8B  }
0xa2: {  	_ =	swait.ge [sflag:s23], $0x1  }
0xa3: {  	[sflag:s23] =	ssyncset.done $0x0  }
0xa4: {  	[sflag:s23] =	ssyncadd.s32 $0xFFFFFFFF  }
0xa5: {  	s4 =	sld [smem:$0x0]  }
0xa6: {  	s5 =	sand.u32 $0xFFFFFFFE, s1  }
0xa7: {  	p0 =	sne.s32 s1, s5  }
0xa8: {  	s5 =	sshll.u32 @p0 s5, $0xE  }
0xa9: {  	s5 =	sadd.s32 @p0 $0x11B8D, s5;
	s6 =	sshll.u32 @p0 s4, $0x11  }
0xaa: {  	s5 =	sor.u32 @p0 s6, s5  }
0xab: {  	[sflag:s5] =	ssyncadd.remote.s32 @p0 $0x1;
	_ =	sdelay $0x1  }
0xac: {  	s5 =	simm.s32 @p0 $0x1B8D  }
0xad: {  	_ =	swait.eq @p0 [sflag:s5], $0x1  }
0xae: {  	[sflag:s5] =	ssyncadd.s32 @p0 $0xFFFFFFFF  }
0xaf: {  	s6 =	sshll.u32 @!p0 s1, $0xE  }
0xb0: {  	s6 =	sor.u32 @!p0 $0x4000, s6;
	s5 =	simm.s32 @!p0 $0x1B8D  }
0xb1: {  	s4 =	sshll.u32 @!p0 s4, $0x11;
	s6 =	sadd.s32 @!p0 $0x11B8D, s6;
	_ =	swait.eq @!p0 [sflag:s5], $0x1  }
0xb2: {  	s4 =	sor.u32 @!p0 s4, s6;
	[sflag:s5] =	ssyncadd.s32 @!p0 $0xFFFFFFFF  }
0xb3: {  	s25 =	simm.s32 $0x1B8E;
	s24 =	sld [smem:$0x3FFE];
	[sflag:s4] =	ssyncadd.remote.s32 @!p0 $0x1  }
0xb4: {  	s26 =	simm.s32 $execute0_lowered;
	[smem:$0x3FD2] =	sst s25  }
0xb5: {  	s5 =	sshll.u32 s26, $0x1;
	_ =	strace $0x8000004C;
	[dreg:$0x1] =	wrdreg $0xFFFFFFFF  }
0xb6: {  	s28 =	simm.s32 $_size_execute0_lowered;
	s3 =	sadd.s32 s3, s5;
	[dreg:$0x0] =	wrdreg $0x0  }
0xb7: {  	s5 =	sshll.u32 s28, $0x1;
	[dreg:$0x2] =	wrdreg s3  }
0xb8: {  	[dreg:$0x3] =	wrdreg s5  }
0xb9: {  	[dreg:$0x4] =	wrdreg $0xC0  }
0xba: {  	_ =	task [dreg:s22], $0x5FFFF  }
0xbb: {  	[dreg:$0x1] =	wrdreg $0xFFFFFFFF  }
0xbc: {  	[dreg:$0x0] =	wrdreg $0x60  }
0xbd: {  	[dreg:$0x2] =	wrdreg s24  }
0xbe: {  	[dreg:$0x3] =	wrdreg $0x11000  }
0xbf: {  	[dreg:$0x4] =	wrdreg $0x13800  }
0xc0: {  	[dreg:$0x5] =	wrdreg $0x16000  }
0xc1: {  	[dreg:$0x6] =	wrdreg $0xB  }
0xc2: {  	_ =	task.clear_ibuf [dreg:s22], $0x7FFFF;
	_ =	strace $0x9000004C  }
0xc3: {  	s29 =	simm.s32 $0xB;
	_ =	strace $0x8000004E  }
0xc4: {  	_ =	swait.ge [sflag:s29], $0x1  }
0xc5: {  	[sflag:s29] =	ssyncadd.s32 $0xFFFFFFFF  }
0xc6: {  	_ =	strace $0x9000004E  }
0xc7: {  	_ =	sfence  }
0xc8: {  	s30 =	sld [smem:$0x0];
	_ =	sdelay $0x2  }
0xc9: {  	s31 =	sshll.u32 s1, $0xD;
	s1 =	sshrl.u32 s1, $0x2  }
0xca: {  	s4 =	sand.u32 $0x4000, s31;
	s1 =	sadd.s32 s1, s30  }
0xcb: {  	s0 =	sor.u32 s4, s0;
	s1 =	sshll.u32 s1, $0x11  }
0xcc: {  	s0 =	sor.u32 s1, s0  }
0xcd: {  	s0 =	sadd.s32 $0x8F2B, s0  }
0xce: {  	[sflag:s0] =	ssyncadd.remote.s32 $0x1  }
0xcf: {  	_ =	sfence.sel $0xFFFF  }
0xd0: {  	[dreg:$0x0] =	wrdreg $0xFFFFFFFF;
	(pc) =	sbr.abs _section_cstart, $3  }
0xd1: {  	[dreg:$0x1] =	wrdreg $0xFFFFFFFF  }
0xd2: {  	_ =	task.clear_ibuf [dreg:s22], $0x2FFFF;
	_ =	strace $0x9FFFFFFF  }
0xd3: {  	(tm) =	ssettm $0x7FFFFFFF  }
tec
execute0_lowered:
.L_overlay_start_1:
0x0: {  	(tag) =	ssettag $0x1  }
0x1: {  	s1 =	rddreg [dreg:$0x0];
	s18 =	stileid.u32  }
0x2: {  	s0 =	rddreg [dreg:$0x1];
	s10 =	smul.u32 $0x280, s18  }
0x3: {  	s3 =	srdreg.scid;
	s11 =	smul.u32 $0xFFFFFFF4, s18  }
0x4: {  	s2 =	rddreg [dreg:$0x2];
	s14 =	sand.u32 $0x1, s3;
	s17 =	smul.u32 $0x600, s18  }
0x5: {  	s29 =	simm.s32 $0x800;
	s22 =	simm.s32 $0xE80;
	s7 =	smul.u32 $0x500, s14  }
0x6: {  	s23 =	simm.s32 $0x2;
	s28 =	simm.s32 $0x0;
	s9 =	smul.u32 $0xFFFFFFFA, s14  }
0x7: {  	s4 =	sshll.u32 s18, $0x1;
	s3 =	rddreg [dreg:$0x3];
	s19 =	smul.u32 $0x300, s14  }
0x8: {  	s31 =	sshll.u32 s18, $0x2;
	s21 =	sor.u32 s14, s4;
	s30 =	smul.u32 $0x6, s14  }
0x9: {  	s4 =	simm.s32 $0x0;
	s24 =	ssub.s32 $0x2, s14;
	s5 =	smul.u32 $0x60, s21  }
0xa: {  	[smem:$0x7FF] =	sst s4;
	s6 =	smul.u32 $0x300, s21;
	s25 =	sshrl.u32 s24, $0x1  }
0xb: {  	p1 =	sgt.u32 s21, $0x1A;
	s21 =	simm.s32 $0xB00;
	_ =	strace $0x8000004D  }
0xc: {  	s15 =	ssub.s32 s24, s25;
	s11 =	sadd.s32 s11, s9;
	s9 =	sadd.s32 s10, s2  }
0xd: {  	s17 =	sadd.s32 s19, s17;
	s19 =	ssub.s32 s30, s31;
	s24 =	simm.s32 $0x1  }
0xe: {  	s25 =	simm.s32 $0x80;
	s5 =	sand.u32 $0xF80, s5;
	s6 =	smin.u32 s6, $0x4E00  }
0xf: {  	s16 =	sadd.s32 $0xA2, s11;
	s14 =	smax.u32 s15, $0x1;
	s17 =	smax.u32 s17, $0x4E00  }
0x10: {  	s19 =	sshll.u32 s19, $0x7;
	s5 =	sadd.s32 s5, s1;
	s6 =	sshrl.u32 s6, $0x3  }
0x11: {  	p0 =	sgt.s32 s16, $0x1;
	s20 =	sand.u32 $0x300, s19;
	s8 =	sadd.s32 s6, s1  }
0x12: {  	s1 =	sadd.s32 s7, s1;
	s5 =	sadd.s32 $0x15800, s5;
	s16 =	simm.s32 @!p0 $0x1  }
.Ltmp0:
0x13: {  	p0 =	sne.s32 s18, $0x0;
	s6 =	sadd.s32 $0x16800, s8;
	(pc) =	sbr.rel .LBB2_1-.Ltmp0, $4  }
0x14: {  	s7 =	sadd.s32 $0x17400, s8;
	s8 =	sadd.s32 s10, s0;
	s10 =	sadd.s32 s10, s3  }
0x15: {  	s11 =	sadd.s32 $0x18000, s1;
	s12 =	sadd.s32 $0x18A00, s1;
	s13 =	sadd.s32 $0x19400, s1  }
0x16: {  	s26 =	smin.u32 s16, $0x6;
	s16 =	sadd.s32 $0xFFFFBA00, s17;
	s17 =	sadd.s32 $0xFFFFBD00, s17  }
0x17: {  	v0 =	vimm.f32 $0.0e+00;
	v1 =	vimm.f32 $1.000000000e+00;
	s15 =	sshll.u32 s26, $0x9;
	s19 =	ssub.s32 $0x0, s26;
	s26 =	simm.s32 $0xE00  }
.LBB2_6:
0x18: {  	[sflag:s24] =	ssyncadd.s32 $0xFFFFFF80;
	s29 =	simm.s32 $0x800  }
.LBB2_7:
0x19: {  	[bflag:$0x0] =	sbarrier.arrive $0xFFFF;
	s1 =	sshrl.u32 @!p0 s0, $0x3;
	s18 =	simm.s32 @!p0 $0x1C01  }
0x1a: {  	[hbm:s11], [sflag:s18] =	dma.local @!p0 [spmem:s1], $0x500  }
0x1b: {  	s1 =	sshrl.u32 @!p0 s2, $0x3  }
0x1c: {  	[hbm:s12], [sflag:s18] =	dma.local @!p0 [spmem:s1], $0x500  }
0x1d: {  	s1 =	sshrl.u32 @!p0 s3, $0x3  }
0x1e: {  	[hbm:s13], [sflag:s18] =	dma.local @!p0 [spmem:s1], $0x500  }
0x1f: {  	s1 =	simm.s32 @!p0 $0x1  }
0x20: {  	_ =	swait.ge @!p0 [sflag:s1], $0x500  }
0x21: {  	[sflag:s1] =	ssyncset.done @!p0 $0x0  }
0x22: {  	s28 =	sadd.s32 $0x1, s28;
	[sflag:s1] =	ssyncadd.s32 @!p0 $0xFFFFFB00  }
0x23: {  	p2 =	sne.s32 s28, s14;
	_ =	swait.ge @!p0 [sflag:s1], $0x500  }
.Ltmp1:
0x24: {  	[sflag:s1] =	ssyncset.done @!p0 $0x0;
	(pc) =	sbr.rel @!p2 .LBB2_8-.Ltmp1, $4  }
0x25: {  	[sflag:s1] =	ssyncadd.s32 @!p0 $0xFFFFFB00  }
0x26: {  	_ =	swait.ge @!p0 [sflag:s1], $0x500  }
0x27: {  	[sflag:s1] =	ssyncset.done @!p0 $0x0  }
0x28: {  	[sflag:s1] =	ssyncadd.s32 @!p0 $0xFFFFFB00  }
.LBB2_1:
0x29: {  	[tilespmem:s4], [sflag:$0x1] =	stream.linear.gather [hbm4b:s5+s4], $0x800, $0x38;
	[tilespmem:$0x1880] =	vst v63  }
0x2a: {  	_ = 	snop  }
0x2b: {  	[tilespmem:s29], [sflag:$0x1] =	stream.linear.gather [hbm4b:s6+s4], $0x300, $0x38;
	[tilespmem:$0x1880] =	vst v63  }
0x2c: {  	_ = 	snop  }
0x2d: {  	[tilespmem:s21], [sflag:$0x1] =	stream.linear.gather [hbm4b:s7+s4], $0x300, $0x38;
	[tilespmem:$0x1880] =	vst v63  }
0x2e: {  	[tilespmem:$0xE80] =	vst v0  }
0x2f: {  	[tilespmem:$0xE90] =	vst v0  }
0x30: {  	[tilespmem:$0xEA0] =	vst v0  }
0x31: {  	[tilespmem:$0xEB0] =	vst v0  }
0x32: {  	[tilespmem:$0xEC0] =	vst v0  }
0x33: {  	[tilespmem:$0xED0] =	vst v0  }
0x34: {  	[tilespmem:$0xEE0] =	vst v0  }
0x35: {  	[tilespmem:$0xEF0] =	vst v0  }
0x36: {  	[tilespmem:$0xF00] =	vst v0  }
0x37: {  	[tilespmem:$0xF10] =	vst v0  }
0x38: {  	[tilespmem:$0xF20] =	vst v0  }
0x39: {  	[tilespmem:$0xF30] =	vst v0  }
0x3a: {  	[tilespmem:$0xF40] =	vst v0  }
0x3b: {  	[tilespmem:$0xF50] =	vst v0  }
0x3c: {  	[tilespmem:$0xF60] =	vst v0  }
0x3d: {  	[tilespmem:$0xF70] =	vst v0  }
0x3e: {  	[tilespmem:$0xF80] =	vst v0  }
0x3f: {  	[tilespmem:$0xF90] =	vst v0  }
0x40: {  	[tilespmem:$0xFA0] =	vst v0  }
0x41: {  	[tilespmem:$0xFB0] =	vst v0  }
0x42: {  	[tilespmem:$0xFC0] =	vst v0  }
0x43: {  	[tilespmem:$0xFD0] =	vst v0  }
0x44: {  	[tilespmem:$0xFE0] =	vst v0  }
0x45: {  	[tilespmem:$0xFF0] =	vst v0  }
0x46: {  	[tilespmem:$0x1000] =	vst v0  }
0x47: {  	[tilespmem:$0x1010] =	vst v0  }
0x48: {  	[tilespmem:$0x1020] =	vst v0  }
0x49: {  	[tilespmem:$0x1030] =	vst v0  }
0x4a: {  	[tilespmem:$0x1040] =	vst v0  }
0x4b: {  	[tilespmem:$0x1050] =	vst v0  }
0x4c: {  	[tilespmem:$0x1060] =	vst v0  }
0x4d: {  	[tilespmem:$0x1070] =	vst v0  }
0x4e: {  	[tilespmem:$0x1080] =	vst v0  }
0x4f: {  	[tilespmem:$0x1090] =	vst v0  }
0x50: {  	[tilespmem:$0x10A0] =	vst v0  }
0x51: {  	[tilespmem:$0x10B0] =	vst v0  }
0x52: {  	[tilespmem:$0x10C0] =	vst v0  }
0x53: {  	[tilespmem:$0x10D0] =	vst v0  }
0x54: {  	[tilespmem:$0x10E0] =	vst v0  }
0x55: {  	[tilespmem:$0x10F0] =	vst v0  }
0x56: {  	[spmem:s8] =	stream.linear.scatter [tilespmem:s22], [sflag:$0x2], $0x280, $0x38;
	[tilespmem:$0x1880] =	vst v63  }
0x57: {  	_ =	swait.ge [sflag:s23], $0x280  }
0x58: {  	[sflag:s23] =	ssyncset.done $0x0  }
0x59: {  	[sflag:s23] =	ssyncadd.s32 $0xFFFFFD80  }
0x5a: {  	[spmem:s9] =	stream.linear.scatter [tilespmem:s22], [sflag:$0x2], $0x280, $0x38;
	[tilespmem:$0x1880] =	vst v63  }
0x5b: {  	_ =	swait.ge [sflag:s23], $0x280  }
0x5c: {  	[sflag:s23] =	ssyncset.done $0x0  }
0x5d: {  	[sflag:s23] =	ssyncadd.s32 $0xFFFFFD80  }
0x5e: {  	[spmem:s10] =	stream.linear.scatter [tilespmem:s22], [sflag:$0x2], $0x280, $0x38;
	[tilespmem:$0x1880] =	vst v63  }
0x5f: {  	_ =	swait.ge [sflag:s23], $0x280  }
0x60: {  	[sflag:s23] =	ssyncset.done $0x0  }
0x61: {  	[sflag:s23] =	ssyncadd.s32 $0xFFFFFD80  }
0x62: {  	[tilespmem:$0xE00] =	vst v1  }
0x63: {  	[tilespmem:$0xE10] =	vst v1  }
0x64: {  	[tilespmem:$0xE20] =	vst v1  }
0x65: {  	[tilespmem:$0xE30] =	vst v1  }
0x66: {  	[tilespmem:$0xE40] =	vst v1  }
0x67: {  	[tilespmem:$0xE50] =	vst v1  }
0x68: {  	[tilespmem:$0xE60] =	vst v1  }
0x69: {  	[tilespmem:$0xE70] =	vst v1  }
0x6a: {  	_ =	swait.ge [sflag:s24], $0x800  }
0x6b: {  	[sflag:s24] =	ssyncset.done $0x0  }
0x6c: {  	[sflag:s24] =	ssyncadd.s32 $0xFFFFF800  }
0x6d: {  	_ =	swait.ge [sflag:s24], $0x300  }
0x6e: {  	[sflag:s24] =	ssyncset.done $0x0  }
0x6f: {  	[sflag:s24] =	ssyncadd.s32 $0xFFFFFD00  }
.Ltmp2:
0x70: {  	_ =	swait.ge [sflag:s24], $0x300;
	(pc) =	sbr.rel @p1 .LBB2_7-.Ltmp2, $3  }
0x71: {  	[sflag:s24] =	ssyncset.done $0x0  }
0x72: {  	[sflag:s24] =	ssyncadd.s32 $0xFFFFFD00  }
0x73: {  	[bflag:$0x0] =	sbarrier.arrive $0xFFFF;
	_ =	sdelay $0x1  }
0x74: {  	p2 =	sne.s32 s15, $0x200  }
.Ltmp3:
0x75: {  	_ = 	snop;
	(pc) =	sbr.rel @!p2 .LBB2_4-.Ltmp3, $4  }
0x76: {  	[spmem:s0] =	stream.indirect.scatter.add.f32 [tilespmem:s16], [sflag:$0x1], $0x1, s20, s25, $0xb8;
	[tilespmem:$0x1880] =	vst v63  }
0x77: {  	s29 =	sadd.s32 $0xFFFFFE00, s15;
	s30 =	sadd.s32 $0x80, s16  }
0x78: {  	s31 =	sadd.s32 $0x80, s17;
	s1 =	sadd.s32 $0x80, s20;
	s18 =	smov.u32 s20  }
0x79: {  	[spmem:s2] =	stream.indirect.scatter.add.f32 [tilespmem:s17], [sflag:$0x1], $0x1, s20, s25, $0xb8;
	[tilespmem:$0x1880] =	vst v63  }
.LBB2_3:
0x7a: {  	[spmem:s3] =	stream.indirect.scatter.add.f32 [tilespmem:s26], [sflag:$0x1], $0x1, s18, s25, $0xb8;
	[tilespmem:$0x1880] =	vst v63  }
0x7b: {  	p2 =	sne.s32 s29, $0x200  }
.Ltmp4:
0x7c: {  	s29 =	sadd.s32 $0xFFFFFE00, s29;
	(pc) =	sbr.rel @p2 .LBB2_3-.Ltmp4, $4  }
0x7d: {  	[spmem:s0] =	stream.indirect.scatter.add.f32 [tilespmem:s30], [sflag:$0x1], $0x1, s1, s25, $0xb8;
	[tilespmem:$0x1880] =	vst v63  }
0x7e: {  	s18 =	smov.u32 s1  }
0x7f: {  	[spmem:s2] =	stream.indirect.scatter.add.f32 [tilespmem:s31], [sflag:$0x1], $0x1, s1, s25, $0xb8;
	[tilespmem:$0x1880] =	vst v63  }
0x80: {  	s30 =	sadd.s32 $0x80, s30;
	s31 =	sadd.s32 $0x80, s31;
	s1 =	sadd.s32 $0x80, s1  }
.LBB2_4:
0x81: {  	[spmem:s3] =	stream.indirect.scatter.add.f32 [tilespmem:s26], [sflag:$0x1], $0x1, s18, s25, $0xb8;
	[tilespmem:$0x1880] =	vst v63  }
0x82: {  	_ =	swait.ge [sflag:s24], $0x80  }
0x83: {  	s29 =	sadd.s32 $0x1, s19;
	[sflag:s24] =	ssyncset.done $0x0  }
0x84: {  	p2 =	seq.s32 s29, $0x0;
	[sflag:s24] =	ssyncadd.s32 $0xFFFFFF80  }
.Ltmp5:
0x85: {  	_ =	swait.ge [sflag:s24], $0x80;
	(pc) =	sbr.rel @p2 .LBB2_6-.Ltmp5, $4  }
0x86: {  	[sflag:s24] =	ssyncset.done $0x0  }
0x87: {  	[sflag:s24] =	ssyncadd.s32 $0xFFFFFF80  }
0x88: {  	_ =	swait.ge [sflag:s24], $0x80  }
0x89: {  	[sflag:s24] =	ssyncset.done $0x0  }
.LBB2_5:
0x8a: {  	s29 =	sadd.s32 $0x1, s29;
	[sflag:s24] =	ssyncadd.s32 $0xFFFFFF80  }
0x8b: {  	_ =	swait.ge [sflag:s24], $0x80;
	p2 =	seq.s32 s29, $0x0  }
0x8c: {  	[sflag:s24] =	ssyncset.done $0x0  }
0x8d: {  	[sflag:s24] =	ssyncadd.s32 $0xFFFFFF80  }
.Ltmp6:
0x8e: {  	_ =	swait.ge [sflag:s24], $0x80;
	(pc) =	sbr.rel @!p2 .LBB2_5-.Ltmp6, $4  }
0x8f: {  	[sflag:s24] =	ssyncset.done $0x0  }
0x90: {  	[sflag:s24] =	ssyncadd.s32 $0xFFFFFF80  }
0x91: {  	_ =	swait.ge [sflag:s24], $0x80  }
0x92: {  	[sflag:s24] =	ssyncset.done $0x0  }
.Ltmp7:
0x93: {  	_ = 	snop;
	(pc) =	sbr.rel .LBB2_6-.Ltmp7, $1  }
0x94: {  	_ =	sdelay $0x3  }
.LBB2_8:
0x95: {  	_ =	sfence.sel $0x180000  }
0x96: {  	[bflag:$0x0] =	sbarrier.arrive $0xFFFF  }
0x97: {  	_ =	strace $0x9000004D  }
0x98: {  	[bflag:$0x2] =	sbarrier.arrive $0xFFFF  }
0x99: {  	s0 =	rddreg [dreg:$0x4]  }
0x9a: {  	s0 =	sadd.s32 @!p0 $0x100000, s0  }
0x9b: {  	[sflag:s0] =	ssyncadd.tile.s32 @!p0 $0x1;
	_ =	shalt  }
.Lfunc_end2:
_tile_overlayer_lowered:
.L_overlay_start_2:
0x9c: {  	(tag) =	ssettag $0x2  }
0x9d: {  	s0 =	rddreg [dreg:$0x0];
	s2 =	stileid.u32  }
0x9e: {  	s1 =	rddreg [dreg:$0x1];
	p0 =	sne.s32 s2, $0x0  }
0x9f: {  	s3 =	rddreg [dreg:$0x2];
	[bflag:$0x3] =	sbarrier.arrive $0xFFFF;
	s2 =	simm.s32 @!p0 $0x1C02  }
0xa0: {  	[timem:s3], [sflag:s2] =	dma.local @!p0 [hbm:s0], s1  }
0xa1: {  	s0 =	simm.s32 @!p0 $0x2  }
0xa2: {  	_ =	swait.ge @!p0 [sflag:s0], s1  }
0xa3: {  	s1 =	ssub.s32 @!p0 $0x0, s1;
	[sflag:s0] =	ssyncset.done @!p0 $0x0  }
0xa4: {  	[sflag:s0] =	ssyncadd.s32 @!p0 s1  }
0xa5: {  	[bflag:$0x3] =	sbarrier.arrive $0xFFFF  }
0xa6: {  	_ =	shalt  }

// kernel: kernel.9.cloned.1.call-start
scs
__scs_entry_jumppad:
0x0: {  	(pc) =	sbr.rel $0x88, $3  }
0x1: {  	(tag) =	ssettag $0x0;
	lr =	simm.s32 $0x1  }
0x2: {  	[smem:$0x3F9D] =	sst lr;
	_ =	strace $0xD0000000  }
0x3: {  	_ = 	snop  }
0x4: {  	_ = 	snop  }
0x5: {  	_ = 	snop  }
0x6: {  	_ = 	snop  }
0x7: {  	_ = 	snop  }
__scs_overlays_trampoline_lowered:
0x8: {  	[smem:$0x3FAC] =	sst s0  }
0x9: {  	[smem:$0x3FAD] =	sst s1  }
0xa: {  	[smem:$0x3FAE] =	sst s2  }
0xb: {  	[smem:$0x3FAF] =	sst s3  }
0xc: {  	[smem:$0x3FB0] =	sst s4  }
0xd: {  	[smem:$0x3FB1] =	sst s5  }
0xe: {  	[smem:$0x3FB2] =	sst s6  }
0xf: {  	[smem:$0x3FB3] =	sst s7  }
0x10: {  	[smem:$0x3FB4] =	sst s8  }
0x11: {  	[smem:$0x3FB5] =	sst s9;
	s0 =	simm.s32 @!p0 $0x0  }
0x12: {  	s1 =	sld [smem:$0x3F9B];
	s0 =	simm.s32 @p0 $0x1  }
0x13: {  	[smem:$0x3FB6] =	sst s0;
	s0 =	simm.s32 @!p1 $0x0  }
0x14: {  	s2 =	sld [smem:$0x3F9A];
	s0 =	simm.s32 @p1 $0x1  }
0x15: {  	[smem:$0x3FB7] =	sst s0;
	s0 =	simm.s32 @!p2 $0x0  }
0x16: {  	s3 =	sld [smem:$0x3FDB];
	s0 =	simm.s32 @p2 $0x1  }
0x17: {  	s4 =	simm.s32 $0x1BF5;
	[smem:$0x3FB9] =	sst s0  }
0x18: {  	s0 =	sld [smem:$0x3F9C];
	_ =	swait.ge [sflag:s4], $0x0  }
0x19: {  	s7 =	sld [smem:$0x3F9D]  }
0x1a: {  	s8 =	sadd.s32 $0xFFFFE003, lr  }
0x1b: {  	s9 =	sadd.s32 $0xFFFFFEF7, lr;
	s5 =	simm.s32 $0xFFFFFFFF;
	p2 =	slt.u32 s8, $0xFFFFF086  }
0x1c: {  	p1 =	slt.u32 s9, $0xF7A;
	s5 =	simm.s32 @!p2 $0x0  }
0x1d: {  	s5 =	simm.s32 @p1 $0x1;
	p0 =	seq.s32 s7, s2  }
0x1e: {  	s7 =	smul.u32 @!p0 $0xF7A, s2;
	p2 =	seq.s32 @!p0 s5, $0x0  }
0x1f: {  	s9 =	smul.u32 $0xF7A, s1;
	s8 =	simm.s32 @!p0 $0x1BF5;
	p2 =	por !p2, p0  }
0x20: {  	[sflag:s8] =	ssyncset.s32 @!p0 $0xFFFFF086;
	s6 =	sadd.s32 @!p0 s3, s7;
	s7 =	simm.s32 @!p0 $0x108  }
0x21: {  	s3 =	sadd.s32 s3, s9;
	s6 =	sadd.s32 @!p0 $0x88, s6;
	s7 =	simm.s32 @p2 $0x1082  }
0x22: {  	[simem:s7], [sflag:s8] =	dma.local @!p0 [hbm:s6], $0xF7A  }
0x23: {  	s9 =	sor.u32 $0xD0000000, s2;
	s6 =	simm.s32 $0x108;
	_ =	swait.ge @!p0 [sflag:s8], $0x0  }
0x24: {  	s3 =	sadd.s32 $0x88, s3;
	s6 =	simm.s32 @!p1 $0x1082;
	[sflag:s4] =	ssyncset.s32 $0xFFFFF086  }
0x25: {  	[simem:s6], [sflag:s4] =	dma.local [hbm:s3], $0xF7A  }
0x26: {  	[smem:$0x3F9D] =	sst s1;
	(tag) =	ssettag s2;
	_ =	strace s9  }
0x27: {  	s1 =	sld [smem:$0x3FAD]  }
0x28: {  	s2 =	sld [smem:$0x3FAE]  }
0x29: {  	s4 =	sld [smem:$0x3FB0]  }
0x2a: {  	p0 =	seq.s32 s5, $0x0;
	s5 =	sld [smem:$0x3FB1]  }
0x2b: {  	s6 =	sld [smem:$0x3FB2]  }
0x2c: {  	s7 =	sld [smem:$0x3FB3]  }
0x2d: {  	s3 =	simm.s32 $0x108;
	s8 =	sld [smem:$0x3FB4]  }
0x2e: {  	s3 =	simm.s32 @!p0 $0x1082;
	s9 =	sld [smem:$0x3FB5]  }
0x2f: {  	lr =	sadd.s32 s0, s3;
	s0 =	sld [smem:$0x3FAC]  }
0x30: {  	s3 =	sld [smem:$0x3FAF]  }
0x31: {  	[smem:$0x3FB8] =	sst s10  }
0x32: {  	s10 =	sld [smem:$0x3FB6];
	_ =	sdelay $0x3  }
0x33: {  	p0 =	seq.s32 s10, $0x1;
	s10 =	sld [smem:$0x3FB8];
	_ =	sdelay $0x3  }
0x34: {  	[smem:$0x3FB8] =	sst s10  }
0x35: {  	s10 =	sld [smem:$0x3FB7];
	_ =	sdelay $0x3  }
0x36: {  	p1 =	seq.s32 s10, $0x1;
	s10 =	sld [smem:$0x3FB8];
	_ =	sdelay $0x3  }
0x37: {  	[smem:$0x3FB8] =	sst s10  }
0x38: {  	s10 =	sld [smem:$0x3FB9]  }
0x39: {  	_ = 	snop;
	(pc) =	sbr.ind lr, $3  }
0x3a: {  	_ = 	snop  }
0x3b: {  	_ = 	snop  }
0x3c: {  	p2 =	seq.s32 s10, $0x1;
	s10 =	sld [smem:$0x3FB8]  }
0x3d: {  	_ =	shalt  }
0x3e: {  	_ =	shalt  }
0x3f: {  	_ =	shalt  }
0x40: {  	_ =	shalt  }
0x41: {  	_ =	shalt  }
0x42: {  	_ =	shalt  }
0x43: {  	_ =	shalt  }
0x44: {  	_ =	shalt  }
0x45: {  	_ =	shalt  }
0x46: {  	_ =	shalt  }
0x47: {  	_ =	shalt  }
0x48: {  	_ =	shalt  }
0x49: {  	_ =	shalt  }
0x4a: {  	_ =	shalt  }
0x4b: {  	_ =	shalt  }
0x4c: {  	_ =	shalt  }
0x4d: {  	_ =	shalt  }
0x4e: {  	_ =	shalt  }
0x4f: {  	_ =	shalt  }
0x50: {  	_ =	shalt  }
0x51: {  	_ =	shalt  }
0x52: {  	_ =	shalt  }
0x53: {  	_ =	shalt  }
0x54: {  	_ =	shalt  }
0x55: {  	_ =	shalt  }
0x56: {  	_ =	shalt  }
0x57: {  	_ =	shalt  }
0x58: {  	_ =	shalt  }
0x59: {  	_ =	shalt  }
0x5a: {  	_ =	shalt  }
0x5b: {  	_ =	shalt  }
0x5c: {  	_ =	shalt  }
0x5d: {  	_ =	shalt  }
0x5e: {  	_ =	shalt  }
0x5f: {  	_ =	shalt  }
0x60: {  	_ =	shalt  }
0x61: {  	_ =	shalt  }
0x62: {  	_ =	shalt  }
0x63: {  	_ =	shalt  }
0x64: {  	_ =	shalt  }
0x65: {  	_ =	shalt  }
0x66: {  	_ =	shalt  }
0x67: {  	_ =	shalt  }
0x68: {  	_ =	shalt  }
0x69: {  	_ =	shalt  }
0x6a: {  	_ =	shalt  }
0x6b: {  	_ =	shalt  }
0x6c: {  	_ =	shalt  }
0x6d: {  	_ =	shalt  }
0x6e: {  	_ =	shalt  }
0x6f: {  	_ =	shalt  }
0x70: {  	_ =	shalt  }
0x71: {  	_ =	shalt  }
0x72: {  	_ =	shalt  }
0x73: {  	_ =	shalt  }
0x74: {  	_ =	shalt  }
0x75: {  	_ =	shalt  }
0x76: {  	_ =	shalt  }
0x77: {  	_ =	shalt  }
0x78: {  	_ =	shalt  }
0x79: {  	_ =	shalt  }
0x7a: {  	_ =	shalt  }
0x7b: {  	_ =	shalt  }
0x7c: {  	_ =	shalt  }
0x7d: {  	_ =	shalt  }
0x7e: {  	_ =	shalt  }
0x7f: {  	_ =	shalt  }
0x80: {  	_ =	shalt  }
0x81: {  	_ =	shalt  }
0x82: {  	_ =	shalt  }
0x83: {  	_ =	shalt  }
0x84: {  	_ =	shalt  }
0x85: {  	_ =	shalt  }
0x86: {  	_ =	shalt  }
0x87: {  	_ =	shalt  }
.Lfunc_end0:
.L_simem_size_0:
called_computation_lowered:
.L_overlay_start_0:
0x88: {  	s2 =	sld [smem:$0x3FD9]  }
0x89: {  	s3 =	sld [smem:$0x3FFE];
	_ =	sdelay $0x1  }
0x8a: {  	s1 =	srdreg.scid  }
0x8b: {  	s0 =	sand.u32 $0x1, s1  }
0x8c: {  	s16 =	sshll.u32 s0, $0xA;
	s2 =	sadd.s32 s3, s2  }
0x8d: {  	s2 =	sadd.s32 s2, s16  }
0x8e: {  	[smem:$0x3FC4] =	sst s2  }
0x8f: {  	_ = 	snop  }
0x90: {  	(tm) =	ssettm $0x1  }
0x91: {  	s17 =	sld [smem:$0x3FFB];
	_ =	sdelay $0x3  }
0x92: {  	_ =	strace s17  }
0x93: {  	s2 =	sld [smem:$0x3FFC];
	_ =	sdelay $0x3  }
0x94: {  	_ =	strace s2  }
0x95: {  	s2 =	sld [smem:$0x3FFD];
	_ =	sdelay $0x3  }
0x96: {  	_ =	strace s2  }
0x97: {  	_ =	strace $0x8FFFFFFF  }
0x98: {  	s18 =	sld [smem:$0x3FDB];
	_ =	sdelay $0x1  }
0x99: {  	s19 =	simm.s32 $_scs_section_size  }
0x9a: {  	s4 =	simm.s32 $_size__tile_overlayer_lowered;
	s5 =	simm.s32 $_tile_overlayer_lowered  }
0x9b: {  	s22 =	simm.s32 $0x1BFF;
	s21 =	sshll.u32 s5, $0x1;
	s2 =	sadd.s32 s19, s18  }
0x9c: {  	s6 =	simm.s32 $0x0;
	s20 =	sshll.u32 s4, $0x1;
	s4 =	sadd.s32 s21, s2  }
0x9d: {  	[timem:s6], [sflag:s22] =	dma.local [hbm:s4], s20  }
0x9e: {  	_ =	swait.ge [sflag:s22], s20  }
0x9f: {  	s3 =	ssub.s32 $0x0, s20;
	[sflag:s22] =	ssyncset.done $0x0  }
0xa0: {  	[sflag:s22] =	ssyncadd.s32 s3;
	_ =	sdelay $0x1  }
0xa1: {  	s23 =	simm.s32 $0x1B8B  }
0xa2: {  	_ =	swait.ge [sflag:s23], $0x1  }
0xa3: {  	[sflag:s23] =	ssyncset.done $0x0  }
0xa4: {  	s25 =	simm.s32 $0x1B8E;
	s24 =	sld [smem:$0x3FFE];
	[sflag:s23] =	ssyncadd.s32 $0xFFFFFFFF  }
0xa5: {  	s26 =	simm.s32 $execute0_lowered;
	[smem:$0x3FD2] =	sst s25  }
0xa6: {  	s4 =	sshll.u32 s26, $0x1;
	_ =	strace $0x80000046;
	[dreg:$0x1] =	wrdreg $0xFFFFFFFF  }
0xa7: {  	s28 =	simm.s32 $_size_execute0_lowered;
	s2 =	sadd.s32 s2, s4;
	[dreg:$0x0] =	wrdreg $0x0  }
0xa8: {  	s4 =	sshll.u32 s28, $0x1;
	[dreg:$0x2] =	wrdreg s2  }
0xa9: {  	[dreg:$0x3] =	wrdreg s4  }
0xaa: {  	[dreg:$0x4] =	wrdreg $0xC0  }
0xab: {  	_ =	task [dreg:s6], $0x5FFFF  }
0xac: {  	[dreg:$0x1] =	wrdreg $0xFFFFFFFF  }
0xad: {  	[dreg:$0x0] =	wrdreg $0x60  }
0xae: {  	[dreg:$0x2] =	wrdreg s24  }
0xaf: {  	[dreg:$0x3] =	wrdreg $0x29000  }
0xb0: {  	[dreg:$0x4] =	wrdreg $0x2B800  }
0xb1: {  	[dreg:$0x5] =	wrdreg $0x2E000  }
0xb2: {  	[dreg:$0x6] =	wrdreg $0x9  }
0xb3: {  	_ =	task.clear_ibuf [dreg:s6], $0x7FFFF;
	_ =	strace $0x90000046  }
0xb4: {  	s29 =	simm.s32 $0x9;
	_ =	strace $0x80000048  }
0xb5: {  	_ =	swait.ge [sflag:s29], $0x1  }
0xb6: {  	[sflag:s29] =	ssyncadd.s32 $0xFFFFFFFF  }
0xb7: {  	_ =	strace $0x90000048  }
0xb8: {  	_ =	sfence  }
0xb9: {  	s30 =	sld [smem:$0x0];
	_ =	sdelay $0x2  }
0xba: {  	s31 =	sshll.u32 s1, $0xD;
	s1 =	sshrl.u32 s1, $0x2  }
0xbb: {  	s3 =	sand.u32 $0x4000, s31;
	s1 =	sadd.s32 s1, s30  }
0xbc: {  	s0 =	sor.u32 s3, s0;
	s1 =	sshll.u32 s1, $0x11  }
0xbd: {  	s0 =	sor.u32 s1, s0  }
0xbe: {  	s0 =	sadd.s32 $0x8F2B, s0  }
0xbf: {  	[sflag:s0] =	ssyncadd.remote.s32 $0x1  }
0xc0: {  	_ =	sfence.sel $0xFFFF  }
0xc1: {  	[dreg:$0x0] =	wrdreg $0xFFFFFFFF;
	(pc) =	sbr.abs _section_cstart, $3  }
0xc2: {  	[dreg:$0x1] =	wrdreg $0xFFFFFFFF  }
0xc3: {  	_ =	task.clear_ibuf [dreg:s6], $0x2FFFF;
	_ =	strace $0x9FFFFFFF  }
0xc4: {  	(tm) =	ssettm $0x7FFFFFFF  }
0xc5: {  	_ =	shalt  }
tec
execute0_lowered:
.L_overlay_start_1:
0x0: {  	(tag) =	ssettag $0x1  }
0x1: {  	s5 =	rddreg [dreg:$0x0]  }
0x2: {  	s0 =	rddreg [dreg:$0x1]  }
0x3: {  	s1 =	rddreg [dreg:$0x2]  }
0x4: {  	s2 =	srdreg.scid;
	s23 =	stileid.u32  }
0x5: {  	s3 =	rddreg [dreg:$0x3];
	s4 =	simm.s32 $0x0;
	s16 =	simm.s32 $0x1000  }
0x6: {  	s17 =	simm.s32 $0x1B00;
	s18 =	simm.s32 $0x2680;
	s19 =	simm.s32 $0x2  }
0x7: {  	s20 =	simm.s32 $0x1;
	s21 =	simm.s32 $0x80;
	s22 =	simm.s32 $0x2600  }
0x8: {  	s7 =	sand.u32 $0x1, s2;
	s6 =	sshll.u32 s23, $0x1;
	s2 =	rddreg [dreg:$0x4]  }
0x9: {  	[smem:$0x7FF] =	sst s4;
	s30 =	smul.u32 $0x280, s23;
	s31 =	sshll.u32 s23, $0x2  }
0xa: {  	p0 =	sne.s32 s23, $0x0;
	s23 =	simm.s32 $0x0;
	s9 =	smul.u32 $0x500, s7  }
0xb: {  	s6 =	sor.u32 s7, s6;
	s10 =	ssub.s32 $0x2, s7;
	s12 =	smul.u32 $0x6, s7  }
0xc: {  	_ =	strace $0x80000047;
	s6 =	smul.u32 $0x160, s6;
	s29 =	sshrl.u32 s10, $0x1  }
0xd: {  	s13 =	sadd.s32 s9, s5;
	s14 =	ssub.s32 s10, s29;
	s9 =	sadd.s32 s30, s1  }
0xe: {  	s10 =	sadd.s32 s30, s3;
	s15 =	ssub.s32 s12, s31;
	s8 =	sand.u32 $0x3F80, s6  }
0xf: {  	s11 =	sadd.s32 s6, s5;
	s12 =	sadd.s32 $0xDA00, s13;
	s15 =	sshll.u32 s15, $0x7  }
0x10: {  	s14 =	smax.u32 s14, $0x1;
	s8 =	sadd.s32 s8, s5;
	s6 =	sadd.s32 $0x7800, s11  }
0x11: {  	s7 =	sadd.s32 $0xA400, s11;
	s11 =	sadd.s32 $0xD000, s13;
	s13 =	sadd.s32 $0xE400, s13  }
0x12: {  	v0 =	vimm.f32 $0.0e+00;
	v1 =	vimm.f32 $1.000000000e+00;
	s15 =	sand.u32 $0x300, s15;
	s5 =	sadd.s32 $0x4800, s8;
	s8 =	sadd.s32 s30, s0  }
.LBB2_1:
0x13: {  	[tilespmem:s4], [sflag:$0x1] =	stream.linear.gather [hbm4b:s5+s4], $0x1000, $0x38;
	[tilespmem:$0x3080] =	vst v63  }
0x14: {  	_ = 	snop  }
0x15: {  	[tilespmem:s16], [sflag:$0x1] =	stream.linear.gather [hbm4b:s6+s4], $0xB00, $0x38;
	[tilespmem:$0x3080] =	vst v63  }
0x16: {  	_ = 	snop  }
0x17: {  	[tilespmem:s17], [sflag:$0x1] =	stream.linear.gather [hbm4b:s7+s4], $0xB00, $0x38;
	[tilespmem:$0x3080] =	vst v63  }
0x18: {  	[tilespmem:$0x2680] =	vst v0  }
0x19: {  	[tilespmem:$0x2690] =	vst v0  }
0x1a: {  	[tilespmem:$0x26A0] =	vst v0  }
0x1b: {  	[tilespmem:$0x26B0] =	vst v0  }
0x1c: {  	[tilespmem:$0x26C0] =	vst v0  }
0x1d: {  	[tilespmem:$0x26D0] =	vst v0  }
0x1e: {  	[tilespmem:$0x26E0] =	vst v0  }
0x1f: {  	[tilespmem:$0x26F0] =	vst v0  }
0x20: {  	[tilespmem:$0x2700] =	vst v0  }
0x21: {  	[tilespmem:$0x2710] =	vst v0  }
0x22: {  	[tilespmem:$0x2720] =	vst v0  }
0x23: {  	[tilespmem:$0x2730] =	vst v0  }
0x24: {  	[tilespmem:$0x2740] =	vst v0  }
0x25: {  	[tilespmem:$0x2750] =	vst v0  }
0x26: {  	[tilespmem:$0x2760] =	vst v0  }
0x27: {  	[tilespmem:$0x2770] =	vst v0  }
0x28: {  	[tilespmem:$0x2780] =	vst v0  }
0x29: {  	[tilespmem:$0x2790] =	vst v0  }
0x2a: {  	[tilespmem:$0x27A0] =	vst v0  }
0x2b: {  	[tilespmem:$0x27B0] =	vst v0  }
0x2c: {  	[tilespmem:$0x27C0] =	vst v0  }
0x2d: {  	[tilespmem:$0x27D0] =	vst v0  }
0x2e: {  	[tilespmem:$0x27E0] =	vst v0  }
0x2f: {  	[tilespmem:$0x27F0] =	vst v0  }
0x30: {  	[tilespmem:$0x2800] =	vst v0  }
0x31: {  	[tilespmem:$0x2810] =	vst v0  }
0x32: {  	[tilespmem:$0x2820] =	vst v0  }
0x33: {  	[tilespmem:$0x2830] =	vst v0  }
0x34: {  	[tilespmem:$0x2840] =	vst v0  }
0x35: {  	[tilespmem:$0x2850] =	vst v0  }
0x36: {  	[tilespmem:$0x2860] =	vst v0  }
0x37: {  	[tilespmem:$0x2870] =	vst v0  }
0x38: {  	[tilespmem:$0x2880] =	vst v0  }
0x39: {  	[tilespmem:$0x2890] =	vst v0  }
0x3a: {  	[tilespmem:$0x28A0] =	vst v0  }
0x3b: {  	[tilespmem:$0x28B0] =	vst v0  }
0x3c: {  	[tilespmem:$0x28C0] =	vst v0  }
0x3d: {  	[tilespmem:$0x28D0] =	vst v0  }
0x3e: {  	[tilespmem:$0x28E0] =	vst v0  }
0x3f: {  	[tilespmem:$0x28F0] =	vst v0  }
0x40: {  	[spmem:s8] =	stream.linear.scatter [tilespmem:s18], [sflag:$0x2], $0x280, $0x38;
	[tilespmem:$0x3080] =	vst v63  }
0x41: {  	_ =	swait.ge [sflag:s19], $0x280  }
0x42: {  	[sflag:s19] =	ssyncset.done $0x0  }
0x43: {  	[sflag:s19] =	ssyncadd.s32 $0xFFFFFD80  }
0x44: {  	[spmem:s9] =	stream.linear.scatter [tilespmem:s18], [sflag:$0x2], $0x280, $0x38;
	[tilespmem:$0x3080] =	vst v63  }
0x45: {  	_ =	swait.ge [sflag:s19], $0x280  }
0x46: {  	[sflag:s19] =	ssyncset.done $0x0  }
0x47: {  	[sflag:s19] =	ssyncadd.s32 $0xFFFFFD80  }
0x48: {  	[spmem:s10] =	stream.linear.scatter [tilespmem:s18], [sflag:$0x2], $0x280, $0x38;
	[tilespmem:$0x3080] =	vst v63  }
0x49: {  	_ =	swait.ge [sflag:s19], $0x280  }
0x4a: {  	[sflag:s19] =	ssyncset.done $0x0  }
0x4b: {  	[sflag:s19] =	ssyncadd.s32 $0xFFFFFD80  }
0x4c: {  	[tilespmem:$0x2600] =	vst v1  }
0x4d: {  	[tilespmem:$0x2610] =	vst v1  }
0x4e: {  	[tilespmem:$0x2620] =	vst v1  }
0x4f: {  	[tilespmem:$0x2630] =	vst v1  }
0x50: {  	[tilespmem:$0x2640] =	vst v1  }
0x51: {  	[tilespmem:$0x2650] =	vst v1  }
0x52: {  	[tilespmem:$0x2660] =	vst v1  }
0x53: {  	[tilespmem:$0x2670] =	vst v1  }
0x54: {  	_ =	swait.ge [sflag:s20], $0x1000  }
0x55: {  	[sflag:s20] =	ssyncset.done $0x0  }
0x56: {  	[sflag:s20] =	ssyncadd.s32 $0xFFFFF000  }
0x57: {  	_ =	swait.ge [sflag:s20], $0xB00  }
0x58: {  	[sflag:s20] =	ssyncset.done $0x0  }
0x59: {  	[sflag:s20] =	ssyncadd.s32 $0xFFFFF500  }
0x5a: {  	_ =	swait.ge [sflag:s20], $0xB00  }
0x5b: {  	[sflag:s20] =	ssyncset.done $0x0  }
0x5c: {  	[sflag:s20] =	ssyncadd.s32 $0xFFFFF500  }
0x5d: {  	s25 =	simm.s32 $0x1000;
	s24 =	sadd.s32 $0x0, s15;
	[bflag:$0x0] =	sbarrier.arrive $0xFFFF  }
0x5e: {  	[spmem:s0] =	stream.indirect.scatter.add.f32 [tilespmem:s25], [sflag:$0x1], $0x1, s24, s21, $0xb8;
	[tilespmem:$0x3080] =	vst v63  }
0x5f: {  	s26 =	simm.s32 $0x200;
	s25 =	simm.s32 $0x0  }
.LBB2_2:
0x60: {  	s28 =	sadd.s32 $0x1B00, s25;
	s25 =	sshra.s32 s26, $0x2;
	p1 =	sne.s32 s26, $0x2A00  }
0x61: {  	[spmem:s1] =	stream.indirect.scatter.add.f32 [tilespmem:s28], [sflag:$0x1], $0x1, s24, s21, $0xb8;
	[tilespmem:$0x3080] =	vst v63  }
.Ltmp0:
0x62: {  	_ = 	snop;
	(pc) =	sbr.rel @p1 .LBB2_2-.Ltmp0, $4  }
0x63: {  	s28 =	sadd.s32 $0x1000, s25  }
0x64: {  	[spmem:s3] =	stream.indirect.scatter.add.f32 [tilespmem:s22], [sflag:$0x1], $0x1, s24, s21, $0xb8;
	[tilespmem:$0x3080] =	vst v63  }
0x65: {  	s26 =	sadd.s32 $0x200, s26;
	s24 =	sadd.s32 s25, s15  }
0x66: {  	[spmem:s0] =	stream.indirect.scatter.add.f32 [tilespmem:s28], [sflag:$0x1], $0x1, s24, s21, $0xb8;
	[tilespmem:$0x3080] =	vst v63  }
0x67: {  	s25 =	sadd.s32 $0x1B00, s25  }
0x68: {  	[spmem:s1] =	stream.indirect.scatter.add.f32 [tilespmem:s25], [sflag:$0x1], $0x1, s24, s21, $0xb8;
	[tilespmem:$0x3080] =	vst v63  }
0x69: {  	_ = 	snop  }
0x6a: {  	[spmem:s3] =	stream.indirect.scatter.add.f32 [tilespmem:s22], [sflag:$0x1], $0x1, s24, s21, $0xb8;
	[tilespmem:$0x3080] =	vst v63  }
0x6b: {  	_ =	swait.ge [sflag:s20], $0x80  }
0x6c: {  	[sflag:s20] =	ssyncset.done $0x0  }
0x6d: {  	[sflag:s20] =	ssyncadd.s32 $0xFFFFFF80  }
0x6e: {  	_ =	swait.ge [sflag:s20], $0x80  }
0x6f: {  	[sflag:s20] =	ssyncset.done $0x0  }
0x70: {  	[sflag:s20] =	ssyncadd.s32 $0xFFFFFF80  }
0x71: {  	_ =	swait.ge [sflag:s20], $0x80  }
0x72: {  	s24 =	simm.s32 $0x15;
	[sflag:s20] =	ssyncset.done $0x0  }
.LBB2_4:
0x73: {  	p1 =	sne.s32 s24, $0x1;
	s24 =	sadd.s32 $0xFFFFFFFF, s24;
	[sflag:s20] =	ssyncadd.s32 $0xFFFFFF80  }
0x74: {  	_ =	swait.ge [sflag:s20], $0x80  }
0x75: {  	[sflag:s20] =	ssyncset.done $0x0  }
0x76: {  	[sflag:s20] =	ssyncadd.s32 $0xFFFFFF80  }
.Ltmp1:
0x77: {  	_ =	swait.ge [sflag:s20], $0x80;
	(pc) =	sbr.rel @p1 .LBB2_4-.Ltmp1, $4  }
0x78: {  	[sflag:s20] =	ssyncset.done $0x0  }
0x79: {  	[sflag:s20] =	ssyncadd.s32 $0xFFFFFF80  }
0x7a: {  	_ =	swait.ge [sflag:s20], $0x80  }
0x7b: {  	[sflag:s20] =	ssyncset.done $0x0  }
0x7c: {  	[sflag:s20] =	ssyncadd.s32 $0xFFFFFF80  }
0x7d: {  	s24 =	sshrl.u32 @!p0 s0, $0x3;
	s25 =	simm.s32 @!p0 $0x1C01;
	[bflag:$0x0] =	sbarrier.arrive $0xFFFF  }
0x7e: {  	[hbm:s11], [sflag:s25] =	dma.local @!p0 [spmem:s24], $0x500  }
0x7f: {  	s24 =	sshrl.u32 @!p0 s1, $0x3  }
0x80: {  	[hbm:s12], [sflag:s25] =	dma.local @!p0 [spmem:s24], $0x500  }
0x81: {  	s24 =	sshrl.u32 @!p0 s3, $0x3  }
0x82: {  	[hbm:s13], [sflag:s25] =	dma.local @!p0 [spmem:s24], $0x500  }
0x83: {  	s24 =	simm.s32 @!p0 $0x1  }
0x84: {  	_ =	swait.ge @!p0 [sflag:s24], $0x500  }
0x85: {  	[sflag:s24] =	ssyncset.done @!p0 $0x0  }
0x86: {  	s23 =	sadd.s32 $0x1, s23;
	[sflag:s24] =	ssyncadd.s32 @!p0 $0xFFFFFB00  }
0x87: {  	p1 =	sne.s32 s23, s14;
	_ =	swait.ge @!p0 [sflag:s24], $0x500  }
.Ltmp2:
0x88: {  	[sflag:s24] =	ssyncset.done @!p0 $0x0;
	(pc) =	sbr.rel @p1 .LBB2_1-.Ltmp2, $4  }
0x89: {  	[sflag:s24] =	ssyncadd.s32 @!p0 $0xFFFFFB00  }
0x8a: {  	_ =	swait.ge @!p0 [sflag:s24], $0x500  }
0x8b: {  	[sflag:s24] =	ssyncset.done @!p0 $0x0  }
0x8c: {  	[sflag:s24] =	ssyncadd.s32 @!p0 $0xFFFFFB00  }
0x8d: {  	_ =	sfence.sel $0x180000  }
0x8e: {  	[bflag:$0x0] =	sbarrier.arrive $0xFFFF  }
0x8f: {  	_ =	strace $0x90000047  }
0x90: {  	s0 =	sadd.s32 @!p0 $0x100000, s2;
	[bflag:$0x2] =	sbarrier.arrive $0xFFFF  }
0x91: {  	[sflag:s0] =	ssyncadd.tile.s32 @!p0 $0x1;
	_ =	shalt  }
.Lfunc_end2:
_tile_overlayer_lowered:
.L_overlay_start_2:
0x92: {  	(tag) =	ssettag $0x2  }
0x93: {  	s0 =	rddreg [dreg:$0x0];
	s2 =	stileid.u32  }
0x94: {  	s1 =	rddreg [dreg:$0x1];
	p0 =	sne.s32 s2, $0x0  }
0x95: {  	s3 =	rddreg [dreg:$0x2];
	[bflag:$0x3] =	sbarrier.arrive $0xFFFF;
	s2 =	simm.s32 @!p0 $0x1C02  }
0x96: {  	[timem:s3], [sflag:s2] =	dma.local @!p0 [hbm:s0], s1  }
0x97: {  	s0 =	simm.s32 @!p0 $0x2  }
0x98: {  	_ =	swait.ge @!p0 [sflag:s0], s1  }
0x99: {  	s1 =	ssub.s32 @!p0 $0x0, s1;
	[sflag:s0] =	ssyncset.done @!p0 $0x0  }
0x9a: {  	[sflag:s0] =	ssyncadd.s32 @!p0 s1  }
0x9b: {  	[bflag:$0x3] =	sbarrier.arrive $0xFFFF  }
0x9c: {  	_ =	shalt  }

</sc_bundles>
